<compile_context>
chip_gen: v7x
topology: tpu7x:2x2x1
jax: 0.10.2.dev20260603
libtpu: 0.0.44.dev20260713+nightly
codegen_flags: <defaults>
</compile_context>

<pallas_src>
import functools

import jax
import jax.numpy as jnp
from jax import lax
from jax.experimental import pallas as pl
from jax.experimental.pallas import tpu as pltpu
from jax.experimental.pallas import tpu_sc as plsc

_TOKENS = 16384
_D = 2048
_E = 64
_K = 8
_BT = 1024

_NC = 2
_NS = 16
_NW = _NC * _NS
_L = 16



def _logits_body(x_ref, w_ref, b_ref, logits_ref, imp_ref):
    i = pl.program_id(0)
    logits = jnp.dot(x_ref[...], w_ref[...], preferred_element_type=jnp.float32)
    logits = logits + b_ref[...]
    logits_ref[:, 0:_E] = logits
    m = jnp.max(logits, axis=1, keepdims=True)
    e = jnp.exp(logits - m)
    p = e / jnp.sum(e, axis=1, keepdims=True)

    @pl.when(i == 0)
    def _():
        imp_ref[...] = jnp.zeros_like(imp_ref)

    imp_ref[...] += jnp.sum(p, axis=0, keepdims=True)


def _compute_logits(x, w, b, start, ntok):
    steps = ntok // _BT
    s0 = start // _BT
    return pl.pallas_call(
        _logits_body,
        grid=(steps,),
        in_specs=[
            pl.BlockSpec((_BT, _D), lambda i, s0=s0: (s0 + i, 0)),
            pl.BlockSpec((_D, _E), lambda i: (0, 0)),
            pl.BlockSpec((1, _E), lambda i: (0, 0)),
        ],
        out_specs=[
            pl.BlockSpec((_BT, 128), lambda i: (i, 0)),
            pl.BlockSpec((1, _E), lambda i: (0, 0)),
        ],
        out_shape=[
            jax.ShapeDtypeStruct((ntok, 128), jnp.float32),
            jax.ShapeDtypeStruct((1, _E), jnp.float32),
        ],
        name=f"gate_logits_s{s0}",
    )(x, w, b.reshape(1, _E))



def _merge_top16(ka, va, kb, vb):
    krb = lax.rev(kb, (0,))
    vrb = lax.rev(vb, (0,))
    take_a = ka >= krb
    return jnp.where(take_a, ka, krb), jnp.where(take_a, va, vrb)


def _route_body(tpw, logits_hbm, gates_hbm, idx_hbm, load_hbm,
                lbuf, gbuf, ibuf, loadv):
    wid = lax.axis_index("s") * _NC + lax.axis_index("c")
    base = wid * tpw
    pltpu.sync_copy(logits_hbm.at[pl.ds(base, tpw), pl.ds(0, _E)], lbuf)

    lane = lax.iota(jnp.int32, _L)
    mask8 = lane < _K
    ones = jnp.ones((_L,), jnp.float32)
    zeros_i = jnp.zeros((_L,), jnp.int32)
    for j in range(8):
        loadv[0, pl.ds(j * _L, _L)] = jnp.zeros((_L,), jnp.float32)

    @plsc.parallel_loop(0, tpw, 1, unroll=4)
    def _loop(t):
        ks, vs = [], []
        for j in range(4):
            kj, vj = plsc.sort_key_val(
                lbuf[t, pl.ds(j * _L, _L)], lane + j * _L, descending=True)
            ks.append(kj)
            vs.append(vj)
        k01, v01 = _merge_top16(ks[0], vs[0], ks[1], vs[1])
        k01, v01 = plsc.sort_key_val(k01, v01, descending=True)
        k23, v23 = _merge_top16(ks[2], vs[2], ks[3], vs[3])
        k23, v23 = plsc.sort_key_val(k23, v23, descending=True)
        kf, vf = _merge_top16(k01, v01, k23, v23)
        kf, vf = plsc.sort_key_val(kf, vf, descending=True)

        m = jnp.max(kf)
        e = jnp.where(mask8, jnp.exp(kf - m), 0.0)
        g = e / jnp.sum(e)
        plsc.store_compressed(gbuf.at[pl.ds(t * _K, _L)], g, mask=mask8)
        plsc.store_compressed(ibuf.at[pl.ds(t * _K, _L)], vf, mask=mask8)
        plsc.addupdate_scatter(loadv, [zeros_i, vf], ones, mask=mask8)

    pltpu.sync_copy(gbuf.at[pl.ds(0, tpw * _K)],
                    gates_hbm.at[pl.ds(base * _K, tpw * _K)])
    pltpu.sync_copy(ibuf.at[pl.ds(0, tpw * _K)],
                    idx_hbm.at[pl.ds(base * _K, tpw * _K)])
    pltpu.sync_copy(loadv, load_hbm.at[pl.ds(wid, 1)])


@functools.lru_cache(maxsize=None)
def _make_route(tokens):
    tpw = tokens // _NW
    mesh = plsc.VectorSubcoreMesh(
        core_axis_name="c", subcore_axis_name="s",
        num_cores=_NC, num_subcores=_NS)
    return pl.kernel(
        functools.partial(_route_body, tpw),
        out_type=[
            jax.ShapeDtypeStruct((tokens * _K,), jnp.float32),
            jax.ShapeDtypeStruct((tokens * _K,), jnp.int32),
            jax.ShapeDtypeStruct((_NW, 128), jnp.float32),
        ],
        mesh=mesh,
        scratch_types=[
            pltpu.VMEM((tpw, _E), jnp.float32),
            pltpu.VMEM((tpw * _K + _L,), jnp.float32),
            pltpu.VMEM((tpw * _K + _L,), jnp.int32),
            pltpu.VMEM((1, 128), jnp.float32),
        ],
        compiler_params=pltpu.CompilerParams(
            needs_layout_passes=False, use_tc_tiling_on_sc=False),
    )



def _aux_body(*refs):
    n = (len(refs) - 1) // 2
    imp_refs = refs[:n]
    load_refs = refs[n:2 * n]
    o_ref = refs[2 * n]
    imp = imp_refs[0][...]
    for r in imp_refs[1:]:
        imp = imp + r[...]
    load = jnp.sum(load_refs[0][:, 0:_E], axis=0, keepdims=True)
    for r in load_refs[1:]:
        load = load + jnp.sum(r[:, 0:_E], axis=0, keepdims=True)
    o_ref[...] = jnp.sum(imp * load, axis=(0, 1), keepdims=True) * float(_E)


def _aux_finish(imps, loads):
    return pl.pallas_call(
        _aux_body,
        out_shape=jax.ShapeDtypeStruct((1, 1), jnp.float32),
        name="aux_finish",
    )(*imps, *loads)



_CHUNKS = (8192, 8192)


def kernel(x, W_gate, b_gate):
    imps, loads, gates, idxs = [], [], [], []
    start = 0
    for ntok in _CHUNKS:
        logits_c, imp_c = _compute_logits(x, W_gate, b_gate, start, ntok)
        g_c, i_c, load_c = _make_route(ntok)(logits_c)
        imps.append(imp_c)
        loads.append(load_c)
        gates.append(g_c)
        idxs.append(i_c)
        start += ntok
    aux = _aux_finish(imps, loads)
    return (jnp.concatenate(gates).reshape(_TOKENS, _K),
            jnp.concatenate(idxs).reshape(_TOKENS, _K),
            aux.reshape(()))

# --- scband reference (transcript-rebuilt; emitter-appended) ---
"""Pipeline reference for scband-top-krouter-82231443849387 (READ-ONLY COPY).

The authoritative reference and input builder live on the scoring server;
editing this copy changes nothing except your own understanding.
"""

import jax, jax.numpy as jnp
import numpy as np

TOKENS = 16384
D_MODEL = 2048
NUM_EXPERTS = 64
TOP_K = 8


def setup_inputs(seed: int = 0) -> dict:
    key = jax.random.key(seed)
    kx, kw, kb = jax.random.split(key, 3)
    x = jax.random.normal(kx, (TOKENS, D_MODEL), dtype=jnp.float32)
    # nn.Linear(input_dim, num_experts): weight [E, D], bias [E]; we store transposed for x @ W
    W_gate = jax.random.normal(kw, (D_MODEL, NUM_EXPERTS), dtype=jnp.float32) * (1.0 / np.sqrt(D_MODEL))
    b_gate = jax.random.normal(kb, (NUM_EXPERTS,), dtype=jnp.float32) * 0.01
    return {"x": x, "W_gate": W_gate, "b_gate": b_gate}


def reference(x, W_gate, b_gate):
    # noisy=False (or eval mode): clean logits path only
    clean_logits = x @ W_gate + b_gate
    logits = clean_logits
    probs = jax.nn.softmax(logits, axis=1)
    top_k_vals, top_k_indices = jax.lax.top_k(logits, TOP_K)
    top_k_gates = jax.nn.softmax(top_k_vals, axis=1)
    importance = probs.sum(axis=0)
    batch_size = x.shape[0]
    mask = jnp.zeros((batch_size, NUM_EXPERTS), dtype=x.dtype)
    mask = mask.at[jnp.arange(batch_size)[:, None], top_k_indices].set(1.0)
    load = mask.sum(axis=0)
    aux_loss = (importance * load).mean() * (NUM_EXPERTS ** 2)
    return (top_k_gates, top_k_indices, aux_loss)

if __name__ == "__main__":
    import jax
    _d = setup_inputs()
    print(jax.jit(kernel)(*tuple(_d.values())))

</pallas_src>

<mosaic_0001>
#map = affine_map<(d0, d1) -> (0, 0)>
#map1 = affine_map<(d0, d1) -> (0)>
module attributes {stable_mosaic.version = 14 : i64} {
  func.func @_route_body(%arg0: i32, %arg1: i32, %arg2: memref<8192x128xf32, #tpu.memory_space<hbm>>, %arg3: memref<65536xf32, #tpu.memory_space<hbm>>, %arg4: memref<65536xi32, #tpu.memory_space<hbm>>, %arg5: memref<32x128xf32, #tpu.memory_space<hbm>>, %arg6: memref<256x64xf32, #tpu.memory_space<vmem>>, %arg7: memref<2064xf32, #tpu.memory_space<vmem>>, %arg8: memref<2064xi32, #tpu.memory_space<vmem>>, %arg9: memref<1x128xf32, #tpu.memory_space<vmem>>) attributes {dimension_semantics = [#tpu.dimension_semantics<core_parallel>, #tpu.dimension_semantics<subcore_parallel>], iteration_bounds = array<i64: 2, 16>, scalar_prefetch = 0 : i64, scratch_operands = 4 : i64, tpu.core_type = #tpu.core_type<sc_vector_subcore>, window_params = [{transform_indices = #map}, {transform_indices = #map1}, {transform_indices = #map1}, {transform_indices = #map}]} {
    %mul3A = arith.constant 2 : i32
    %mul3A_0 = arith.muli %arg1, %mul3A : i32
    %add3A = arith.addi %mul3A_0, %arg0 : i32
    %mul3A_1 = arith.constant 256 : i32
    %mul3A_2 = arith.muli %add3A, %mul3A_1 : i32
    "tpu.region"() ({
      %run_scoped3A = tpu.sem_alloc : memref<!tpu.dma_semaphore, #tpu.memory_space<semaphore_mem>>
      %dma_start3A = arith.constant 0 : i32
      %dma_start3A_61 = tpu.memref_slice %arg2[%mul3A_2, %dma_start3A] : memref<8192x128xf32, #tpu.memory_space<hbm>> -> memref<256x64xf32, #tpu.memory_space<hbm>>
      %dma_start3A_62 = arith.constant 0 : i32
      %dma_start3A_63 = tpu.memref_slice %arg2[%mul3A_2, %dma_start3A_62] : memref<8192x128xf32, #tpu.memory_space<hbm>> -> memref<256x64xf32, #tpu.memory_space<hbm>>
      tpu.enqueue_dma source(%dma_start3A_63 : memref<256x64xf32, #tpu.memory_space<hbm>>) target(%arg6 : memref<256x64xf32, #tpu.memory_space<vmem>>) target_semaphore(%run_scoped3A : memref<!tpu.dma_semaphore, #tpu.memory_space<semaphore_mem>>)
      %dma_wait3A = arith.constant 0 : i32
      %dma_wait3A_64 = tpu.memref_slice %arg2[%mul3A_2, %dma_wait3A] : memref<8192x128xf32, #tpu.memory_space<hbm>> -> memref<256x64xf32, #tpu.memory_space<hbm>>
      %dma_wait3A_65 = arith.constant 0 : i32
      %dma_wait3A_66 = tpu.memref_slice %arg2[%mul3A_2, %dma_wait3A_65] : memref<8192x128xf32, #tpu.memory_space<hbm>> -> memref<256x64xf32, #tpu.memory_space<hbm>>
      tpu.wait_dma2 semaphore(%run_scoped3A : memref<!tpu.dma_semaphore, #tpu.memory_space<semaphore_mem>>) src(%dma_wait3A_66 : memref<256x64xf32, #tpu.memory_space<hbm>>) dst(%arg6 : memref<256x64xf32, #tpu.memory_space<vmem>>)
      tpu.yield
    }) : () -> ()
    %iota3A = tpu.iota {dimensions = array<i32: 0>} : vector<16xi32>
    %lt3A = arith.constant 8 : i32
    %lt3A_3 = vector.broadcast %lt3A : i32 to vector<16xi32>
    %lt3A_4 = arith.cmpi slt, %iota3A, %lt3A_3 : vector<16xi32>
    %broadcast_in_dim3A = arith.constant 1.000000e+00 : f32
    %broadcast_in_dim3A_5 = vector.broadcast %broadcast_in_dim3A : f32 to vector<16xf32>
    %broadcast_in_dim3A_6 = arith.constant 0 : i32
    %broadcast_in_dim3A_7 = vector.broadcast %broadcast_in_dim3A_6 : i32 to vector<16xi32>
    %broadcast_in_dim3A_8 = arith.constant 0.000000e+00 : f32
    %broadcast_in_dim3A_9 = vector.broadcast %broadcast_in_dim3A_8 : f32 to vector<16xf32>
    %swap3A = arith.constant 0 : i32
    %swap3A_10 = arith.index_cast %swap3A : i32 to index
    %swap3A_11 = arith.constant 0 : index
    %swap3A_12 = tpu.vector_load %arg9[%swap3A_10, %swap3A_11] {strides = array<i32>} : memref<1x128xf32, #tpu.memory_space<vmem>>, vector<16xf32>,
    tpu.vector_store %arg9[%swap3A_10, %swap3A_11], %broadcast_in_dim3A_9 {strides = array<i32>} : memref<1x128xf32, #tpu.memory_space<vmem>>, vector<16xf32>,
    %broadcast_in_dim3A_13 = arith.constant 0.000000e+00 : f32
    %broadcast_in_dim3A_14 = vector.broadcast %broadcast_in_dim3A_13 : f32 to vector<16xf32>
    %swap3A_15 = arith.constant 0 : i32
    %swap3A_16 = arith.index_cast %swap3A_15 : i32 to index
    %swap3A_17 = arith.constant 16 : index
    %swap3A_18 = tpu.vector_load %arg9[%swap3A_16, %swap3A_17] {strides = array<i32>} : memref<1x128xf32, #tpu.memory_space<vmem>>, vector<16xf32>,
    tpu.vector_store %arg9[%swap3A_16, %swap3A_17], %broadcast_in_dim3A_14 {strides = array<i32>} : memref<1x128xf32, #tpu.memory_space<vmem>>, vector<16xf32>,
    %broadcast_in_dim3A_19 = arith.constant 0.000000e+00 : f32
    %broadcast_in_dim3A_20 = vector.broadcast %broadcast_in_dim3A_19 : f32 to vector<16xf32>
    %swap3A_21 = arith.constant 0 : i32
    %swap3A_22 = arith.index_cast %swap3A_21 : i32 to index
    %swap3A_23 = arith.constant 32 : index
    %swap3A_24 = tpu.vector_load %arg9[%swap3A_22, %swap3A_23] {strides = array<i32>} : memref<1x128xf32, #tpu.memory_space<vmem>>, vector<16xf32>,
    tpu.vector_store %arg9[%swap3A_22, %swap3A_23], %broadcast_in_dim3A_20 {strides = array<i32>} : memref<1x128xf32, #tpu.memory_space<vmem>>, vector<16xf32>,
    %broadcast_in_dim3A_25 = arith.constant 0.000000e+00 : f32
    %broadcast_in_dim3A_26 = vector.broadcast %broadcast_in_dim3A_25 : f32 to vector<16xf32>
    %swap3A_27 = arith.constant 0 : i32
    %swap3A_28 = arith.index_cast %swap3A_27 : i32 to index
    %swap3A_29 = arith.constant 48 : index
    %swap3A_30 = tpu.vector_load %arg9[%swap3A_28, %swap3A_29] {strides = array<i32>} : memref<1x128xf32, #tpu.memory_space<vmem>>, vector<16xf32>,
    tpu.vector_store %arg9[%swap3A_28, %swap3A_29], %broadcast_in_dim3A_26 {strides = array<i32>} : memref<1x128xf32, #tpu.memory_space<vmem>>, vector<16xf32>,
    %broadcast_in_dim3A_31 = arith.constant 0.000000e+00 : f32
    %broadcast_in_dim3A_32 = vector.broadcast %broadcast_in_dim3A_31 : f32 to vector<16xf32>
    %swap3A_33 = arith.constant 0 : i32
    %swap3A_34 = arith.index_cast %swap3A_33 : i32 to index
    %swap3A_35 = arith.constant 64 : index
    %swap3A_36 = tpu.vector_load %arg9[%swap3A_34, %swap3A_35] {strides = array<i32>} : memref<1x128xf32, #tpu.memory_space<vmem>>, vector<16xf32>,
    tpu.vector_store %arg9[%swap3A_34, %swap3A_35], %broadcast_in_dim3A_32 {strides = array<i32>} : memref<1x128xf32, #tpu.memory_space<vmem>>, vector<16xf32>,
    %broadcast_in_dim3A_37 = arith.constant 0.000000e+00 : f32
    %broadcast_in_dim3A_38 = vector.broadcast %broadcast_in_dim3A_37 : f32 to vector<16xf32>
    %swap3A_39 = arith.constant 0 : i32
    %swap3A_40 = arith.index_cast %swap3A_39 : i32 to index
    %swap3A_41 = arith.constant 80 : index
    %swap3A_42 = tpu.vector_load %arg9[%swap3A_40, %swap3A_41] {strides = array<i32>} : memref<1x128xf32, #tpu.memory_space<vmem>>, vector<16xf32>,
    tpu.vector_store %arg9[%swap3A_40, %swap3A_41], %broadcast_in_dim3A_38 {strides = array<i32>} : memref<1x128xf32, #tpu.memory_space<vmem>>, vector<16xf32>,
    %broadcast_in_dim3A_43 = arith.constant 0.000000e+00 : f32
    %broadcast_in_dim3A_44 = vector.broadcast %broadcast_in_dim3A_43 : f32 to vector<16xf32>
    %swap3A_45 = arith.constant 0 : i32
    %swap3A_46 = arith.index_cast %swap3A_45 : i32 to index
    %swap3A_47 = arith.constant 96 : index
    %swap3A_48 = tpu.vector_load %arg9[%swap3A_46, %swap3A_47] {strides = array<i32>} : memref<1x128xf32, #tpu.memory_space<vmem>>, vector<16xf32>,
    tpu.vector_store %arg9[%swap3A_46, %swap3A_47], %broadcast_in_dim3A_44 {strides = array<i32>} : memref<1x128xf32, #tpu.memory_space<vmem>>, vector<16xf32>,
    %broadcast_in_dim3A_49 = arith.constant 0.000000e+00 : f32
    %broadcast_in_dim3A_50 = vector.broadcast %broadcast_in_dim3A_49 : f32 to vector<16xf32>
    %swap3A_51 = arith.constant 0 : i32
    %swap3A_52 = arith.index_cast %swap3A_51 : i32 to index
    %swap3A_53 = arith.constant 112 : index
    %swap3A_54 = tpu.vector_load %arg9[%swap3A_52, %swap3A_53] {strides = array<i32>} : memref<1x128xf32, #tpu.memory_space<vmem>>, vector<16xf32>,
    tpu.vector_store %arg9[%swap3A_52, %swap3A_53], %broadcast_in_dim3A_50 {strides = array<i32>} : memref<1x128xf32, #tpu.memory_space<vmem>>, vector<16xf32>,
    %parallel_loop3A = arith.constant 0 : i32
    %parallel_loop3A_55 = arith.constant 256 : i32
    %parallel_loop3A_56 = arith.constant 1 : i32
    scf.for %parallel_loop3A_61 = %parallel_loop3A to %parallel_loop3A_55 step %parallel_loop3A_56  : i32 {
      %parallel_loop3A_62 = arith.index_cast %parallel_loop3A_61 : i32 to index
      %parallel_loop3A_63 = arith.constant 0 : index
      %parallel_loop3A_64 = tpu.vector_load %arg6[%parallel_loop3A_62, %parallel_loop3A_63] {strides = array<i32>} : memref<256x64xf32, #tpu.memory_space<vmem>>, vector<16xf32>,
      %parallel_loop3A_65 = arith.constant 0 : i32
      %parallel_loop3A_66 = vector.broadcast %parallel_loop3A_65 : i32 to vector<16xi32>
      %parallel_loop3A_67 = arith.addi %iota3A, %parallel_loop3A_66 : vector<16xi32>
      %parallel_loop3A_68 = arith.constant dense<true> : vector<16xi1>
      %parallel_loop3A_69, %parallel_loop3A_70, %parallel_loop3A_71 = tpu.sort %parallel_loop3A_64, %parallel_loop3A_67 masked %parallel_loop3A_68 {descending = true} : (vector<16xf32>, vector<16xi32>, vector<16xi1>) -> (vector<16xi1>, vector<16xf32>, vector<16xi32>)
      %parallel_loop3A_72 = arith.index_cast %parallel_loop3A_61 : i32 to index
      %parallel_loop3A_73 = arith.constant 16 : index
      %parallel_loop3A_74 = tpu.vector_load %arg6[%parallel_loop3A_72, %parallel_loop3A_73] {strides = array<i32>} : memref<256x64xf32, #tpu.memory_space<vmem>>, vector<16xf32>,
      %parallel_loop3A_75 = arith.constant 16 : i32
      %parallel_loop3A_76 = vector.broadcast %parallel_loop3A_75 : i32 to vector<16xi32>
      %parallel_loop3A_77 = arith.addi %iota3A, %parallel_loop3A_76 : vector<16xi32>
      %parallel_loop3A_78 = arith.constant dense<true> : vector<16xi1>
      %parallel_loop3A_79, %parallel_loop3A_80, %parallel_loop3A_81 = tpu.sort %parallel_loop3A_74, %parallel_loop3A_77 masked %parallel_loop3A_78 {descending = true} : (vector<16xf32>, vector<16xi32>, vector<16xi1>) -> (vector<16xi1>, vector<16xf32>, vector<16xi32>)
      %parallel_loop3A_82 = arith.index_cast %parallel_loop3A_61 : i32 to index
      %parallel_loop3A_83 = arith.constant 32 : index
      %parallel_loop3A_84 = tpu.vector_load %arg6[%parallel_loop3A_82, %parallel_loop3A_83] {strides = array<i32>} : memref<256x64xf32, #tpu.memory_space<vmem>>, vector<16xf32>,
      %parallel_loop3A_85 = arith.constant 32 : i32
      %parallel_loop3A_86 = vector.broadcast %parallel_loop3A_85 : i32 to vector<16xi32>
      %parallel_loop3A_87 = arith.addi %iota3A, %parallel_loop3A_86 : vector<16xi32>
      %parallel_loop3A_88 = arith.constant dense<true> : vector<16xi1>
      %parallel_loop3A_89, %parallel_loop3A_90, %parallel_loop3A_91 = tpu.sort %parallel_loop3A_84, %parallel_loop3A_87 masked %parallel_loop3A_88 {descending = true} : (vector<16xf32>, vector<16xi32>, vector<16xi1>) -> (vector<16xi1>, vector<16xf32>, vector<16xi32>)
      %parallel_loop3A_92 = arith.index_cast %parallel_loop3A_61 : i32 to index
      %parallel_loop3A_93 = arith.constant 48 : index
      %parallel_loop3A_94 = tpu.vector_load %arg6[%parallel_loop3A_92, %parallel_loop3A_93] {strides = array<i32>} : memref<256x64xf32, #tpu.memory_space<vmem>>, vector<16xf32>,
      %parallel_loop3A_95 = arith.constant 48 : i32
      %parallel_loop3A_96 = vector.broadcast %parallel_loop3A_95 : i32 to vector<16xi32>
      %parallel_loop3A_97 = arith.addi %iota3A, %parallel_loop3A_96 : vector<16xi32>
      %parallel_loop3A_98 = arith.constant dense<true> : vector<16xi1>
      %parallel_loop3A_99, %parallel_loop3A_100, %parallel_loop3A_101 = tpu.sort %parallel_loop3A_94, %parallel_loop3A_97 masked %parallel_loop3A_98 {descending = true} : (vector<16xf32>, vector<16xi32>, vector<16xi1>) -> (vector<16xi1>, vector<16xf32>, vector<16xi32>)
      %parallel_loop3A_102 = arith.constant 15 : i32
      %parallel_loop3A_103 = vector.broadcast %parallel_loop3A_102 : i32 to vector<16xi32>
      %parallel_loop3A_104 = tpu.iota {dimensions = array<i32: 0>} : vector<16xi32>
      %parallel_loop3A_105 = arith.subi %parallel_loop3A_103, %parallel_loop3A_104 : vector<16xi32>
      %parallel_loop3A_106 = tpu.dynamic_gather %parallel_loop3A_80[%parallel_loop3A_105] in [0] : vector<16xf32>, vector<16xi32> -> vector<16xf32>
      %parallel_loop3A_107 = arith.constant 15 : i32
      %parallel_loop3A_108 = vector.broadcast %parallel_loop3A_107 : i32 to vector<16xi32>
      %parallel_loop3A_109 = tpu.iota {dimensions = array<i32: 0>} : vector<16xi32>
      %parallel_loop3A_110 = arith.subi %parallel_loop3A_108, %parallel_loop3A_109 : vector<16xi32>
      %parallel_loop3A_111 = tpu.dynamic_gather %parallel_loop3A_81[%parallel_loop3A_110] in [0] : vector<16xi32>, vector<16xi32> -> vector<16xi32>
      %parallel_loop3A_112 = arith.cmpf oge, %parallel_loop3A_70, %parallel_loop3A_106 : vector<16xf32>
      %parallel_loop3A_113 = arith.select %parallel_loop3A_112, %parallel_loop3A_70, %parallel_loop3A_106 : vector<16xi1>, vector<16xf32>
      %parallel_loop3A_114 = arith.select %parallel_loop3A_112, %parallel_loop3A_71, %parallel_loop3A_111 : vector<16xi1>, vector<16xi32>
      %parallel_loop3A_115 = arith.constant dense<true> : vector<16xi1>
      %parallel_loop3A_116, %parallel_loop3A_117, %parallel_loop3A_118 = tpu.sort %parallel_loop3A_113, %parallel_loop3A_114 masked %parallel_loop3A_115 {descending = true} : (vector<16xf32>, vector<16xi32>, vector<16xi1>) -> (vector<16xi1>, vector<16xf32>, vector<16xi32>)
      %parallel_loop3A_119 = arith.constant 15 : i32
      %parallel_loop3A_120 = vector.broadcast %parallel_loop3A_119 : i32 to vector<16xi32>
      %parallel_loop3A_121 = tpu.iota {dimensions = array<i32: 0>} : vector<16xi32>
      %parallel_loop3A_122 = arith.subi %parallel_loop3A_120, %parallel_loop3A_121 : vector<16xi32>
      %parallel_loop3A_123 = tpu.dynamic_gather %parallel_loop3A_100[%parallel_loop3A_122] in [0] : vector<16xf32>, vector<16xi32> -> vector<16xf32>
      %parallel_loop3A_124 = arith.constant 15 : i32
      %parallel_loop3A_125 = vector.broadcast %parallel_loop3A_124 : i32 to vector<16xi32>
      %parallel_loop3A_126 = tpu.iota {dimensions = array<i32: 0>} : vector<16xi32>
      %parallel_loop3A_127 = arith.subi %parallel_loop3A_125, %parallel_loop3A_126 : vector<16xi32>
      %parallel_loop3A_128 = tpu.dynamic_gather %parallel_loop3A_101[%parallel_loop3A_127] in [0] : vector<16xi32>, vector<16xi32> -> vector<16xi32>
      %parallel_loop3A_129 = arith.cmpf oge, %parallel_loop3A_90, %parallel_loop3A_123 : vector<16xf32>
      %parallel_loop3A_130 = arith.select %parallel_loop3A_129, %parallel_loop3A_90, %parallel_loop3A_123 : vector<16xi1>, vector<16xf32>
      %parallel_loop3A_131 = arith.select %parallel_loop3A_129, %parallel_loop3A_91, %parallel_loop3A_128 : vector<16xi1>, vector<16xi32>
      %parallel_loop3A_132 = arith.constant dense<true> : vector<16xi1>
      %parallel_loop3A_133, %parallel_loop3A_134, %parallel_loop3A_135 = tpu.sort %parallel_loop3A_130, %parallel_loop3A_131 masked %parallel_loop3A_132 {descending = true} : (vector<16xf32>, vector<16xi32>, vector<16xi1>) -> (vector<16xi1>, vector<16xf32>, vector<16xi32>)
      %parallel_loop3A_136 = arith.constant 15 : i32
      %parallel_loop3A_137 = vector.broadcast %parallel_loop3A_136 : i32 to vector<16xi32>
      %parallel_loop3A_138 = tpu.iota {dimensions = array<i32: 0>} : vector<16xi32>
      %parallel_loop3A_139 = arith.subi %parallel_loop3A_137, %parallel_loop3A_138 : vector<16xi32>
      %parallel_loop3A_140 = tpu.dynamic_gather %parallel_loop3A_134[%parallel_loop3A_139] in [0] : vector<16xf32>, vector<16xi32> -> vector<16xf32>
      %parallel_loop3A_141 = arith.constant 15 : i32
      %parallel_loop3A_142 = vector.broadcast %parallel_loop3A_141 : i32 to vector<16xi32>
      %parallel_loop3A_143 = tpu.iota {dimensions = array<i32: 0>} : vector<16xi32>
      %parallel_loop3A_144 = arith.subi %parallel_loop3A_142, %parallel_loop3A_143 : vector<16xi32>
      %parallel_loop3A_145 = tpu.dynamic_gather %parallel_loop3A_135[%parallel_loop3A_144] in [0] : vector<16xi32>, vector<16xi32> -> vector<16xi32>
      %parallel_loop3A_146 = arith.cmpf oge, %parallel_loop3A_117, %parallel_loop3A_140 : vector<16xf32>
      %parallel_loop3A_147 = arith.select %parallel_loop3A_146, %parallel_loop3A_117, %parallel_loop3A_140 : vector<16xi1>, vector<16xf32>
      %parallel_loop3A_148 = arith.select %parallel_loop3A_146, %parallel_loop3A_118, %parallel_loop3A_145 : vector<16xi1>, vector<16xi32>
      %parallel_loop3A_149 = arith.constant dense<true> : vector<16xi1>
      %parallel_loop3A_150, %parallel_loop3A_151, %parallel_loop3A_152 = tpu.sort %parallel_loop3A_147, %parallel_loop3A_148 masked %parallel_loop3A_149 {descending = true} : (vector<16xf32>, vector<16xi32>, vector<16xi1>) -> (vector<16xi1>, vector<16xf32>, vector<16xi32>)
      %parallel_loop3A_153 = arith.constant true
      %parallel_loop3A_154 = vector.broadcast %parallel_loop3A_153 : i1 to vector<16xi1>
      %parallel_loop3A_155 = tpu.scan <max>, %parallel_loop3A_151 masked %parallel_loop3A_154 : vector<16xf32>, vector<16xi1> -> vector<16xf32>
      %parallel_loop3A_156 = vector.extract %parallel_loop3A_155[15] : f32 from vector<16xf32>
      %parallel_loop3A_157 = vector.broadcast %parallel_loop3A_156 : f32 to vector<16xf32>
      %parallel_loop3A_158 = arith.subf %parallel_loop3A_151, %parallel_loop3A_157 : vector<16xf32>
      %parallel_loop3A_159 = math.exp %parallel_loop3A_158 : vector<16xf32>
      %parallel_loop3A_160 = arith.constant 0.000000e+00 : f32
      %parallel_loop3A_161 = vector.broadcast %parallel_loop3A_160 : f32 to vector<16xf32>
      %parallel_loop3A_162 = arith.select %lt3A_4, %parallel_loop3A_159, %parallel_loop3A_161 : vector<16xi1>, vector<16xf32>
      %parallel_loop3A_163 = arith.constant true
      %parallel_loop3A_164 = vector.broadcast %parallel_loop3A_163 : i1 to vector<16xi1>
      %parallel_loop3A_165 = tpu.scan <sum>, %parallel_loop3A_162 masked %parallel_loop3A_164 : vector<16xf32>, vector<16xi1> -> vector<16xf32>
      %parallel_loop3A_166 = vector.extract %parallel_loop3A_165[15] : f32 from vector<16xf32>
      %parallel_loop3A_167 = vector.broadcast %parallel_loop3A_166 : f32 to vector<16xf32>
      %parallel_loop3A_168 = arith.divf %parallel_loop3A_162, %parallel_loop3A_167 : vector<16xf32>
      %parallel_loop3A_169 = arith.constant 8 : i32
      %parallel_loop3A_170 = arith.muli %parallel_loop3A_61, %parallel_loop3A_169 : i32
      %parallel_loop3A_171 = arith.index_cast %parallel_loop3A_170 : i32 to index
      %parallel_loop3A_172 = tpu.vector_load %arg7[%parallel_loop3A_171] masked %lt3A_4 {strides = array<i32>} : memref<2064xf32, #tpu.memory_space<vmem>>, vector<16xf32>, vector<16xi1>
      tpu.vector_store %arg7[%parallel_loop3A_171], %parallel_loop3A_168 masked %lt3A_4 {strides = array<i32>} : memref<2064xf32, #tpu.memory_space<vmem>>, vector<16xf32>, vector<16xi1>
      %parallel_loop3A_173 = arith.constant 8 : i32
      %parallel_loop3A_174 = arith.muli %parallel_loop3A_61, %parallel_loop3A_173 : i32
      %parallel_loop3A_175 = arith.index_cast %parallel_loop3A_174 : i32 to index
      %parallel_loop3A_176 = tpu.vector_load %arg8[%parallel_loop3A_175] masked %lt3A_4 {strides = array<i32>} : memref<2064xi32, #tpu.memory_space<vmem>>, vector<16xi32>, vector<16xi1>
      tpu.vector_store %arg8[%parallel_loop3A_175], %parallel_loop3A_152 masked %lt3A_4 {strides = array<i32>} : memref<2064xi32, #tpu.memory_space<vmem>>, vector<16xi32>, vector<16xi1>
      tpu.vector_store_idx %arg9[%broadcast_in_dim3A_7, %parallel_loop3A_152], %broadcast_in_dim3A_5 masked %lt3A_4 {add = true} : memref<1x128xf32, #tpu.memory_space<vmem>>[vector<16xi32>, vector<16xi32>], vector<16xf32>, vector<16xi1>
    } {sc.loop_unroll_factor = 4 : i64, sc.parallel_access}
    %mul3A_57 = arith.constant 8 : i32
    %mul3A_58 = arith.muli %mul3A_2, %mul3A_57 : i32
    "tpu.region"() ({
      %run_scoped3A = tpu.sem_alloc : memref<!tpu.dma_semaphore, #tpu.memory_space<semaphore_mem>>
      %dma_start3A = arith.constant 0 : i32
      %dma_start3A_61 = tpu.memref_slice %arg7[%dma_start3A] : memref<2064xf32, #tpu.memory_space<vmem>> -> memref<2048xf32, #tpu.memory_space<vmem>>
      %dma_start3A_62 = tpu.memref_slice %arg3[%mul3A_58] : memref<65536xf32, #tpu.memory_space<hbm>> -> memref<2048xf32, #tpu.memory_space<hbm>>
      %dma_start3A_63 = tpu.memref_slice %arg3[%mul3A_58] : memref<65536xf32, #tpu.memory_space<hbm>> -> memref<2048xf32, #tpu.memory_space<hbm>>
      %dma_start3A_64 = arith.constant 0 : i32
      %dma_start3A_65 = tpu.memref_slice %arg7[%dma_start3A_64] : memref<2064xf32, #tpu.memory_space<vmem>> -> memref<2048xf32, #tpu.memory_space<vmem>>
      tpu.enqueue_dma source(%dma_start3A_65 : memref<2048xf32, #tpu.memory_space<vmem>>) target(%dma_start3A_63 : memref<2048xf32, #tpu.memory_space<hbm>>) target_semaphore(%run_scoped3A : memref<!tpu.dma_semaphore, #tpu.memory_space<semaphore_mem>>)
      %dma_wait3A = arith.constant 0 : i32
      %dma_wait3A_66 = tpu.memref_slice %arg7[%dma_wait3A] : memref<2064xf32, #tpu.memory_space<vmem>> -> memref<2048xf32, #tpu.memory_space<vmem>>
      %dma_wait3A_67 = tpu.memref_slice %arg3[%mul3A_58] : memref<65536xf32, #tpu.memory_space<hbm>> -> memref<2048xf32, #tpu.memory_space<hbm>>
      %dma_wait3A_68 = tpu.memref_slice %arg3[%mul3A_58] : memref<65536xf32, #tpu.memory_space<hbm>> -> memref<2048xf32, #tpu.memory_space<hbm>>
      %dma_wait3A_69 = arith.constant 0 : i32
      %dma_wait3A_70 = tpu.memref_slice %arg7[%dma_wait3A_69] : memref<2064xf32, #tpu.memory_space<vmem>> -> memref<2048xf32, #tpu.memory_space<vmem>>
      tpu.wait_dma2 semaphore(%run_scoped3A : memref<!tpu.dma_semaphore, #tpu.memory_space<semaphore_mem>>) src(%dma_wait3A_70 : memref<2048xf32, #tpu.memory_space<vmem>>) dst(%dma_wait3A_68 : memref<2048xf32, #tpu.memory_space<hbm>>)
      tpu.yield
    }) : () -> ()
    %mul3A_59 = arith.constant 8 : i32
    %mul3A_60 = arith.muli %mul3A_2, %mul3A_59 : i32
    "tpu.region"() ({
      %run_scoped3A = tpu.sem_alloc : memref<!tpu.dma_semaphore, #tpu.memory_space<semaphore_mem>>
      %dma_start3A = arith.constant 0 : i32
      %dma_start3A_61 = tpu.memref_slice %arg8[%dma_start3A] : memref<2064xi32, #tpu.memory_space<vmem>> -> memref<2048xi32, #tpu.memory_space<vmem>>
      %dma_start3A_62 = tpu.memref_slice %arg4[%mul3A_60] : memref<65536xi32, #tpu.memory_space<hbm>> -> memref<2048xi32, #tpu.memory_space<hbm>>
      %dma_start3A_63 = tpu.memref_slice %arg4[%mul3A_60] : memref<65536xi32, #tpu.memory_space<hbm>> -> memref<2048xi32, #tpu.memory_space<hbm>>
      %dma_start3A_64 = arith.constant 0 : i32
      %dma_start3A_65 = tpu.memref_slice %arg8[%dma_start3A_64] : memref<2064xi32, #tpu.memory_space<vmem>> -> memref<2048xi32, #tpu.memory_space<vmem>>
      tpu.enqueue_dma source(%dma_start3A_65 : memref<2048xi32, #tpu.memory_space<vmem>>) target(%dma_start3A_63 : memref<2048xi32, #tpu.memory_space<hbm>>) target_semaphore(%run_scoped3A : memref<!tpu.dma_semaphore, #tpu.memory_space<semaphore_mem>>)
      %dma_wait3A = arith.constant 0 : i32
      %dma_wait3A_66 = tpu.memref_slice %arg8[%dma_wait3A] : memref<2064xi32, #tpu.memory_space<vmem>> -> memref<2048xi32, #tpu.memory_space<vmem>>
      %dma_wait3A_67 = tpu.memref_slice %arg4[%mul3A_60] : memref<65536xi32, #tpu.memory_space<hbm>> -> memref<2048xi32, #tpu.memory_space<hbm>>
      %dma_wait3A_68 = tpu.memref_slice %arg4[%mul3A_60] : memref<65536xi32, #tpu.memory_space<hbm>> -> memref<2048xi32, #tpu.memory_space<hbm>>
      %dma_wait3A_69 = arith.constant 0 : i32
      %dma_wait3A_70 = tpu.memref_slice %arg8[%dma_wait3A_69] : memref<2064xi32, #tpu.memory_space<vmem>> -> memref<2048xi32, #tpu.memory_space<vmem>>
      tpu.wait_dma2 semaphore(%run_scoped3A : memref<!tpu.dma_semaphore, #tpu.memory_space<semaphore_mem>>) src(%dma_wait3A_70 : memref<2048xi32, #tpu.memory_space<vmem>>) dst(%dma_wait3A_68 : memref<2048xi32, #tpu.memory_space<hbm>>)
      tpu.yield
    }) : () -> ()
    "tpu.region"() ({
      %run_scoped3A = tpu.sem_alloc : memref<!tpu.dma_semaphore, #tpu.memory_space<semaphore_mem>>
      %dma_start3A = arith.constant 0 : i32
      %dma_start3A_61 = tpu.memref_slice %arg5[%add3A, %dma_start3A] : memref<32x128xf32, #tpu.memory_space<hbm>> -> memref<1x128xf32, #tpu.memory_space<hbm>>
      %dma_start3A_62 = arith.constant 0 : i32
      %dma_start3A_63 = tpu.memref_slice %arg5[%add3A, %dma_start3A_62] : memref<32x128xf32, #tpu.memory_space<hbm>> -> memref<1x128xf32, #tpu.memory_space<hbm>>
      tpu.enqueue_dma source(%arg9 : memref<1x128xf32, #tpu.memory_space<vmem>>) target(%dma_start3A_63 : memref<1x128xf32, #tpu.memory_space<hbm>>) target_semaphore(%run_scoped3A : memref<!tpu.dma_semaphore, #tpu.memory_space<semaphore_mem>>)
      %dma_wait3A = arith.constant 0 : i32
      %dma_wait3A_64 = tpu.memref_slice %arg5[%add3A, %dma_wait3A] : memref<32x128xf32, #tpu.memory_space<hbm>> -> memref<1x128xf32, #tpu.memory_space<hbm>>
      %dma_wait3A_65 = arith.constant 0 : i32
      %dma_wait3A_66 = tpu.memref_slice %arg5[%add3A, %dma_wait3A_65] : memref<32x128xf32, #tpu.memory_space<hbm>> -> memref<1x128xf32, #tpu.memory_space<hbm>>
      tpu.wait_dma2 semaphore(%run_scoped3A : memref<!tpu.dma_semaphore, #tpu.memory_space<semaphore_mem>>) src(%arg9 : memref<1x128xf32, #tpu.memory_space<vmem>>) dst(%dma_wait3A_66 : memref<1x128xf32, #tpu.memory_space<hbm>>)
      tpu.yield
    }) : () -> ()
    return
  }
}

#map = affine_map<(d0, d1) -> (0, 0)>
#map1 = affine_map<(d0, d1) -> (0)>
module attributes {stable_mosaic.version = 14 : i64} {
  func.func @_route_body(%arg0: i32, %arg1: i32, %arg2: memref<8192x128xf32, #tpu.memory_space<hbm>>, %arg3: memref<65536xf32, #tpu.memory_space<hbm>>, %arg4: memref<65536xi32, #tpu.memory_space<hbm>>, %arg5: memref<32x128xf32, #tpu.memory_space<hbm>>, %arg6: memref<256x64xf32, #tpu.memory_space<vmem>>, %arg7: memref<2064xf32, #tpu.memory_space<vmem>>, %arg8: memref<2064xi32, #tpu.memory_space<vmem>>, %arg9: memref<1x128xf32, #tpu.memory_space<vmem>>) attributes {dimension_semantics = [#tpu.dimension_semantics<core_parallel>, #tpu.dimension_semantics<subcore_parallel>], iteration_bounds = array<i64: 2, 16>, scalar_prefetch = 0 : i64, scratch_operands = 4 : i64, tpu.core_type = #tpu.core_type<sc_vector_subcore>, window_params = [{transform_indices = #map}, {transform_indices = #map1}, {transform_indices = #map1}, {transform_indices = #map}]} {
    %mul3A = arith.constant 2 : i32
    %mul3A_0 = arith.muli %arg1, %mul3A : i32
    %add3A = arith.addi %mul3A_0, %arg0 : i32
    %mul3A_1 = arith.constant 256 : i32
    %mul3A_2 = arith.muli %add3A, %mul3A_1 : i32
    "tpu.region"() ({
      %run_scoped3A = tpu.sem_alloc : memref<!tpu.dma_semaphore, #tpu.memory_space<semaphore_mem>>
      %dma_start3A = arith.constant 0 : i32
      %dma_start3A_61 = tpu.memref_slice %arg2[%mul3A_2, %dma_start3A] : memref<8192x128xf32, #tpu.memory_space<hbm>> -> memref<256x64xf32, #tpu.memory_space<hbm>>
      %dma_start3A_62 = arith.constant 0 : i32
      %dma_start3A_63 = tpu.memref_slice %arg2[%mul3A_2, %dma_start3A_62] : memref<8192x128xf32, #tpu.memory_space<hbm>> -> memref<256x64xf32, #tpu.memory_space<hbm>>
      tpu.enqueue_dma source(%dma_start3A_63 : memref<256x64xf32, #tpu.memory_space<hbm>>) target(%arg6 : memref<256x64xf32, #tpu.memory_space<vmem>>) target_semaphore(%run_scoped3A : memref<!tpu.dma_semaphore, #tpu.memory_space<semaphore_mem>>)
      %dma_wait3A = arith.constant 0 : i32
      %dma_wait3A_64 = tpu.memref_slice %arg2[%mul3A_2, %dma_wait3A] : memref<8192x128xf32, #tpu.memory_space<hbm>> -> memref<256x64xf32, #tpu.memory_space<hbm>>
      %dma_wait3A_65 = arith.constant 0 : i32
      %dma_wait3A_66 = tpu.memref_slice %arg2[%mul3A_2, %dma_wait3A_65] : memref<8192x128xf32, #tpu.memory_space<hbm>> -> memref<256x64xf32, #tpu.memory_space<hbm>>
      tpu.wait_dma2 semaphore(%run_scoped3A : memref<!tpu.dma_semaphore, #tpu.memory_space<semaphore_mem>>) src(%dma_wait3A_66 : memref<256x64xf32, #tpu.memory_space<hbm>>) dst(%arg6 : memref<256x64xf32, #tpu.memory_space<vmem>>)
      tpu.yield
    }) : () -> ()
    %iota3A = tpu.iota {dimensions = array<i32: 0>} : vector<16xi32>
    %lt3A = arith.constant 8 : i32
    %lt3A_3 = vector.broadcast %lt3A : i32 to vector<16xi32>
    %lt3A_4 = arith.cmpi slt, %iota3A, %lt3A_3 : vector<16xi32>
    %broadcast_in_dim3A = arith.constant 1.000000e+00 : f32
    %broadcast_in_dim3A_5 = vector.broadcast %broadcast_in_dim3A : f32 to vector<16xf32>
    %broadcast_in_dim3A_6 = arith.constant 0 : i32
    %broadcast_in_dim3A_7 = vector.broadcast %broadcast_in_dim3A_6 : i32 to vector<16xi32>
    %broadcast_in_dim3A_8 = arith.constant 0.000000e+00 : f32
    %broadcast_in_dim3A_9 = vector.broadcast %broadcast_in_dim3A_8 : f32 to vector<16xf32>
    %swap3A = arith.constant 0 : i32
    %swap3A_10 = arith.index_cast %swap3A : i32 to index
    %swap3A_11 = arith.constant 0 : index
    %swap3A_12 = tpu.vector_load %arg9[%swap3A_10, %swap3A_11] {strides = array<i32>} : memref<1x128xf32, #tpu.memory_space<vmem>>, vector<16xf32>,
    tpu.vector_store %arg9[%swap3A_10, %swap3A_11], %broadcast_in_dim3A_9 {strides = array<i32>} : memref<1x128xf32, #tpu.memory_space<vmem>>, vector<16xf32>,
    %broadcast_in_dim3A_13 = arith.constant 0.000000e+00 : f32
    %broadcast_in_dim3A_14 = vector.broadcast %broadcast_in_dim3A_13 : f32 to vector<16xf32>
    %swap3A_15 = arith.constant 0 : i32
    %swap3A_16 = arith.index_cast %swap3A_15 : i32 to index
    %swap3A_17 = arith.constant 16 : index
    %swap3A_18 = tpu.vector_load %arg9[%swap3A_16, %swap3A_17] {strides = array<i32>} : memref<1x128xf32, #tpu.memory_space<vmem>>, vector<16xf32>,
    tpu.vector_store %arg9[%swap3A_16, %swap3A_17], %broadcast_in_dim3A_14 {strides = array<i32>} : memref<1x128xf32, #tpu.memory_space<vmem>>, vector<16xf32>,
    %broadcast_in_dim3A_19 = arith.constant 0.000000e+00 : f32
    %broadcast_in_dim3A_20 = vector.broadcast %broadcast_in_dim3A_19 : f32 to vector<16xf32>
    %swap3A_21 = arith.constant 0 : i32
    %swap3A_22 = arith.index_cast %swap3A_21 : i32 to index
    %swap3A_23 = arith.constant 32 : index
    %swap3A_24 = tpu.vector_load %arg9[%swap3A_22, %swap3A_23] {strides = array<i32>} : memref<1x128xf32, #tpu.memory_space<vmem>>, vector<16xf32>,
    tpu.vector_store %arg9[%swap3A_22, %swap3A_23], %broadcast_in_dim3A_20 {strides = array<i32>} : memref<1x128xf32, #tpu.memory_space<vmem>>, vector<16xf32>,
    %broadcast_in_dim3A_25 = arith.constant 0.000000e+00 : f32
    %broadcast_in_dim3A_26 = vector.broadcast %broadcast_in_dim3A_25 : f32 to vector<16xf32>
    %swap3A_27 = arith.constant 0 : i32
    %swap3A_28 = arith.index_cast %swap3A_27 : i32 to index
    %swap3A_29 = arith.constant 48 : index
    %swap3A_30 = tpu.vector_load %arg9[%swap3A_28, %swap3A_29] {strides = array<i32>} : memref<1x128xf32, #tpu.memory_space<vmem>>, vector<16xf32>,
    tpu.vector_store %arg9[%swap3A_28, %swap3A_29], %broadcast_in_dim3A_26 {strides = array<i32>} : memref<1x128xf32, #tpu.memory_space<vmem>>, vector<16xf32>,
    %broadcast_in_dim3A_31 = arith.constant 0.000000e+00 : f32
    %broadcast_in_dim3A_32 = vector.broadcast %broadcast_in_dim3A_31 : f32 to vector<16xf32>
    %swap3A_33 = arith.constant 0 : i32
    %swap3A_34 = arith.index_cast %swap3A_33 : i32 to index
    %swap3A_35 = arith.constant 64 : index
    %swap3A_36 = tpu.vector_load %arg9[%swap3A_34, %swap3A_35] {strides = array<i32>} : memref<1x128xf32, #tpu.memory_space<vmem>>, vector<16xf32>,
    tpu.vector_store %arg9[%swap3A_34, %swap3A_35], %broadcast_in_dim3A_32 {strides = array<i32>} : memref<1x128xf32, #tpu.memory_space<vmem>>, vector<16xf32>,
    %broadcast_in_dim3A_37 = arith.constant 0.000000e+00 : f32
    %broadcast_in_dim3A_38 = vector.broadcast %broadcast_in_dim3A_37 : f32 to vector<16xf32>
    %swap3A_39 = arith.constant 0 : i32
    %swap3A_40 = arith.index_cast %swap3A_39 : i32 to index
    %swap3A_41 = arith.constant 80 : index
    %swap3A_42 = tpu.vector_load %arg9[%swap3A_40, %swap3A_41] {strides = array<i32>} : memref<1x128xf32, #tpu.memory_space<vmem>>, vector<16xf32>,
    tpu.vector_store %arg9[%swap3A_40, %swap3A_41], %broadcast_in_dim3A_38 {strides = array<i32>} : memref<1x128xf32, #tpu.memory_space<vmem>>, vector<16xf32>,
    %broadcast_in_dim3A_43 = arith.constant 0.000000e+00 : f32
    %broadcast_in_dim3A_44 = vector.broadcast %broadcast_in_dim3A_43 : f32 to vector<16xf32>
    %swap3A_45 = arith.constant 0 : i32
    %swap3A_46 = arith.index_cast %swap3A_45 : i32 to index
    %swap3A_47 = arith.constant 96 : index
    %swap3A_48 = tpu.vector_load %arg9[%swap3A_46, %swap3A_47] {strides = array<i32>} : memref<1x128xf32, #tpu.memory_space<vmem>>, vector<16xf32>,
    tpu.vector_store %arg9[%swap3A_46, %swap3A_47], %broadcast_in_dim3A_44 {strides = array<i32>} : memref<1x128xf32, #tpu.memory_space<vmem>>, vector<16xf32>,
    %broadcast_in_dim3A_49 = arith.constant 0.000000e+00 : f32
    %broadcast_in_dim3A_50 = vector.broadcast %broadcast_in_dim3A_49 : f32 to vector<16xf32>
    %swap3A_51 = arith.constant 0 : i32
    %swap3A_52 = arith.index_cast %swap3A_51 : i32 to index
    %swap3A_53 = arith.constant 112 : index
    %swap3A_54 = tpu.vector_load %arg9[%swap3A_52, %swap3A_53] {strides = array<i32>} : memref<1x128xf32, #tpu.memory_space<vmem>>, vector<16xf32>,
    tpu.vector_store %arg9[%swap3A_52, %swap3A_53], %broadcast_in_dim3A_50 {strides = array<i32>} : memref<1x128xf32, #tpu.memory_space<vmem>>, vector<16xf32>,
    %parallel_loop3A = arith.constant 0 : i32
    %parallel_loop3A_55 = arith.constant 256 : i32
    %parallel_loop3A_56 = arith.constant 1 : i32
    scf.for %parallel_loop3A_61 = %parallel_loop3A to %parallel_loop3A_55 step %parallel_loop3A_56  : i32 {
      %parallel_loop3A_62 = arith.index_cast %parallel_loop3A_61 : i32 to index
      %parallel_loop3A_63 = arith.constant 0 : index
      %parallel_loop3A_64 = tpu.vector_load %arg6[%parallel_loop3A_62, %parallel_loop3A_63] {strides = array<i32>} : memref<256x64xf32, #tpu.memory_space<vmem>>, vector<16xf32>,
      %parallel_loop3A_65 = arith.constant 0 : i32
      %parallel_loop3A_66 = vector.broadcast %parallel_loop3A_65 : i32 to vector<16xi32>
      %parallel_loop3A_67 = arith.addi %iota3A, %parallel_loop3A_66 : vector<16xi32>
      %parallel_loop3A_68 = arith.constant dense<true> : vector<16xi1>
      %parallel_loop3A_69, %parallel_loop3A_70, %parallel_loop3A_71 = tpu.sort %parallel_loop3A_64, %parallel_loop3A_67 masked %parallel_loop3A_68 {descending = true} : (vector<16xf32>, vector<16xi32>, vector<16xi1>) -> (vector<16xi1>, vector<16xf32>, vector<16xi32>)
      %parallel_loop3A_72 = arith.index_cast %parallel_loop3A_61 : i32 to index
      %parallel_loop3A_73 = arith.constant 16 : index
      %parallel_loop3A_74 = tpu.vector_load %arg6[%parallel_loop3A_72, %parallel_loop3A_73] {strides = array<i32>} : memref<256x64xf32, #tpu.memory_space<vmem>>, vector<16xf32>,
      %parallel_loop3A_75 = arith.constant 16 : i32
      %parallel_loop3A_76 = vector.broadcast %parallel_loop3A_75 : i32 to vector<16xi32>
      %parallel_loop3A_77 = arith.addi %iota3A, %parallel_loop3A_76 : vector<16xi32>
      %parallel_loop3A_78 = arith.constant dense<true> : vector<16xi1>
      %parallel_loop3A_79, %parallel_loop3A_80, %parallel_loop3A_81 = tpu.sort %parallel_loop3A_74, %parallel_loop3A_77 masked %parallel_loop3A_78 {descending = true} : (vector<16xf32>, vector<16xi32>, vector<16xi1>) -> (vector<16xi1>, vector<16xf32>, vector<16xi32>)
      %parallel_loop3A_82 = arith.index_cast %parallel_loop3A_61 : i32 to index
      %parallel_loop3A_83 = arith.constant 32 : index
      %parallel_loop3A_84 = tpu.vector_load %arg6[%parallel_loop3A_82, %parallel_loop3A_83] {strides = array<i32>} : memref<256x64xf32, #tpu.memory_space<vmem>>, vector<16xf32>,
      %parallel_loop3A_85 = arith.constant 32 : i32
      %parallel_loop3A_86 = vector.broadcast %parallel_loop3A_85 : i32 to vector<16xi32>
      %parallel_loop3A_87 = arith.addi %iota3A, %parallel_loop3A_86 : vector<16xi32>
      %parallel_loop3A_88 = arith.constant dense<true> : vector<16xi1>
      %parallel_loop3A_89, %parallel_loop3A_90, %parallel_loop3A_91 = tpu.sort %parallel_loop3A_84, %parallel_loop3A_87 masked %parallel_loop3A_88 {descending = true} : (vector<16xf32>, vector<16xi32>, vector<16xi1>) -> (vector<16xi1>, vector<16xf32>, vector<16xi32>)
      %parallel_loop3A_92 = arith.index_cast %parallel_loop3A_61 : i32 to index
      %parallel_loop3A_93 = arith.constant 48 : index
      %parallel_loop3A_94 = tpu.vector_load %arg6[%parallel_loop3A_92, %parallel_loop3A_93] {strides = array<i32>} : memref<256x64xf32, #tpu.memory_space<vmem>>, vector<16xf32>,
      %parallel_loop3A_95 = arith.constant 48 : i32
      %parallel_loop3A_96 = vector.broadcast %parallel_loop3A_95 : i32 to vector<16xi32>
      %parallel_loop3A_97 = arith.addi %iota3A, %parallel_loop3A_96 : vector<16xi32>
      %parallel_loop3A_98 = arith.constant dense<true> : vector<16xi1>
      %parallel_loop3A_99, %parallel_loop3A_100, %parallel_loop3A_101 = tpu.sort %parallel_loop3A_94, %parallel_loop3A_97 masked %parallel_loop3A_98 {descending = true} : (vector<16xf32>, vector<16xi32>, vector<16xi1>) -> (vector<16xi1>, vector<16xf32>, vector<16xi32>)
      %parallel_loop3A_102 = arith.constant 15 : i32
      %parallel_loop3A_103 = vector.broadcast %parallel_loop3A_102 : i32 to vector<16xi32>
      %parallel_loop3A_104 = tpu.iota {dimensions = array<i32: 0>} : vector<16xi32>
      %parallel_loop3A_105 = arith.subi %parallel_loop3A_103, %parallel_loop3A_104 : vector<16xi32>
      %parallel_loop3A_106 = tpu.dynamic_gather %parallel_loop3A_80[%parallel_loop3A_105] in [0] : vector<16xf32>, vector<16xi32> -> vector<16xf32>
      %parallel_loop3A_107 = arith.constant 15 : i32
      %parallel_loop3A_108 = vector.broadcast %parallel_loop3A_107 : i32 to vector<16xi32>
      %parallel_loop3A_109 = tpu.iota {dimensions = array<i32: 0>} : vector<16xi32>
      %parallel_loop3A_110 = arith.subi %parallel_loop3A_108, %parallel_loop3A_109 : vector<16xi32>
      %parallel_loop3A_111 = tpu.dynamic_gather %parallel_loop3A_81[%parallel_loop3A_110] in [0] : vector<16xi32>, vector<16xi32> -> vector<16xi32>
      %parallel_loop3A_112 = arith.cmpf oge, %parallel_loop3A_70, %parallel_loop3A_106 : vector<16xf32>
      %parallel_loop3A_113 = arith.select %parallel_loop3A_112, %parallel_loop3A_70, %parallel_loop3A_106 : vector<16xi1>, vector<16xf32>
      %parallel_loop3A_114 = arith.select %parallel_loop3A_112, %parallel_loop3A_71, %parallel_loop3A_111 : vector<16xi1>, vector<16xi32>
      %parallel_loop3A_115 = arith.constant dense<true> : vector<16xi1>
      %parallel_loop3A_116, %parallel_loop3A_117, %parallel_loop3A_118 = tpu.sort %parallel_loop3A_113, %parallel_loop3A_114 masked %parallel_loop3A_115 {descending = true} : (vector<16xf32>, vector<16xi32>, vector<16xi1>) -> (vector<16xi1>, vector<16xf32>, vector<16xi32>)
      %parallel_loop3A_119 = arith.constant 15 : i32
      %parallel_loop3A_120 = vector.broadcast %parallel_loop3A_119 : i32 to vector<16xi32>
      %parallel_loop3A_121 = tpu.iota {dimensions = array<i32: 0>} : vector<16xi32>
      %parallel_loop3A_122 = arith.subi %parallel_loop3A_120, %parallel_loop3A_121 : vector<16xi32>
      %parallel_loop3A_123 = tpu.dynamic_gather %parallel_loop3A_100[%parallel_loop3A_122] in [0] : vector<16xf32>, vector<16xi32> -> vector<16xf32>
      %parallel_loop3A_124 = arith.constant 15 : i32
      %parallel_loop3A_125 = vector.broadcast %parallel_loop3A_124 : i32 to vector<16xi32>
      %parallel_loop3A_126 = tpu.iota {dimensions = array<i32: 0>} : vector<16xi32>
      %parallel_loop3A_127 = arith.subi %parallel_loop3A_125, %parallel_loop3A_126 : vector<16xi32>
      %parallel_loop3A_128 = tpu.dynamic_gather %parallel_loop3A_101[%parallel_loop3A_127] in [0] : vector<16xi32>, vector<16xi32> -> vector<16xi32>
      %parallel_loop3A_129 = arith.cmpf oge, %parallel_loop3A_90, %parallel_loop3A_123 : vector<16xf32>
      %parallel_loop3A_130 = arith.select %parallel_loop3A_129, %parallel_loop3A_90, %parallel_loop3A_123 : vector<16xi1>, vector<16xf32>
      %parallel_loop3A_131 = arith.select %parallel_loop3A_129, %parallel_loop3A_91, %parallel_loop3A_128 : vector<16xi1>, vector<16xi32>
      %parallel_loop3A_132 = arith.constant dense<true> : vector<16xi1>
      %parallel_loop3A_133, %parallel_loop3A_134, %parallel_loop3A_135 = tpu.sort %parallel_loop3A_130, %parallel_loop3A_131 masked %parallel_loop3A_132 {descending = true} : (vector<16xf32>, vector<16xi32>, vector<16xi1>) -> (vector<16xi1>, vector<16xf32>, vector<16xi32>)
      %parallel_loop3A_136 = arith.constant 15 : i32
      %parallel_loop3A_137 = vector.broadcast %parallel_loop3A_136 : i32 to vector<16xi32>
      %parallel_loop3A_138 = tpu.iota {dimensions = array<i32: 0>} : vector<16xi32>
      %parallel_loop3A_139 = arith.subi %parallel_loop3A_137, %parallel_loop3A_138 : vector<16xi32>
      %parallel_loop3A_140 = tpu.dynamic_gather %parallel_loop3A_134[%parallel_loop3A_139] in [0] : vector<16xf32>, vector<16xi32> -> vector<16xf32>
      %parallel_loop3A_141 = arith.constant 15 : i32
      %parallel_loop3A_142 = vector.broadcast %parallel_loop3A_141 : i32 to vector<16xi32>
      %parallel_loop3A_143 = tpu.iota {dimensions = array<i32: 0>} : vector<16xi32>
      %parallel_loop3A_144 = arith.subi %parallel_loop3A_142, %parallel_loop3A_143 : vector<16xi32>
      %parallel_loop3A_145 = tpu.dynamic_gather %parallel_loop3A_135[%parallel_loop3A_144] in [0] : vector<16xi32>, vector<16xi32> -> vector<16xi32>
      %parallel_loop3A_146 = arith.cmpf oge, %parallel_loop3A_117, %parallel_loop3A_140 : vector<16xf32>
      %parallel_loop3A_147 = arith.select %parallel_loop3A_146, %parallel_loop3A_117, %parallel_loop3A_140 : vector<16xi1>, vector<16xf32>
      %parallel_loop3A_148 = arith.select %parallel_loop3A_146, %parallel_loop3A_118, %parallel_loop3A_145 : vector<16xi1>, vector<16xi32>
      %parallel_loop3A_149 = arith.constant dense<true> : vector<16xi1>
      %parallel_loop3A_150, %parallel_loop3A_151, %parallel_loop3A_152 = tpu.sort %parallel_loop3A_147, %parallel_loop3A_148 masked %parallel_loop3A_149 {descending = true} : (vector<16xf32>, vector<16xi32>, vector<16xi1>) -> (vector<16xi1>, vector<16xf32>, vector<16xi32>)
      %parallel_loop3A_153 = arith.constant true
      %parallel_loop3A_154 = vector.broadcast %parallel_loop3A_153 : i1 to vector<16xi1>
      %parallel_loop3A_155 = tpu.scan <max>, %parallel_loop3A_151 masked %parallel_loop3A_154 : vector<16xf32>, vector<16xi1> -> vector<16xf32>
      %parallel_loop3A_156 = vector.extract %parallel_loop3A_155[15] : f32 from vector<16xf32>
      %parallel_loop3A_157 = vector.broadcast %parallel_loop3A_156 : f32 to vector<16xf32>
      %parallel_loop3A_158 = arith.subf %parallel_loop3A_151, %parallel_loop3A_157 : vector<16xf32>
      %parallel_loop3A_159 = math.exp %parallel_loop3A_158 : vector<16xf32>
      %parallel_loop3A_160 = arith.constant 0.000000e+00 : f32
      %parallel_loop3A_161 = vector.broadcast %parallel_loop3A_160 : f32 to vector<16xf32>
      %parallel_loop3A_162 = arith.select %lt3A_4, %parallel_loop3A_159, %parallel_loop3A_161 : vector<16xi1>, vector<16xf32>
      %parallel_loop3A_163 = arith.constant true
      %parallel_loop3A_164 = vector.broadcast %parallel_loop3A_163 : i1 to vector<16xi1>
      %parallel_loop3A_165 = tpu.scan <sum>, %parallel_loop3A_162 masked %parallel_loop3A_164 : vector<16xf32>, vector<16xi1> -> vector<16xf32>
      %parallel_loop3A_166 = vector.extract %parallel_loop3A_165[15] : f32 from vector<16xf32>
      %parallel_loop3A_167 = vector.broadcast %parallel_loop3A_166 : f32 to vector<16xf32>
      %parallel_loop3A_168 = arith.divf %parallel_loop3A_162, %parallel_loop3A_167 : vector<16xf32>
      %parallel_loop3A_169 = arith.constant 8 : i32
      %parallel_loop3A_170 = arith.muli %parallel_loop3A_61, %parallel_loop3A_169 : i32
      %parallel_loop3A_171 = arith.index_cast %parallel_loop3A_170 : i32 to index
      %parallel_loop3A_172 = tpu.vector_load %arg7[%parallel_loop3A_171] masked %lt3A_4 {strides = array<i32>} : memref<2064xf32, #tpu.memory_space<vmem>>, vector<16xf32>, vector<16xi1>
      tpu.vector_store %arg7[%parallel_loop3A_171], %parallel_loop3A_168 masked %lt3A_4 {strides = array<i32>} : memref<2064xf32, #tpu.memory_space<vmem>>, vector<16xf32>, vector<16xi1>
      %parallel_loop3A_173 = arith.constant 8 : i32
      %parallel_loop3A_174 = arith.muli %parallel_loop3A_61, %parallel_loop3A_173 : i32
      %parallel_loop3A_175 = arith.index_cast %parallel_loop3A_174 : i32 to index
      %parallel_loop3A_176 = tpu.vector_load %arg8[%parallel_loop3A_175] masked %lt3A_4 {strides = array<i32>} : memref<2064xi32, #tpu.memory_space<vmem>>, vector<16xi32>, vector<16xi1>
      tpu.vector_store %arg8[%parallel_loop3A_175], %parallel_loop3A_152 masked %lt3A_4 {strides = array<i32>} : memref<2064xi32, #tpu.memory_space<vmem>>, vector<16xi32>, vector<16xi1>
      tpu.vector_store_idx %arg9[%broadcast_in_dim3A_7, %parallel_loop3A_152], %broadcast_in_dim3A_5 masked %lt3A_4 {add = true} : memref<1x128xf32, #tpu.memory_space<vmem>>[vector<16xi32>, vector<16xi32>], vector<16xf32>, vector<16xi1>
    } {sc.loop_unroll_factor = 4 : i64, sc.parallel_access}
    %mul3A_57 = arith.constant 8 : i32
    %mul3A_58 = arith.muli %mul3A_2, %mul3A_57 : i32
    "tpu.region"() ({
      %run_scoped3A = tpu.sem_alloc : memref<!tpu.dma_semaphore, #tpu.memory_space<semaphore_mem>>
      %dma_start3A = arith.constant 0 : i32
      %dma_start3A_61 = tpu.memref_slice %arg7[%dma_start3A] : memref<2064xf32, #tpu.memory_space<vmem>> -> memref<2048xf32, #tpu.memory_space<vmem>>
      %dma_start3A_62 = tpu.memref_slice %arg3[%mul3A_58] : memref<65536xf32, #tpu.memory_space<hbm>> -> memref<2048xf32, #tpu.memory_space<hbm>>
      %dma_start3A_63 = tpu.memref_slice %arg3[%mul3A_58] : memref<65536xf32, #tpu.memory_space<hbm>> -> memref<2048xf32, #tpu.memory_space<hbm>>
      %dma_start3A_64 = arith.constant 0 : i32
      %dma_start3A_65 = tpu.memref_slice %arg7[%dma_start3A_64] : memref<2064xf32, #tpu.memory_space<vmem>> -> memref<2048xf32, #tpu.memory_space<vmem>>
      tpu.enqueue_dma source(%dma_start3A_65 : memref<2048xf32, #tpu.memory_space<vmem>>) target(%dma_start3A_63 : memref<2048xf32, #tpu.memory_space<hbm>>) target_semaphore(%run_scoped3A : memref<!tpu.dma_semaphore, #tpu.memory_space<semaphore_mem>>)
      %dma_wait3A = arith.constant 0 : i32
      %dma_wait3A_66 = tpu.memref_slice %arg7[%dma_wait3A] : memref<2064xf32, #tpu.memory_space<vmem>> -> memref<2048xf32, #tpu.memory_space<vmem>>
      %dma_wait3A_67 = tpu.memref_slice %arg3[%mul3A_58] : memref<65536xf32, #tpu.memory_space<hbm>> -> memref<2048xf32, #tpu.memory_space<hbm>>
      %dma_wait3A_68 = tpu.memref_slice %arg3[%mul3A_58] : memref<65536xf32, #tpu.memory_space<hbm>> -> memref<2048xf32, #tpu.memory_space<hbm>>
      %dma_wait3A_69 = arith.constant 0 : i32
      %dma_wait3A_70 = tpu.memref_slice %arg7[%dma_wait3A_69] : memref<2064xf32, #tpu.memory_space<vmem>> -> memref<2048xf32, #tpu.memory_space<vmem>>
      tpu.wait_dma2 semaphore(%run_scoped3A : memref<!tpu.dma_semaphore, #tpu.memory_space<semaphore_mem>>) src(%dma_wait3A_70 : memref<2048xf32, #tpu.memory_space<vmem>>) dst(%dma_wait3A_68 : memref<2048xf32, #tpu.memory_space<hbm>>)
      tpu.yield
    }) : () -> ()
    %mul3A_59 = arith.constant 8 : i32
    %mul3A_60 = arith.muli %mul3A_2, %mul3A_59 : i32
    "tpu.region"() ({
      %run_scoped3A = tpu.sem_alloc : memref<!tpu.dma_semaphore, #tpu.memory_space<semaphore_mem>>
      %dma_start3A = arith.constant 0 : i32
      %dma_start3A_61 = tpu.memref_slice %arg8[%dma_start3A] : memref<2064xi32, #tpu.memory_space<vmem>> -> memref<2048xi32, #tpu.memory_space<vmem>>
      %dma_start3A_62 = tpu.memref_slice %arg4[%mul3A_60] : memref<65536xi32, #tpu.memory_space<hbm>> -> memref<2048xi32, #tpu.memory_space<hbm>>
      %dma_start3A_63 = tpu.memref_slice %arg4[%mul3A_60] : memref<65536xi32, #tpu.memory_space<hbm>> -> memref<2048xi32, #tpu.memory_space<hbm>>
      %dma_start3A_64 = arith.constant 0 : i32
      %dma_start3A_65 = tpu.memref_slice %arg8[%dma_start3A_64] : memref<2064xi32, #tpu.memory_space<vmem>> -> memref<2048xi32, #tpu.memory_space<vmem>>
      tpu.enqueue_dma source(%dma_start3A_65 : memref<2048xi32, #tpu.memory_space<vmem>>) target(%dma_start3A_63 : memref<2048xi32, #tpu.memory_space<hbm>>) target_semaphore(%run_scoped3A : memref<!tpu.dma_semaphore, #tpu.memory_space<semaphore_mem>>)
      %dma_wait3A = arith.constant 0 : i32
      %dma_wait3A_66 = tpu.memref_slice %arg8[%dma_wait3A] : memref<2064xi32, #tpu.memory_space<vmem>> -> memref<2048xi32, #tpu.memory_space<vmem>>
      %dma_wait3A_67 = tpu.memref_slice %arg4[%mul3A_60] : memref<65536xi32, #tpu.memory_space<hbm>> -> memref<2048xi32, #tpu.memory_space<hbm>>
      %dma_wait3A_68 = tpu.memref_slice %arg4[%mul3A_60] : memref<65536xi32, #tpu.memory_space<hbm>> -> memref<2048xi32, #tpu.memory_space<hbm>>
      %dma_wait3A_69 = arith.constant 0 : i32
      %dma_wait3A_70 = tpu.memref_slice %arg8[%dma_wait3A_69] : memref<2064xi32, #tpu.memory_space<vmem>> -> memref<2048xi32, #tpu.memory_space<vmem>>
      tpu.wait_dma2 semaphore(%run_scoped3A : memref<!tpu.dma_semaphore, #tpu.memory_space<semaphore_mem>>) src(%dma_wait3A_70 : memref<2048xi32, #tpu.memory_space<vmem>>) dst(%dma_wait3A_68 : memref<2048xi32, #tpu.memory_space<hbm>>)
      tpu.yield
    }) : () -> ()
    "tpu.region"() ({
      %run_scoped3A = tpu.sem_alloc : memref<!tpu.dma_semaphore, #tpu.memory_space<semaphore_mem>>
      %dma_start3A = arith.constant 0 : i32
      %dma_start3A_61 = tpu.memref_slice %arg5[%add3A, %dma_start3A] : memref<32x128xf32, #tpu.memory_space<hbm>> -> memref<1x128xf32, #tpu.memory_space<hbm>>
      %dma_start3A_62 = arith.constant 0 : i32
      %dma_start3A_63 = tpu.memref_slice %arg5[%add3A, %dma_start3A_62] : memref<32x128xf32, #tpu.memory_space<hbm>> -> memref<1x128xf32, #tpu.memory_space<hbm>>
      tpu.enqueue_dma source(%arg9 : memref<1x128xf32, #tpu.memory_space<vmem>>) target(%dma_start3A_63 : memref<1x128xf32, #tpu.memory_space<hbm>>) target_semaphore(%run_scoped3A : memref<!tpu.dma_semaphore, #tpu.memory_space<semaphore_mem>>)
      %dma_wait3A = arith.constant 0 : i32
      %dma_wait3A_64 = tpu.memref_slice %arg5[%add3A, %dma_wait3A] : memref<32x128xf32, #tpu.memory_space<hbm>> -> memref<1x128xf32, #tpu.memory_space<hbm>>
      %dma_wait3A_65 = arith.constant 0 : i32
      %dma_wait3A_66 = tpu.memref_slice %arg5[%add3A, %dma_wait3A_65] : memref<32x128xf32, #tpu.memory_space<hbm>> -> memref<1x128xf32, #tpu.memory_space<hbm>>
      tpu.wait_dma2 semaphore(%run_scoped3A : memref<!tpu.dma_semaphore, #tpu.memory_space<semaphore_mem>>) src(%arg9 : memref<1x128xf32, #tpu.memory_space<vmem>>) dst(%dma_wait3A_66 : memref<1x128xf32, #tpu.memory_space<hbm>>)
      tpu.yield
    }) : () -> ()
    return
  }
}

module attributes {stable_mosaic.version = 14 : i64} {
  func.func @gate_logits_s8(%arg0: i32, %arg1: memref<1024x2048xf32, #tpu.memory_space<vmem>>, %arg2: memref<2048x64xf32, #tpu.memory_space<vmem>>, %arg3: memref<1x64xf32, #tpu.memory_space<vmem>>, %arg4: memref<1024x128xf32, #tpu.memory_space<vmem>>, %arg5: memref<1x64xf32, #tpu.memory_space<vmem>>) attributes {dimension_semantics = [#tpu.dimension_semantics<arbitrary>], iteration_bounds = array<i64: 8>, scalar_prefetch = 0 : i64, scratch_operands = 0 : i64, tpu.core_type = #tpu.core_type<tc>, window_params = [{transform_indices = @transform_0, window_bounds = array<i64: 1024, 2048>}, {pipeline_mode = #tpu.pipeline_mode<synchronous>, transform_indices = @transform_1, window_bounds = array<i64: 2048, 64>}, {pipeline_mode = #tpu.pipeline_mode<synchronous>, transform_indices = @transform_2, window_bounds = array<i64: 1, 64>}, {transform_indices = @transform_3, window_bounds = array<i64: 1024, 128>}, {pipeline_mode = #tpu.pipeline_mode<synchronous>, transform_indices = @transform_4, window_bounds = array<i64: 1, 64>}]} {
    %get3A = arith.constant 0 : index
    %get3A_0 = arith.constant 0 : index
    %get3A_1 = vector.load %arg1[%get3A, %get3A_0] : memref<1024x2048xf32, #tpu.memory_space<vmem>>, vector<1024x2048xf32>
    %get3A_2 = arith.constant 0 : index
    %get3A_3 = arith.constant 0 : index
    %get3A_4 = vector.load %arg2[%get3A_2, %get3A_3] : memref<2048x64xf32, #tpu.memory_space<vmem>>, vector<2048x64xf32>
    %dot_general3A = arith.constant dense<0.000000e+00> : vector<1024x64xf32>
    %dot_general3A_5 = tpu.matmul %get3A_1, %get3A_4, %dot_general3A {dimension_numbers = #tpu.dot_dimension_numbers<[1], [0], [0], [1], [0, 0, 1, 1], [], []>, transpose_lhs_hint = false} : vector<1024x2048xf32>, vector<2048x64xf32>, vector<1024x64xf32> -> vector<1024x64xf32>
    %get3A_6 = arith.constant 0 : index
    %get3A_7 = arith.constant 0 : index
    %get3A_8 = vector.load %arg3[%get3A_6, %get3A_7] : memref<1x64xf32, #tpu.memory_space<vmem>>, vector<1x64xf32>
    %add3A = vector.broadcast %get3A_8 : vector<1x64xf32> to vector<1024x64xf32>
    %add3A_9 = arith.addf %dot_general3A_5, %add3A : vector<1024x64xf32>
    %swap3A = arith.constant 0 : index
    %swap3A_10 = arith.constant 0 : index
    %swap3A_11 = vector.load %arg4[%swap3A, %swap3A_10] : memref<1024x128xf32, #tpu.memory_space<vmem>>, vector<1024x64xf32>
    tpu.vector_store %arg4[%swap3A, %swap3A_10], %add3A_9 {strides = array<i32>} : memref<1024x128xf32, #tpu.memory_space<vmem>>, vector<1024x64xf32>,
    %reduce_max3A = arith.constant dense<0xFF800000> : vector<1024xf32>
    %reduce_max3A_12 = vector.multi_reduction <maximumf>, %add3A_9, %reduce_max3A [1] : vector<1024x64xf32> to vector<1024xf32>
    %broadcast_in_dim3A = vector.shape_cast %reduce_max3A_12 : vector<1024xf32> to vector<1024x1xf32>
    %sub3A = vector.broadcast %broadcast_in_dim3A : vector<1024x1xf32> to vector<1024x64xf32>
    %sub3A_13 = arith.subf %add3A_9, %sub3A : vector<1024x64xf32>
    %exp3A = math.exp %sub3A_13 : vector<1024x64xf32>
    %reduce_sum3A = arith.constant dense<0.000000e+00> : vector<1024xf32>
    %reduce_sum3A_14 = vector.multi_reduction <add>, %exp3A, %reduce_sum3A [1] : vector<1024x64xf32> to vector<1024xf32>
    %broadcast_in_dim3A_15 = vector.shape_cast %reduce_sum3A_14 : vector<1024xf32> to vector<1024x1xf32>
    %div3A = vector.broadcast %broadcast_in_dim3A_15 : vector<1024x1xf32> to vector<1024x64xf32>
    %div3A_16 = arith.divf %exp3A, %div3A : vector<1024x64xf32>
    %eq3A = arith.constant 0 : i32
    %eq3A_17 = arith.cmpi eq, %arg0, %eq3A : i32
    %convert_element_type3A = arith.extui %eq3A_17 : i1 to i32
    %cond3A = arith.constant 0 : i32
    %cond3A_18 = arith.cmpi ne, %convert_element_type3A, %cond3A : i32
    scf.if %cond3A_18 {
      %broadcast_in_dim3A_29 = arith.constant 0.000000e+00 : f32
      %broadcast_in_dim3A_30 = vector.broadcast %broadcast_in_dim3A_29 : f32 to vector<1x64xf32>
      %swap3A_31 = arith.constant 0 : index
      %swap3A_32 = arith.constant 0 : index
      %swap3A_33 = vector.load %arg5[%swap3A_31, %swap3A_32] : memref<1x64xf32, #tpu.memory_space<vmem>>, vector<1x64xf32>
      tpu.vector_store %arg5[%swap3A_31, %swap3A_32], %broadcast_in_dim3A_30 {strides = array<i32>} : memref<1x64xf32, #tpu.memory_space<vmem>>, vector<1x64xf32>,
    } else {
    }
    %get3A_19 = arith.constant 0 : index
    %get3A_20 = arith.constant 0 : index
    %get3A_21 = vector.load %arg5[%get3A_19, %get3A_20] : memref<1x64xf32, #tpu.memory_space<vmem>>, vector<1x64xf32>
    %reduce_sum3A_22 = arith.constant dense<0.000000e+00> : vector<64xf32>
    %reduce_sum3A_23 = vector.multi_reduction <add>, %div3A_16, %reduce_sum3A_22 [0] : vector<1024x64xf32> to vector<64xf32>
    %broadcast_in_dim3A_24 = vector.shape_cast %reduce_sum3A_23 : vector<64xf32> to vector<1x64xf32>
    %add3A_25 = arith.addf %get3A_21, %broadcast_in_dim3A_24 : vector<1x64xf32>
    %swap3A_26 = arith.constant 0 : index
    %swap3A_27 = arith.constant 0 : index
    %swap3A_28 = vector.load %arg5[%swap3A_26, %swap3A_27] : memref<1x64xf32, #tpu.memory_space<vmem>>, vector<1x64xf32>
    tpu.vector_store %arg5[%swap3A_26, %swap3A_27], %add3A_25 {strides = array<i32>} : memref<1x64xf32, #tpu.memory_space<vmem>>, vector<1x64xf32>,
    return
  }
  func.func @transform_0(%arg0: i32) -> (i32, i32) {
    %add3A = arith.constant 8 : i32
    %add3A_0 = arith.addi %add3A, %arg0 : i32
    %c0_i32 = arith.constant 0 : i32
    %c0_i32_1 = arith.constant 0 : i32
    return %add3A_0, %c0_i32 : i32, i32
  }
  func.func @transform_1(%arg0: i32) -> (i32, i32) {
    %c0_i32 = arith.constant 0 : i32
    %c0_i32_0 = arith.constant 0 : i32
    %c0_i32_1 = arith.constant 0 : i32
    return %c0_i32, %c0_i32_0 : i32, i32
  }
  func.func @transform_2(%arg0: i32) -> (i32, i32) {
    %c0_i32 = arith.constant 0 : i32
    %c0_i32_0 = arith.constant 0 : i32
    %c0_i32_1 = arith.constant 0 : i32
    return %c0_i32, %c0_i32_0 : i32, i32
  }
  func.func @transform_3(%arg0: i32) -> (i32, i32) {
    %c0_i32 = arith.constant 0 : i32
    %c0_i32_0 = arith.constant 0 : i32
    return %arg0, %c0_i32 : i32, i32
  }
  func.func @transform_4(%arg0: i32) -> (i32, i32) {
    %c0_i32 = arith.constant 0 : i32
    %c0_i32_0 = arith.constant 0 : i32
    %c0_i32_1 = arith.constant 0 : i32
    return %c0_i32, %c0_i32_0 : i32, i32
  }
}

module attributes {stable_mosaic.version = 14 : i64} {
  func.func @gate_logits_s0(%arg0: i32, %arg1: memref<1024x2048xf32, #tpu.memory_space<vmem>>, %arg2: memref<2048x64xf32, #tpu.memory_space<vmem>>, %arg3: memref<1x64xf32, #tpu.memory_space<vmem>>, %arg4: memref<1024x128xf32, #tpu.memory_space<vmem>>, %arg5: memref<1x64xf32, #tpu.memory_space<vmem>>) attributes {dimension_semantics = [#tpu.dimension_semantics<arbitrary>], iteration_bounds = array<i64: 8>, scalar_prefetch = 0 : i64, scratch_operands = 0 : i64, tpu.core_type = #tpu.core_type<tc>, window_params = [{transform_indices = @transform_0, window_bounds = array<i64: 1024, 2048>}, {pipeline_mode = #tpu.pipeline_mode<synchronous>, transform_indices = @transform_1, window_bounds = array<i64: 2048, 64>}, {pipeline_mode = #tpu.pipeline_mode<synchronous>, transform_indices = @transform_2, window_bounds = array<i64: 1, 64>}, {transform_indices = @transform_3, window_bounds = array<i64: 1024, 128>}, {pipeline_mode = #tpu.pipeline_mode<synchronous>, transform_indices = @transform_4, window_bounds = array<i64: 1, 64>}]} {
    %get3A = arith.constant 0 : index
    %get3A_0 = arith.constant 0 : index
    %get3A_1 = vector.load %arg1[%get3A, %get3A_0] : memref<1024x2048xf32, #tpu.memory_space<vmem>>, vector<1024x2048xf32>
    %get3A_2 = arith.constant 0 : index
    %get3A_3 = arith.constant 0 : index
    %get3A_4 = vector.load %arg2[%get3A_2, %get3A_3] : memref<2048x64xf32, #tpu.memory_space<vmem>>, vector<2048x64xf32>
    %dot_general3A = arith.constant dense<0.000000e+00> : vector<1024x64xf32>
    %dot_general3A_5 = tpu.matmul %get3A_1, %get3A_4, %dot_general3A {dimension_numbers = #tpu.dot_dimension_numbers<[1], [0], [0], [1], [0, 0, 1, 1], [], []>, transpose_lhs_hint = false} : vector<1024x2048xf32>, vector<2048x64xf32>, vector<1024x64xf32> -> vector<1024x64xf32>
    %get3A_6 = arith.constant 0 : index
    %get3A_7 = arith.constant 0 : index
    %get3A_8 = vector.load %arg3[%get3A_6, %get3A_7] : memref<1x64xf32, #tpu.memory_space<vmem>>, vector<1x64xf32>
    %add3A = vector.broadcast %get3A_8 : vector<1x64xf32> to vector<1024x64xf32>
    %add3A_9 = arith.addf %dot_general3A_5, %add3A : vector<1024x64xf32>
    %swap3A = arith.constant 0 : index
    %swap3A_10 = arith.constant 0 : index
    %swap3A_11 = vector.load %arg4[%swap3A, %swap3A_10] : memref<1024x128xf32, #tpu.memory_space<vmem>>, vector<1024x64xf32>
    tpu.vector_store %arg4[%swap3A, %swap3A_10], %add3A_9 {strides = array<i32>} : memref<1024x128xf32, #tpu.memory_space<vmem>>, vector<1024x64xf32>,
    %reduce_max3A = arith.constant dense<0xFF800000> : vector<1024xf32>
    %reduce_max3A_12 = vector.multi_reduction <maximumf>, %add3A_9, %reduce_max3A [1] : vector<1024x64xf32> to vector<1024xf32>
    %broadcast_in_dim3A = vector.shape_cast %reduce_max3A_12 : vector<1024xf32> to vector<1024x1xf32>
    %sub3A = vector.broadcast %broadcast_in_dim3A : vector<1024x1xf32> to vector<1024x64xf32>
    %sub3A_13 = arith.subf %add3A_9, %sub3A : vector<1024x64xf32>
    %exp3A = math.exp %sub3A_13 : vector<1024x64xf32>
    %reduce_sum3A = arith.constant dense<0.000000e+00> : vector<1024xf32>
    %reduce_sum3A_14 = vector.multi_reduction <add>, %exp3A, %reduce_sum3A [1] : vector<1024x64xf32> to vector<1024xf32>
    %broadcast_in_dim3A_15 = vector.shape_cast %reduce_sum3A_14 : vector<1024xf32> to vector<1024x1xf32>
    %div3A = vector.broadcast %broadcast_in_dim3A_15 : vector<1024x1xf32> to vector<1024x64xf32>
    %div3A_16 = arith.divf %exp3A, %div3A : vector<1024x64xf32>
    %eq3A = arith.constant 0 : i32
    %eq3A_17 = arith.cmpi eq, %arg0, %eq3A : i32
    %convert_element_type3A = arith.extui %eq3A_17 : i1 to i32
    %cond3A = arith.constant 0 : i32
    %cond3A_18 = arith.cmpi ne, %convert_element_type3A, %cond3A : i32
    scf.if %cond3A_18 {
      %broadcast_in_dim3A_29 = arith.constant 0.000000e+00 : f32
      %broadcast_in_dim3A_30 = vector.broadcast %broadcast_in_dim3A_29 : f32 to vector<1x64xf32>
      %swap3A_31 = arith.constant 0 : index
      %swap3A_32 = arith.constant 0 : index
      %swap3A_33 = vector.load %arg5[%swap3A_31, %swap3A_32] : memref<1x64xf32, #tpu.memory_space<vmem>>, vector<1x64xf32>
      tpu.vector_store %arg5[%swap3A_31, %swap3A_32], %broadcast_in_dim3A_30 {strides = array<i32>} : memref<1x64xf32, #tpu.memory_space<vmem>>, vector<1x64xf32>,
    } else {
    }
    %get3A_19 = arith.constant 0 : index
    %get3A_20 = arith.constant 0 : index
    %get3A_21 = vector.load %arg5[%get3A_19, %get3A_20] : memref<1x64xf32, #tpu.memory_space<vmem>>, vector<1x64xf32>
    %reduce_sum3A_22 = arith.constant dense<0.000000e+00> : vector<64xf32>
    %reduce_sum3A_23 = vector.multi_reduction <add>, %div3A_16, %reduce_sum3A_22 [0] : vector<1024x64xf32> to vector<64xf32>
    %broadcast_in_dim3A_24 = vector.shape_cast %reduce_sum3A_23 : vector<64xf32> to vector<1x64xf32>
    %add3A_25 = arith.addf %get3A_21, %broadcast_in_dim3A_24 : vector<1x64xf32>
    %swap3A_26 = arith.constant 0 : index
    %swap3A_27 = arith.constant 0 : index
    %swap3A_28 = vector.load %arg5[%swap3A_26, %swap3A_27] : memref<1x64xf32, #tpu.memory_space<vmem>>, vector<1x64xf32>
    tpu.vector_store %arg5[%swap3A_26, %swap3A_27], %add3A_25 {strides = array<i32>} : memref<1x64xf32, #tpu.memory_space<vmem>>, vector<1x64xf32>,
    return
  }
  func.func @transform_0(%arg0: i32) -> (i32, i32) {
    %add3A = arith.constant 0 : i32
    %add3A_0 = arith.addi %add3A, %arg0 : i32
    %c0_i32 = arith.constant 0 : i32
    %c0_i32_1 = arith.constant 0 : i32
    return %add3A_0, %c0_i32 : i32, i32
  }
  func.func @transform_1(%arg0: i32) -> (i32, i32) {
    %c0_i32 = arith.constant 0 : i32
    %c0_i32_0 = arith.constant 0 : i32
    %c0_i32_1 = arith.constant 0 : i32
    return %c0_i32, %c0_i32_0 : i32, i32
  }
  func.func @transform_2(%arg0: i32) -> (i32, i32) {
    %c0_i32 = arith.constant 0 : i32
    %c0_i32_0 = arith.constant 0 : i32
    %c0_i32_1 = arith.constant 0 : i32
    return %c0_i32, %c0_i32_0 : i32, i32
  }
  func.func @transform_3(%arg0: i32) -> (i32, i32) {
    %c0_i32 = arith.constant 0 : i32
    %c0_i32_0 = arith.constant 0 : i32
    return %arg0, %c0_i32 : i32, i32
  }
  func.func @transform_4(%arg0: i32) -> (i32, i32) {
    %c0_i32 = arith.constant 0 : i32
    %c0_i32_0 = arith.constant 0 : i32
    %c0_i32_1 = arith.constant 0 : i32
    return %c0_i32, %c0_i32_0 : i32, i32
  }
}

module attributes {stable_mosaic.version = 14 : i64} {
  func.func @aux_finish(%arg0: memref<1x64xf32, #tpu.memory_space<vmem>>, %arg1: memref<1x64xf32, #tpu.memory_space<vmem>>, %arg2: memref<32x128xf32, #tpu.memory_space<vmem>>, %arg3: memref<32x128xf32, #tpu.memory_space<vmem>>, %arg4: memref<1x1xf32, #tpu.memory_space<vmem>>) attributes {dimension_semantics = [], scalar_prefetch = 0 : i64, scratch_operands = 0 : i64, tpu.core_type = #tpu.core_type<tc>} {
    %get3A = arith.constant 0 : index
    %get3A_0 = arith.constant 0 : index
    %get3A_1 = vector.load %arg0[%get3A, %get3A_0] : memref<1x64xf32, #tpu.memory_space<vmem>>, vector<1x64xf32>
    %get3A_2 = arith.constant 0 : index
    %get3A_3 = arith.constant 0 : index
    %get3A_4 = vector.load %arg1[%get3A_2, %get3A_3] : memref<1x64xf32, #tpu.memory_space<vmem>>, vector<1x64xf32>
    %add3A = arith.addf %get3A_1, %get3A_4 : vector<1x64xf32>
    %get3A_5 = arith.constant 0 : index
    %get3A_6 = arith.constant 0 : index
    %get3A_7 = vector.load %arg2[%get3A_5, %get3A_6] : memref<32x128xf32, #tpu.memory_space<vmem>>, vector<32x64xf32>
    %reduce_sum3A = arith.constant dense<0.000000e+00> : vector<64xf32>
    %reduce_sum3A_8 = vector.multi_reduction <add>, %get3A_7, %reduce_sum3A [0] : vector<32x64xf32> to vector<64xf32>
    %broadcast_in_dim3A = vector.shape_cast %reduce_sum3A_8 : vector<64xf32> to vector<1x64xf32>
    %get3A_9 = arith.constant 0 : index
    %get3A_10 = arith.constant 0 : index
    %get3A_11 = vector.load %arg3[%get3A_9, %get3A_10] : memref<32x128xf32, #tpu.memory_space<vmem>>, vector<32x64xf32>
    %reduce_sum3A_12 = arith.constant dense<0.000000e+00> : vector<64xf32>
    %reduce_sum3A_13 = vector.multi_reduction <add>, %get3A_11, %reduce_sum3A_12 [0] : vector<32x64xf32> to vector<64xf32>
    %broadcast_in_dim3A_14 = vector.shape_cast %reduce_sum3A_13 : vector<64xf32> to vector<1x64xf32>
    %add3A_15 = arith.addf %broadcast_in_dim3A, %broadcast_in_dim3A_14 : vector<1x64xf32>
    %mul3A = arith.mulf %add3A, %add3A_15 : vector<1x64xf32>
    %reduce_sum3A_16 = vector.shape_cast %mul3A : vector<1x64xf32> to vector<1x1x64xf32>
    %reduce_sum3A_17 = arith.constant dense<0.000000e+00> : vector<1xf32>
    %reduce_sum3A_18 = vector.multi_reduction <add>, %reduce_sum3A_16, %reduce_sum3A_17 [1, 2] : vector<1x1x64xf32> to vector<1xf32>
    %reduce_sum3A_19 = vector.shape_cast %reduce_sum3A_18 : vector<1xf32> to vector<1x1x1xf32>
    %reduce_sum3A_20 = vector.extract %reduce_sum3A_19[0, 0, 0] : f32 from vector<1x1x1xf32>
    %broadcast_in_dim3A_21 = vector.broadcast %reduce_sum3A_20 : f32 to vector<1x1xf32>
    %mul3A_22 = arith.constant 6.400000e+01 : f32
    %mul3A_23 = vector.broadcast %mul3A_22 : f32 to vector<1x1xf32>
    %mul3A_24 = arith.mulf %broadcast_in_dim3A_21, %mul3A_23 : vector<1x1xf32>
    %swap3A = arith.constant 0 : index
    %swap3A_25 = arith.constant 0 : index
    %swap3A_26 = vector.load %arg4[%swap3A, %swap3A_25] : memref<1x1xf32, #tpu.memory_space<vmem>>, vector<1x1xf32>
    tpu.vector_store %arg4[%swap3A, %swap3A_25], %mul3A_24 {strides = array<i32>} : memref<1x1xf32, #tpu.memory_space<vmem>>, vector<1x1xf32>,
    return
  }
}

</mosaic_0001>

<sc_bundles>
// kernel: kernel.4.cloned.1.call-start
scs
__scs_entry_jumppad:
0x0: {  	(pc) =	sbr.rel $0x88, $3  }
0x1: {  	(tag) =	ssettag $0x0;
	lr =	simm.s32 $0x1  }
0x2: {  	[smem:$0x3F9E] =	sst lr;
	_ =	strace $0xD0000000  }
0x3: {  	_ = 	snop  }
0x4: {  	_ = 	snop  }
0x5: {  	_ = 	snop  }
0x6: {  	_ = 	snop  }
0x7: {  	_ = 	snop  }
__scs_overlays_trampoline_lowered:
0x8: {  	[smem:$0x3FAD] =	sst s0  }
0x9: {  	[smem:$0x3FAE] =	sst s1  }
0xa: {  	[smem:$0x3FAF] =	sst s2  }
0xb: {  	[smem:$0x3FB0] =	sst s3  }
0xc: {  	[smem:$0x3FB1] =	sst s4  }
0xd: {  	[smem:$0x3FB2] =	sst s5  }
0xe: {  	[smem:$0x3FB3] =	sst s6  }
0xf: {  	[smem:$0x3FB4] =	sst s7  }
0x10: {  	[smem:$0x3FB5] =	sst s8  }
0x11: {  	[smem:$0x3FB6] =	sst s9;
	s0 =	simm.s32 @!p0 $0x0  }
0x12: {  	s1 =	sld [smem:$0x3F9C];
	s0 =	simm.s32 @p0 $0x1  }
0x13: {  	[smem:$0x3FB7] =	sst s0;
	s0 =	simm.s32 @!p1 $0x0  }
0x14: {  	s2 =	sld [smem:$0x3F9B];
	s0 =	simm.s32 @p1 $0x1  }
0x15: {  	[smem:$0x3FB8] =	sst s0;
	s0 =	simm.s32 @!p2 $0x0  }
0x16: {  	s3 =	sld [smem:$0x3FDB];
	s0 =	simm.s32 @p2 $0x1  }
0x17: {  	s4 =	simm.s32 $0x1BF5;
	[smem:$0x3FBA] =	sst s0  }
0x18: {  	s0 =	sld [smem:$0x3F9D];
	_ =	swait.ge [sflag:s4], $0x0  }
0x19: {  	s7 =	sld [smem:$0x3F9E]  }
0x1a: {  	s8 =	sadd.s32 $0xFFFFE003, lr  }
0x1b: {  	s9 =	sadd.s32 $0xFFFFFEF7, lr;
	s5 =	simm.s32 $0xFFFFFFFF;
	p2 =	slt.u32 s8, $0xFFFFF086  }
0x1c: {  	p1 =	slt.u32 s9, $0xF7A;
	s5 =	simm.s32 @!p2 $0x0  }
0x1d: {  	s5 =	simm.s32 @p1 $0x1;
	p0 =	seq.s32 s7, s2  }
0x1e: {  	s7 =	smul.u32 @!p0 $0xF7A, s2;
	p2 =	seq.s32 @!p0 s5, $0x0  }
0x1f: {  	s9 =	smul.u32 $0xF7A, s1;
	s8 =	simm.s32 @!p0 $0x1BF5;
	p2 =	por !p2, p0  }
0x20: {  	[sflag:s8] =	ssyncset.s32 @!p0 $0xFFFFF086;
	s6 =	sadd.s32 @!p0 s3, s7;
	s7 =	simm.s32 @!p0 $0x108  }
0x21: {  	s3 =	sadd.s32 s3, s9;
	s6 =	sadd.s32 @!p0 $0x88, s6;
	s7 =	simm.s32 @p2 $0x1082  }
0x22: {  	[simem:s7], [sflag:s8] =	dma.local @!p0 [hbm:s6], $0xF7A  }
0x23: {  	s9 =	sor.u32 $0xD0000000, s2;
	s6 =	simm.s32 $0x108;
	_ =	swait.ge @!p0 [sflag:s8], $0x0  }
0x24: {  	s3 =	sadd.s32 $0x88, s3;
	s6 =	simm.s32 @!p1 $0x1082;
	[sflag:s4] =	ssyncset.s32 $0xFFFFF086  }
0x25: {  	[simem:s6], [sflag:s4] =	dma.local [hbm:s3], $0xF7A  }
0x26: {  	[smem:$0x3F9E] =	sst s1;
	(tag) =	ssettag s2;
	_ =	strace s9  }
0x27: {  	s1 =	sld [smem:$0x3FAE]  }
0x28: {  	s2 =	sld [smem:$0x3FAF]  }
0x29: {  	s4 =	sld [smem:$0x3FB1]  }
0x2a: {  	p0 =	seq.s32 s5, $0x0;
	s5 =	sld [smem:$0x3FB2]  }
0x2b: {  	s6 =	sld [smem:$0x3FB3]  }
0x2c: {  	s7 =	sld [smem:$0x3FB4]  }
0x2d: {  	s3 =	simm.s32 $0x108;
	s8 =	sld [smem:$0x3FB5]  }
0x2e: {  	s3 =	simm.s32 @!p0 $0x1082;
	s9 =	sld [smem:$0x3FB6]  }
0x2f: {  	lr =	sadd.s32 s0, s3;
	s0 =	sld [smem:$0x3FAD]  }
0x30: {  	s3 =	sld [smem:$0x3FB0]  }
0x31: {  	[smem:$0x3FB9] =	sst s10  }
0x32: {  	s10 =	sld [smem:$0x3FB7];
	_ =	sdelay $0x3  }
0x33: {  	p0 =	seq.s32 s10, $0x1;
	s10 =	sld [smem:$0x3FB9];
	_ =	sdelay $0x3  }
0x34: {  	[smem:$0x3FB9] =	sst s10  }
0x35: {  	s10 =	sld [smem:$0x3FB8];
	_ =	sdelay $0x3  }
0x36: {  	p1 =	seq.s32 s10, $0x1;
	s10 =	sld [smem:$0x3FB9];
	_ =	sdelay $0x3  }
0x37: {  	[smem:$0x3FB9] =	sst s10  }
0x38: {  	s10 =	sld [smem:$0x3FBA]  }
0x39: {  	_ = 	snop;
	(pc) =	sbr.ind lr, $3  }
0x3a: {  	_ = 	snop  }
0x3b: {  	_ = 	snop  }
0x3c: {  	p2 =	seq.s32 s10, $0x1;
	s10 =	sld [smem:$0x3FB9]  }
0x3d: {  	_ =	shalt  }
0x3e: {  	_ =	shalt  }
0x3f: {  	_ =	shalt  }
0x40: {  	_ =	shalt  }
0x41: {  	_ =	shalt  }
0x42: {  	_ =	shalt  }
0x43: {  	_ =	shalt  }
0x44: {  	_ =	shalt  }
0x45: {  	_ =	shalt  }
0x46: {  	_ =	shalt  }
0x47: {  	_ =	shalt  }
0x48: {  	_ =	shalt  }
0x49: {  	_ =	shalt  }
0x4a: {  	_ =	shalt  }
0x4b: {  	_ =	shalt  }
0x4c: {  	_ =	shalt  }
0x4d: {  	_ =	shalt  }
0x4e: {  	_ =	shalt  }
0x4f: {  	_ =	shalt  }
0x50: {  	_ =	shalt  }
0x51: {  	_ =	shalt  }
0x52: {  	_ =	shalt  }
0x53: {  	_ =	shalt  }
0x54: {  	_ =	shalt  }
0x55: {  	_ =	shalt  }
0x56: {  	_ =	shalt  }
0x57: {  	_ =	shalt  }
0x58: {  	_ =	shalt  }
0x59: {  	_ =	shalt  }
0x5a: {  	_ =	shalt  }
0x5b: {  	_ =	shalt  }
0x5c: {  	_ =	shalt  }
0x5d: {  	_ =	shalt  }
0x5e: {  	_ =	shalt  }
0x5f: {  	_ =	shalt  }
0x60: {  	_ =	shalt  }
0x61: {  	_ =	shalt  }
0x62: {  	_ =	shalt  }
0x63: {  	_ =	shalt  }
0x64: {  	_ =	shalt  }
0x65: {  	_ =	shalt  }
0x66: {  	_ =	shalt  }
0x67: {  	_ =	shalt  }
0x68: {  	_ =	shalt  }
0x69: {  	_ =	shalt  }
0x6a: {  	_ =	shalt  }
0x6b: {  	_ =	shalt  }
0x6c: {  	_ =	shalt  }
0x6d: {  	_ =	shalt  }
0x6e: {  	_ =	shalt  }
0x6f: {  	_ =	shalt  }
0x70: {  	_ =	shalt  }
0x71: {  	_ =	shalt  }
0x72: {  	_ =	shalt  }
0x73: {  	_ =	shalt  }
0x74: {  	_ =	shalt  }
0x75: {  	_ =	shalt  }
0x76: {  	_ =	shalt  }
0x77: {  	_ =	shalt  }
0x78: {  	_ =	shalt  }
0x79: {  	_ =	shalt  }
0x7a: {  	_ =	shalt  }
0x7b: {  	_ =	shalt  }
0x7c: {  	_ =	shalt  }
0x7d: {  	_ =	shalt  }
0x7e: {  	_ =	shalt  }
0x7f: {  	_ =	shalt  }
0x80: {  	_ =	shalt  }
0x81: {  	_ =	shalt  }
0x82: {  	_ =	shalt  }
0x83: {  	_ =	shalt  }
0x84: {  	_ =	shalt  }
0x85: {  	_ =	shalt  }
0x86: {  	_ =	shalt  }
0x87: {  	_ =	shalt  }
.Lfunc_end0:
.L_simem_size_0:
called_computation_lowered:
.L_overlay_start_0:
0x88: {  	s2 =	sld [smem:$0x3FD9]  }
0x89: {  	s3 =	sld [smem:$0x3FFE];
	_ =	sdelay $0x1  }
0x8a: {  	s1 =	srdreg.scid  }
0x8b: {  	s0 =	sand.u32 $0x1, s1  }
0x8c: {  	s16 =	sshll.u32 s0, $0xA;
	s2 =	sadd.s32 s3, s2  }
0x8d: {  	s2 =	sadd.s32 s2, s16  }
0x8e: {  	[smem:$0x3FC5] =	sst s2  }
0x8f: {  	_ = 	snop  }
0x90: {  	(tm) =	ssettm $0x1  }
0x91: {  	s17 =	sld [smem:$0x3FFB];
	_ =	sdelay $0x3  }
0x92: {  	_ =	strace s17  }
0x93: {  	s2 =	sld [smem:$0x3FFC];
	_ =	sdelay $0x3  }
0x94: {  	_ =	strace s2  }
0x95: {  	s2 =	sld [smem:$0x3FFD];
	_ =	sdelay $0x3  }
0x96: {  	_ =	strace s2  }
0x97: {  	_ =	strace $0x8FFFFFFF  }
0x98: {  	s18 =	sld [smem:$0x3FDB];
	_ =	sdelay $0x1  }
0x99: {  	s19 =	simm.s32 $_scs_section_size  }
0x9a: {  	s4 =	simm.s32 $_size__tile_overlayer_lowered;
	s5 =	simm.s32 $_tile_overlayer_lowered  }
0x9b: {  	s22 =	simm.s32 $0x1BFF;
	s21 =	sshll.u32 s5, $0x1;
	s2 =	sadd.s32 s19, s18  }
0x9c: {  	s6 =	simm.s32 $0x0;
	s20 =	sshll.u32 s4, $0x1;
	s4 =	sadd.s32 s21, s2  }
0x9d: {  	[timem:s6], [sflag:s22] =	dma.local [hbm:s4], s20  }
0x9e: {  	_ =	swait.ge [sflag:s22], s20  }
0x9f: {  	s3 =	ssub.s32 $0x0, s20;
	[sflag:s22] =	ssyncset.done $0x0  }
0xa0: {  	[sflag:s22] =	ssyncadd.s32 s3;
	_ =	sdelay $0x1  }
0xa1: {  	s23 =	simm.s32 $0x1B8B  }
0xa2: {  	_ =	swait.ge [sflag:s23], $0x1  }
0xa3: {  	[sflag:s23] =	ssyncset.done $0x0  }
0xa4: {  	s25 =	simm.s32 $0x1B8E;
	s24 =	sld [smem:$0x3FFE];
	[sflag:s23] =	ssyncadd.s32 $0xFFFFFFFF  }
0xa5: {  	s26 =	simm.s32 $execute0_lowered;
	[smem:$0x3FD2] =	sst s25  }
0xa6: {  	s4 =	sshll.u32 s26, $0x1;
	_ =	strace $0x80000046;
	[dreg:$0x1] =	wrdreg $0xFFFFFFFF  }
0xa7: {  	s28 =	simm.s32 $_size_execute0_lowered;
	s2 =	sadd.s32 s2, s4;
	[dreg:$0x0] =	wrdreg $0x0  }
0xa8: {  	s4 =	sshll.u32 s28, $0x1;
	[dreg:$0x2] =	wrdreg s2  }
0xa9: {  	[dreg:$0x3] =	wrdreg s4  }
0xaa: {  	[dreg:$0x4] =	wrdreg $0xC0  }
0xab: {  	_ =	task [dreg:s6], $0x5FFFF  }
0xac: {  	[dreg:$0x1] =	wrdreg $0xFFFFFFFF  }
0xad: {  	[dreg:$0x0] =	wrdreg $0x60  }
0xae: {  	[dreg:$0x2] =	wrdreg s24  }
0xaf: {  	[dreg:$0x3] =	wrdreg $0x9  }
0xb0: {  	_ =	task.clear_ibuf [dreg:s6], $0x4FFFF;
	_ =	strace $0x90000046  }
0xb1: {  	s29 =	simm.s32 $0x9;
	_ =	strace $0x80000048  }
0xb2: {  	_ =	swait.ge [sflag:s29], $0x1  }
0xb3: {  	[sflag:s29] =	ssyncadd.s32 $0xFFFFFFFF  }
0xb4: {  	_ =	strace $0x90000048  }
0xb5: {  	_ =	sfence  }
0xb6: {  	s30 =	sld [smem:$0x0];
	_ =	sdelay $0x2  }
0xb7: {  	s31 =	sshll.u32 s1, $0xD;
	s1 =	sshrl.u32 s1, $0x2  }
0xb8: {  	s3 =	sand.u32 $0x4000, s31;
	s1 =	sadd.s32 s1, s30  }
0xb9: {  	s0 =	sor.u32 s3, s0;
	s1 =	sshll.u32 s1, $0x11  }
0xba: {  	s0 =	sor.u32 s1, s0  }
0xbb: {  	s0 =	sadd.s32 $0x8F2B, s0  }
0xbc: {  	[sflag:s0] =	ssyncadd.remote.s32 $0x1  }
0xbd: {  	_ =	sfence.sel $0xFFFF  }
0xbe: {  	[dreg:$0x0] =	wrdreg $0xFFFFFFFF;
	(pc) =	sbr.abs _section_cstart, $3  }
0xbf: {  	[dreg:$0x1] =	wrdreg $0xFFFFFFFF  }
0xc0: {  	_ =	task.clear_ibuf [dreg:s6], $0x2FFFF;
	_ =	strace $0x9FFFFFFF  }
0xc1: {  	(tm) =	ssettm $0x7FFFFFFF  }
tec
execute0_lowered:
.L_overlay_start_1:
0x0: {  	(tag) =	ssettag $0x1  }
0x1: {  	s0 =	srdreg.scid;
	s2 =	stileid.u32  }
0x2: {  	s1 =	rddreg [dreg:$0x0];
	s9 =	simm.s32 $0x1;
	s10 =	simm.s32 $0x5020  }
0x3: {  	s0 =	sand.u32 $0x1, s0;
	s3 =	sshll.u32 s2, $0x1;
	s2 =	simm.s32 $0x0  }
0x4: {  	s13 =	simm.s32 $0x0;
	s3 =	sor.u32 s0, s3;
	[smem:$0x7FF] =	sst s2  }
0x5: {  	s0 =	ssub.s32 $0x2, s0;
	s4 =	sshll.u32 s3, $0xC;
	_ =	strace $0x80000047  }
0x6: {  	v0 =	vlaneseq.u32;
	s5 =	sshll.u32 s3, $0x8;
	s3 =	sshll.u32 s3, $0x4;
	s31 =	sshrl.u32 s0, $0x1  }
0x7: {  	v1 =	vimm.f32 $0.0e+00;
	v5 =	vmul.u32 $0xFFFFFFFF, v0;
	s4 =	sadd.s32 s4, s1;
	s5 =	sadd.s32 s5, s1;
	s1 =	sadd.s32 s3, s1  }
0x8: {  	vm0 =	vmmov $0xff;
	v6 =	vimm.f32 $1.000000000e+00;
	v2 =	vor.u32 $0x10, v0;
	s0 =	ssub.s32 s0, s31;
	s3 =	sadd.s32 $0x2200, s4;
	s4 =	sadd.s32 $0x24200, s5  }
0x9: {  	v3 =	vor.u32 $0x20, v0;
	v4 =	vor.u32 $0x30, v0;
	v5 =	vadd.s32 $0xF, v5;
	s5 =	sadd.s32 $0x22200, s5;
	s6 =	sadd.s32 $0x26200, s1;
	s7 =	smax.u32 s0, $0x1  }
.LBB2_1:
0xa: {  	s0 =	simm.s32 $0x80;
	s1 =	simm.s32 $0x40  }
0xb: {  	[tilespmem:s2], [sflag:$0x1] =	stream.strided.gather [hbm4b:s3+s1], $0x4000, s0, s1, $0x38;
	[tilespmem:$0x50A0] =	vst v63  }
0xc: {  	_ =	swait.ge [sflag:s9], $0x4000  }
0xd: {  	[sflag:s9] =	ssyncset.done $0x0  }
0xe: {  	[sflag:s9] =	ssyncadd.s32 $0xFFFFC000  }
0xf: {  	[tilespmem:$0x5020] =	vst v1  }
0x10: {  	[tilespmem:$0x5030] =	vst v1  }
0x11: {  	[tilespmem:$0x5040] =	vst v1  }
0x12: {  	[tilespmem:$0x5050] =	vst v1  }
0x13: {  	[tilespmem:$0x5060] =	vst v1  }
0x14: {  	[tilespmem:$0x5070] =	vst v1  }
0x15: {  	[tilespmem:$0x5080] =	vst v1  }
0x16: {  	[tilespmem:$0x5090] =	vst v1  }
0x17: {  	v7 =	vld [tilespmem:s0+$0xFFFFFF80]  }
0x18: {  	v8 =	vld [tilespmem:s0+$0xFFFFFF90]  }
0x19: {  	v9 =	vld [tilespmem:s0+$0xFFFFFFB0];
	_ =	sdelay $0x1  }
0x1a: {  	v10 =	vld [tilespmem:s0+$0xFFFFFFA0]  }
0x1b: {  	(xrf1) =	vsort.dscd.msk.f32 $0xffff, v7, v0  }
0x1c: {  	(xrf1) =	vsort.dscd.msk.f32 $0xffff, v8, v2  }
0x1d: {  	(xrf1) =	vsort.dscd.msk.f32 $0xffff, v9, v4;
	_ =	sdelay $0x1  }
0x1e: {  	(xrf1) =	vsort.dscd.msk.f32 $0xffff, v10, v3;
	_ =	sdelay $0x9  }
0x1f: {  	v7, v8, _ =	vpop (xrf1)  }
0x20: {  	v9, v10, _ =	vpop (xrf1)  }
0x21: {  	v9 =	vperm.xlane v9, v5;
	v11, v12, _ =	vpop (xrf1)  }
0x22: {  	v10 =	vperm.xlane v10, v5;
	v11 =	vperm.xlane v11, v5  }
0x23: {  	v12 =	vperm.xlane v12, v5;
	v13, v14, _ =	vpop (xrf1);
	vm1 =	vge.f32 v7, v9  }
0x24: {  	v7 =	vsel vm1, v7, v9;
	v8 =	vsel vm1, v8, v10;
	vm1 =	vge.f32 v13, v11  }
0x25: {  	(xrf1) =	vsort.dscd.msk.f32 $0xffff, v7, v8;
	v7 =	vsel vm1, v13, v11;
	v8 =	vsel vm1, v14, v12  }
0x26: {  	(xrf1) =	vsort.dscd.msk.f32 $0xffff, v7, v8;
	_ =	sdelay $0xa  }
0x27: {  	s12 =	simm.s32 $0x180  }
0x28: {  	v7 =	vld [tilespmem:s12+$0xFFFFFF80]  }
0x29: {  	v10 =	vld [tilespmem:s12+$0xFFFFFF90];
	v8, v9, _ =	vpop (xrf1)  }
0x2a: {  	v11, v12, _ =	vpop (xrf1)  }
0x2b: {  	v11 =	vperm.xlane v11, v5  }
0x2c: {  	v12 =	vperm.xlane v12, v5  }
0x2d: {  	(xrf1) =	vsort.dscd.msk.f32 $0xffff, v7, v0;
	vm1 =	vge.f32 v8, v11  }
0x2e: {  	(xrf1) =	vsort.dscd.msk.f32 $0xffff, v10, v2;
	v7 =	vsel vm1, v8, v11;
	v8 =	vsel vm1, v9, v12  }
0x2f: {  	(xrf1) =	vsort.dscd.msk.f32 $0xffff, v7, v8;
	_ =	sdelay $0x2  }
0x30: {  	v7 =	vld [tilespmem:s12+$0xFFFFFFB0];
	_ =	sdelay $0x1  }
0x31: {  	v8 =	vld [tilespmem:s12+$0xFFFFFFA0];
	_ =	sdelay $0x2  }
0x32: {  	(xrf1) =	vsort.dscd.msk.f32 $0xffff, v7, v4;
	_ =	sdelay $0x1  }
0x33: {  	(xrf1) =	vsort.dscd.msk.f32 $0xffff, v8, v3;
	_ =	sdelay $0x1  }
0x34: {  	v7, v8, _ =	vpop (xrf1)  }
0x35: {  	v9, v11, _ =	vpop (xrf1)  }
0x36: {  	v12, v10, _ =	vpop (xrf1)  }
0x37: {  	(xrf0) =	vmax.scan.msk.f32 $0xffff, v12;
	_ =	sdelay $0x5  }
0x38: {  	v13, _, _ =	vpop (xrf0)  }
0x39: {  	v9 =	vperm.xlane v9, v5;
	v14, v15, _ =	vpop (xrf1);
	v13 =	vbroadcast v13, $0xF  }
0x3a: {  	v11 =	vperm.xlane v11, v5;
	v14 =	vperm.xlane v14, v5  }
0x3b: {  	vm1 =	vge.f32 v7, v9;
	v12 =	vsub.f32 v12, v13;
	v13 =	vperm.xlane v15, v5;
	v15, v16, _ =	vpop (xrf1)  }
0x3c: {  	v7 =	vsel vm1, v7, v9;
	v8 =	vsel vm1, v8, v11;
	vm1 =	vge.f32 v15, v14  }
0x3d: {  	(xrf1) =	vsort.dscd.msk.f32 $0xffff, v7, v8;
	v7 =	vmul.f32 $1.442695020e+00, v12;
	v8 =	vsel vm1, v15, v14;
	v9 =	vsel vm1, v16, v13  }
0x3e: {  	(xrf1) =	vsort.dscd.msk.f32 $0xffff, v8, v9  }
0x3f: {  	(erf) = vpow2.f32 v7;
	_ =	sdelay $0x8  }
0x40: {  	v7 =	vpop (erf)  }
0x41: {  	s29 =	simm.s32 $0x280;
	v8 =	vnsel vm0, $0x0, v7  }
0x42: {  	v7 =	vld [tilespmem:s29+$0xFFFFFF80];
	(xrf2) =	vadd.scan.msk.f32 $0xffff, v8  }
0x43: {  	v12 =	vld [tilespmem:s29+$0xFFFFFF90];
	v9, v11, _ =	vpop (xrf1)  }
0x44: {  	v13, v14, _ =	vpop (xrf1)  }
0x45: {  	v13 =	vperm.xlane v13, v5  }
0x46: {  	v14 =	vperm.xlane v14, v5  }
0x47: {  	(xrf1) =	vsort.dscd.msk.f32 $0xffff, v7, v0;
	vm1 =	vge.f32 v9, v13  }
0x48: {  	(xrf1) =	vsort.dscd.msk.f32 $0xffff, v12, v2;
	v7 =	vsel vm1, v9, v13;
	v9 =	vsel vm1, v11, v14  }
0x49: {  	(xrf1) =	vsort.dscd.msk.f32 $0xffff, v7, v9;
	_ =	sdelay $0x2  }
0x4a: {  	v7, _, _ =	vpop (xrf2)  }
0x4b: {  	v7 =	vbroadcast v7, $0xF;
	_ =	sdelay $0x1  }
0x4c: {  	(erf) = vrcp.f32 v7;
	_ =	sdelay $0x2  }
0x4d: {  	v9 =	vld [tilespmem:s29+$0xFFFFFFB0];
	_ =	sdelay $0x2  }
0x4e: {  	v11, v12, _ =	vpop (xrf1)  }
0x4f: {  	v13 =	vld [tilespmem:s29+$0xFFFFFFA0];
	v14, v15, _ =	vpop (xrf1)  }
0x50: {  	(xrf1) =	vsort.dscd.msk.f32 $0xffff, v9, v4;
	v16, v7, _ =	vpop (xrf1)  }
0x51: {  	v9 =	vpop (erf);
	(xrf0) =	vmax.scan.msk.f32 $0xffff, v16  }
0x52: {  	v8 =	vmul.f32 v9, v8  }
0x53: {  	s14 =	simm.s32 $0x4010  }
0x54: {  	s15 =	simm.s32 $0x4820;
	(xrf1) =	vsort.dscd.msk.f32 $0xffff, v13, v3;
	[tilespmem:s14+$0xFFFFFFF0] =	vst.msk $0xff, v8;
	v8 =	vperm.xlane v14, v5  }
0x55: {  	v9 =	vperm.xlane v15, v5;
	[tilespmem:s15+$0xFFFFFFF0] =	vst.msk $0xff, v10  }
0x56: {  	v13 =	vld [tilespmem:s0+$0xFFFFFFF0];
	vm1 =	vge.f32 v11, v8  }
0x57: {  	v14 =	vld [tilespmem:s0+$0xFFFFFFD0];
	v8 =	vsel vm1, v11, v8;
	v9 =	vsel vm1, v12, v9;
	v11, _, _ =	vpop (xrf0)  }
0x58: {  	v12 =	vld [tilespmem:s0+$0xFFFFFFE0];
	(xrf1) =	vsort.dscd.msk.f32 $0xffff, v8, v9;
	v8 =	vbroadcast v11, $0xF;
	_ =	sdelay $0x1  }
0x59: {  	v9 =	vld [tilespmem:s0+$0xFFFFFFC0];
	v8 =	vsub.f32 v16, v8  }
0x5a: {  	(xrf1) =	vsort.dscd.msk.f32 $0xffff, v13, v4  }
0x5b: {  	(xrf1) =	vsort.dscd.msk.f32 $0xffff, v14, v2;
	v8 =	vmul.f32 $1.442695020e+00, v8  }
0x5c: {  	(xrf1) =	vsort.dscd.msk.f32 $0xffff, v12, v3  }
0x5d: {  	(erf) = vpow2.f32 v8  }
0x5e: {  	(xrf1) =	vsort.dscd.msk.f32 $0xffff, v9, v0  }
0x5f: {  	v8, v9, _ =	vpop (xrf1)  }
0x60: {  	v8 =	vperm.xlane v8, v5  }
0x61: {  	v9 =	vperm.xlane v9, v5;
	v11, v12, _ =	vpop (xrf1)  }
0x62: {  	vm1 =	vge.f32 v11, v8  }
0x63: {  	v8 =	vsel vm1, v11, v8;
	v9 =	vsel vm1, v12, v9  }
0x64: {  	(xrf1) =	vsort.dscd.msk.f32 $0xffff, v8, v9;
	_ =	sdelay $0x1  }
0x65: {  	v11 =	vpop (erf)  }
0x66: {  	v8, v9, _ =	vpop (xrf1)  }
0x67: {  	v12, v13, _ =	vpop (xrf1)  }
0x68: {  	v12 =	vperm.xlane v12, v5;
	v14, v15, _ =	vpop (xrf1)  }
0x69: {  	v13 =	vperm.xlane v13, v5;
	v16, v17, _ =	vpop (xrf1)  }
0x6a: {  	v11 =	vnsel vm0, $0x0, v11;
	v14 =	vperm.xlane v14, v5;
	vm1 =	vge.f32 v16, v12  }
0x6b: {  	(xrf2) =	vadd.scan.msk.f32 $0xffff, v11;
	v15 =	vperm.xlane v15, v5;
	v18, v19, _ =	vpop (xrf1);
	v12 =	vsel vm1, v16, v12;
	v13 =	vsel vm1, v17, v13  }
0x6c: {  	vm1 =	vge.f32 v18, v14;
	(xrf1) =	vsort.dscd.msk.f32 $0xffff, v12, v13  }
0x6d: {  	s28 =	simm.s32 $0x380;
	v12 =	vsel vm1, v18, v14;
	v13 =	vsel vm1, v19, v15  }
0x6e: {  	(xrf1) =	vsort.dscd.msk.f32 $0xffff, v12, v13;
	v12 =	vld [tilespmem:s28+$0xFFFFFF80];
	_ =	sdelay $0x1  }
0x6f: {  	v13 =	vld [tilespmem:s28+$0xFFFFFF90]  }
0x70: {  	v14, v15, _ =	vpop (xrf1)  }
0x71: {  	v14 =	vperm.xlane v14, v5  }
0x72: {  	v15 =	vperm.xlane v15, v5;
	(xrf1) =	vsort.dscd.msk.f32 $0xffff, v12, v0  }
0x73: {  	vm1 =	vge.f32 v8, v14  }
0x74: {  	(xrf1) =	vsort.dscd.msk.f32 $0xffff, v13, v2;
	v8 =	vsel vm1, v8, v14;
	v9 =	vsel vm1, v9, v15  }
0x75: {  	v12, _, _ =	vpop (xrf2);
	(xrf1) =	vsort.dscd.msk.f32 $0xffff, v8, v9  }
0x76: {  	v8 =	vbroadcast v12, $0xF;
	_ =	sdelay $0x1  }
0x77: {  	(erf) = vrcp.f32 v8;
	v8 =	vld [tilespmem:s28+$0xFFFFFFB0]  }
0x78: {  	v9, v12, _ =	vpop (xrf1)  }
0x79: {  	v9 =	vperm.xlane v9, v5  }
0x7a: {  	v13, v14, _ =	vpop (xrf1);
	v12 =	vperm.xlane v12, v5  }
0x7b: {  	vm1 =	vge.f32 v13, v9  }
0x7c: {  	(xrf1) =	vsort.dscd.msk.f32 $0xffff, v8, v4;
	v8 =	vsel vm1, v13, v9;
	v9 =	vsel vm1, v14, v12  }
0x7d: {  	(xrf1) =	vsort.dscd.msk.f32 $0xffff, v8, v9;
	v9 =	vld [tilespmem:s28+$0xFFFFFFA0];
	_ =	sdelay $0x1  }
0x7e: {  	v12, v13, _ =	vpop (xrf1)  }
0x7f: {  	v8 =	vpop (erf)  }
0x80: {  	v14, v15, _ =	vpop (xrf1);
	v11 =	vmul.f32 v8, v11  }
0x81: {  	s16 =	simm.s32 $0x4030;
	v16, v8, _ =	vpop (xrf1);
	(xrf1) =	vsort.dscd.msk.f32 $0xffff, v9, v3  }
0x82: {  	s17 =	simm.s32 $0x4840;
	[tilespmem:s16+$0xFFFFFFF0] =	vst.msk $0xff, v11;
	v11 =	vperm.xlane v14, v5;
	(xrf0) =	vmax.scan.msk.f32 $0xffff, v16  }
0x83: {  	[tilespmem:s17+$0xFFFFFFF0] =	vst.msk $0xff, v7  }
0x84: {  	v14 =	vld [tilespmem:s12+$0xFFFFFFF0];
	vm1 =	vge.f32 v12, v11  }
0x85: {  	v9 =	vperm.xlane v15, v5;
	v15 =	vld [tilespmem:s12+$0xFFFFFFD0];
	v11 =	vsel vm1, v12, v11  }
0x86: {  	v17 =	vld [tilespmem:s12+$0xFFFFFFE0]  }
0x87: {  	v9 =	vsel vm1, v13, v9  }
0x88: {  	(xrf1) =	vsort.dscd.msk.f32 $0xffff, v11, v9;
	v9 =	vld [tilespmem:s12+$0xFFFFFFC0];
	v11, _, _ =	vpop (xrf0)  }
0x89: {  	(xrf1) =	vsort.dscd.msk.f32 $0xffff, v14, v4;
	v11 =	vbroadcast v11, $0xF  }
0x8a: {  	v12, v13, _ =	vpop (xrf1);
	(xrf1) =	vsort.dscd.msk.f32 $0xffff, v15, v2  }
0x8b: {  	v15, v14, _ =	vpop (xrf1);
	(xrf1) =	vsort.dscd.msk.f32 $0xffff, v17, v3;
	v11 =	vsub.f32 v16, v11  }
0x8c: {  	(xrf0) =	vmax.scan.msk.f32 $0xffff, v15  }
0x8d: {  	(xrf1) =	vsort.dscd.msk.f32 $0xffff, v9, v0;
	v9 =	vmul.f32 $1.442695020e+00, v11;
	_ =	sdelay $0x1  }
0x8e: {  	(erf) = vpow2.f32 v9;
	v9 =	vperm.xlane v12, v5  }
0x8f: {  	v12 =	vperm.xlane v13, v5;
	v13, v16, _ =	vpop (xrf1)  }
0x90: {  	vm1 =	vge.f32 v13, v9  }
0x91: {  	v11, _, _ =	vpop (xrf0);
	v12 =	vsel vm1, v16, v12  }
0x92: {  	v11 =	vbroadcast v11, $0xF;
	v9 =	vsel vm1, v13, v9;
	_ =	sdelay $0x1  }
0x93: {  	(xrf1) =	vsort.dscd.msk.f32 $0xffff, v9, v12;
	v11 =	vsub.f32 v15, v11  }
0x94: {  	v9, v12, _ =	vpop (xrf1)  }
0x95: {  	v11 =	vmul.f32 $1.442695020e+00, v11;
	v13, v15, _ =	vpop (xrf1)  }
0x96: {  	v13 =	vperm.xlane v13, v5;
	v16, v17, _ =	vpop (xrf1)  }
0x97: {  	(erf) = vpow2.f32 v11;
	v11 =	vperm.xlane v15, v5;
	v15, v18, _ =	vpop (xrf1)  }
0x98: {  	v19 =	vpop (erf);
	vm1 =	vge.f32 v15, v13  }
0x99: {  	v16 =	vperm.xlane v16, v5;
	v13 =	vsel vm1, v15, v13;
	v15 =	vnsel vm0, $0x0, v19  }
0x9a: {  	v17 =	vperm.xlane v17, v5;
	v20, v21, _ =	vpop (xrf1);
	v11 =	vsel vm1, v18, v11;
	(xrf2) =	vadd.scan.msk.f32 $0xffff, v15  }
0x9b: {  	vm1 =	vge.f32 v20, v16;
	(xrf1) =	vsort.dscd.msk.f32 $0xffff, v13, v11  }
0x9c: {  	v11 =	vsel vm1, v20, v16;
	v13 =	vsel vm1, v21, v17  }
0x9d: {  	(xrf1) =	vsort.dscd.msk.f32 $0xffff, v11, v13  }
0x9e: {  	s25 =	simm.s32 $0x480  }
0x9f: {  	v11 =	vld [tilespmem:s25+$0xFFFFFF80]  }
0xa0: {  	v13 =	vpop (erf)  }
0xa1: {  	v16 =	vld [tilespmem:s25+$0xFFFFFF90];
	v17, v18, _ =	vpop (xrf1);
	v13 =	vnsel vm0, $0x0, v13  }
0xa2: {  	v17 =	vperm.xlane v17, v5;
	(xrf2) =	vadd.scan.msk.f32 $0xffff, v13  }
0xa3: {  	v18 =	vperm.xlane v18, v5  }
0xa4: {  	(xrf1) =	vsort.dscd.msk.f32 $0xffff, v11, v0;
	vm1 =	vge.f32 v9, v17;
	v11, _, _ =	vpop (xrf2)  }
0xa5: {  	v12 =	vsel vm1, v12, v18;
	v11 =	vbroadcast v11, $0xF  }
0xa6: {  	(xrf1) =	vsort.dscd.msk.f32 $0xffff, v16, v2  }
0xa7: {  	v9 =	vsel vm1, v9, v17  }
0xa8: {  	(xrf1) =	vsort.dscd.msk.f32 $0xffff, v9, v12;
	v9 =	vld [tilespmem:s25+$0xFFFFFFB0];
	(erf) = vrcp.f32 v11  }
0xa9: {  	v11, v12, _ =	vpop (xrf1)  }
0xaa: {  	v11 =	vperm.xlane v11, v5  }
0xab: {  	v16, v17, _ =	vpop (xrf1);
	v12 =	vperm.xlane v12, v5  }
0xac: {  	v18 =	vld [tilespmem:s25+$0xFFFFFFA0];
	v19, _, _ =	vpop (xrf2);
	vm1 =	vge.f32 v16, v11  }
0xad: {  	(xrf1) =	vsort.dscd.msk.f32 $0xffff, v9, v4;
	v9 =	vsel vm1, v16, v11;
	v11 =	vsel vm1, v17, v12;
	v12 =	vbroadcast v19, $0xF;
	_ =	sdelay $0x1  }
0xae: {  	(xrf1) =	vsort.dscd.msk.f32 $0xffff, v9, v11;
	(erf) = vrcp.f32 v12;
	_ =	sdelay $0x1  }
0xaf: {  	(xrf1) =	vsort.dscd.msk.f32 $0xffff, v18, v3;
	v9 =	vpop (erf)  }
0xb0: {  	v9 =	vmul.f32 v9, v15  }
0xb1: {  	v11, v12, _ =	vpop (xrf1)  }
0xb2: {  	v15, v16, _ =	vpop (xrf1)  }
0xb3: {  	s18 =	simm.s32 $0x4050;
	v15 =	vperm.xlane v15, v5  }
0xb4: {  	s19 =	simm.s32 $0x4860;
	[tilespmem:s18+$0xFFFFFFF0] =	vst.msk $0xff, v9;
	v16 =	vperm.xlane v16, v5  }
0xb5: {  	[tilespmem:s19+$0xFFFFFFF0] =	vst.msk $0xff, v8;
	v17, v9, _ =	vpop (xrf1);
	vm1 =	vge.f32 v11, v15  }
0xb6: {  	v18 =	vld [tilespmem:s29+$0xFFFFFFF0];
	(xrf0) =	vmax.scan.msk.f32 $0xffff, v17;
	v12 =	vsel vm1, v12, v16;
	v19 =	vpop (erf)  }
0xb7: {  	v11 =	vsel vm1, v11, v15;
	v13 =	vmul.f32 v19, v13  }
0xb8: {  	v20 =	vld [tilespmem:s29+$0xFFFFFFD0]  }
0xb9: {  	[tilespmem:v10+s10+$0x0] =	vst.idx.add.f32.msk $0xff, v6  }
0xba: {  	v15 =	vld [tilespmem:s29+$0xFFFFFFE0];
	(xrf1) =	vsort.dscd.msk.f32 $0xffff, v11, v12;
	v11, v12, _ =	vpop (xrf1)  }
0xbb: {  	v16 =	vld [tilespmem:s29+$0xFFFFFFC0];
	(xrf1) =	vsort.dscd.msk.f32 $0xffff, v18, v4;
	[tilespmem:s14+$0xFFFFFFF8] =	vst.msk $0xff, v13;
	v13, v10, _ =	vpop (xrf1)  }
0xbc: {  	v11 =	vperm.xlane v11, v5;
	v18, _, _ =	vpop (xrf0);
	(xrf0) =	vmax.scan.msk.f32 $0xffff, v13  }
0xbd: {  	(xrf1) =	vsort.dscd.msk.f32 $0xffff, v20, v2;
	v12 =	vperm.xlane v12, v5;
	v20, v21, _ =	vpop (xrf1)  }
0xbe: {  	vm1 =	vge.f32 v20, v11  }
0xbf: {  	[tilespmem:s15+$0xFFFFFFF8] =	vst.msk $0xff, v14;
	(xrf1) =	vsort.dscd.msk.f32 $0xffff, v15, v3;
	v18 =	vbroadcast v18, $0xF;
	v12 =	vsel vm1, v21, v12  }
0xc0: {  	v19 =	vld [tilespmem:s0+$0x0];
	(xrf1) =	vsort.dscd.msk.f32 $0xffff, v16, v0  }
0xc1: {  	v15 =	vld [tilespmem:s0+$0x30];
	v17 =	vsub.f32 v17, v18;
	v11 =	vsel vm1, v20, v11  }
0xc2: {  	v16 =	vld [tilespmem:s0+$0x10];
	(xrf1) =	vsort.dscd.msk.f32 $0xffff, v11, v12;
	v12, _, _ =	vpop (xrf0)  }
0xc3: {  	v18 =	vld [tilespmem:s0+$0x20];
	v11 =	vmul.f32 $1.442695020e+00, v17;
	v12 =	vbroadcast v12, $0xF;
	_ =	sdelay $0x1  }
0xc4: {  	(xrf1) =	vsort.dscd.msk.f32 $0xffff, v19, v0;
	(erf) = vpow2.f32 v11;
	v11 =	vsub.f32 v13, v12  }
0xc5: {  	(xrf1) =	vsort.dscd.msk.f32 $0xffff, v15, v4  }
0xc6: {  	(xrf1) =	vsort.dscd.msk.f32 $0xffff, v16, v2;
	v11 =	vmul.f32 $1.442695020e+00, v11  }
0xc7: {  	(xrf1) =	vsort.dscd.msk.f32 $0xffff, v18, v3;
	_ =	sdelay $0x1  }
0xc8: {  	v12, v13, _ =	vpop (xrf1)  }
0xc9: {  	(erf) = vpow2.f32 v11;
	v11, v15, _ =	vpop (xrf1)  }
0xca: {  	v11 =	vperm.xlane v11, v5;
	v16, v17, _ =	vpop (xrf1)  }
0xcb: {  	v15 =	vperm.xlane v15, v5;
	v18, v19, _ =	vpop (xrf1);
	v16 =	vperm.xlane v16, v5  }
0xcc: {  	s24 =	simm.s32 $0x580;
	v17 =	vperm.xlane v17, v5;
	vm1 =	vge.f32 v18, v11;
	v21, v22, _ =	vpop (xrf1)  }
0xcd: {  	v23 =	vld [tilespmem:s24+$0xFFFFFF80];
	v20 =	vpop (erf);
	v11 =	vsel vm1, v18, v11;
	v15 =	vsel vm1, v19, v15;
	vm1 =	vge.f32 v21, v16  }
0xce: {  	v18 =	vnsel vm0, $0x0, v20;
	v19 =	vld [tilespmem:s24+$0xFFFFFF90];
	v20, v24, _ =	vpop (xrf1);
	(xrf1) =	vsort.dscd.msk.f32 $0xffff, v11, v15;
	v15 =	vsel vm1, v21, v16;
	v16 =	vsel vm1, v22, v17  }
0xcf: {  	v11 =	vperm.xlane v20, v5;
	v21 =	vperm.xlane v24, v5  }
0xd0: {  	(xrf2) =	vadd.scan.msk.f32 $0xffff, v18  }
0xd1: {  	v17, v20, _ =	vpop (xrf1);
	(xrf1) =	vsort.dscd.msk.f32 $0xffff, v15, v16;
	vm1 =	vge.f32 v12, v11  }
0xd2: {  	(xrf1) =	vsort.dscd.msk.f32 $0xffff, v23, v0;
	v11 =	vsel vm1, v12, v11;
	v15, v16, _ =	vpop (xrf1)  }
0xd3: {  	v13 =	vsel vm1, v13, v21;
	(xrf1) =	vsort.dscd.msk.f32 $0xffff, v19, v2;
	v12 =	vperm.xlane v15, v5;
	v15, v23, _ =	vpop (xrf1)  }
0xd4: {  	v16 =	vperm.xlane v16, v5;
	(xrf1) =	vsort.dscd.msk.f32 $0xffff, v11, v13;
	v19, v21, _ =	vpop (xrf1);
	v11 =	vperm.xlane v15, v5  }
0xd5: {  	vm1 =	vge.f32 v19, v12  }
0xd6: {  	v22 =	vpop (erf);
	v12 =	vsel vm1, v19, v12;
	v15 =	vsel vm1, v21, v16;
	vm1 =	vge.f32 v17, v11  }
0xd7: {  	v22 =	vnsel vm0, $0x0, v22;
	v13 =	vperm.xlane v23, v5;
	v11 =	vsel vm1, v17, v11  }
0xd8: {  	(xrf2) =	vadd.scan.msk.f32 $0xffff, v22  }
0xd9: {  	(xrf1) =	vsort.dscd.msk.f32 $0xffff, v12, v15;
	v12 =	vsel vm1, v20, v13  }
0xda: {  	(xrf1) =	vsort.dscd.msk.f32 $0xffff, v11, v12;
	v11, _, _ =	vpop (xrf2)  }
0xdb: {  	v11 =	vbroadcast v11, $0xF;
	_ =	sdelay $0x2  }
0xdc: {  	v12 =	vld [tilespmem:s24+$0xFFFFFFB0]  }
0xdd: {  	(erf) = vrcp.f32 v11;
	v11, v13, _ =	vpop (xrf1)  }
0xde: {  	v11 =	vperm.xlane v11, v5  }
0xdf: {  	v15, v16, _ =	vpop (xrf1);
	v13 =	vperm.xlane v13, v5  }
0xe0: {  	v19 =	vld [tilespmem:s24+$0xFFFFFFA0];
	v17, _, _ =	vpop (xrf2);
	vm1 =	vge.f32 v15, v11  }
0xe1: {  	(xrf1) =	vsort.dscd.msk.f32 $0xffff, v12, v4;
	v11 =	vsel vm1, v15, v11;
	v12 =	vsel vm1, v16, v13;
	v13 =	vbroadcast v17, $0xF;
	_ =	sdelay $0x1  }
0xe2: {  	v15, v16, _ =	vpop (xrf1)  }
0xe3: {  	(xrf1) =	vsort.dscd.msk.f32 $0xffff, v11, v12;
	v11, v17, _ =	vpop (xrf1)  }
0xe4: {  	(erf) = vrcp.f32 v13;
	(xrf1) =	vsort.dscd.msk.f32 $0xffff, v19, v3;
	v13, v12, _ =	vpop (xrf1)  }
0xe5: {  	v19 =	vpop (erf);
	(xrf0) =	vmax.scan.msk.f32 $0xffff, v13  }
0xe6: {  	v20, v21, _ =	vpop (xrf1)  }
0xe7: {  	v18 =	vmul.f32 v19, v18;
	v20 =	vperm.xlane v20, v5  }
0xe8: {  	v11 =	vperm.xlane v11, v5;
	v23, v24, _ =	vpop (xrf1);
	v19 =	vperm.xlane v21, v5  }
0xe9: {  	s20 =	simm.s32 $0x4070;
	v17 =	vperm.xlane v17, v5;
	vm1 =	vge.f32 v23, v20  }
0xea: {  	s21 =	simm.s32 $0x4880;
	[tilespmem:s20+$0xFFFFFFF0] =	vst.msk $0xff, v18;
	v18 =	vsel vm1, v23, v20;
	v19 =	vsel vm1, v24, v19;
	vm1 =	vge.f32 v15, v11  }
0xeb: {  	[tilespmem:s21+$0xFFFFFFF0] =	vst.msk $0xff, v9;
	(xrf1) =	vsort.dscd.msk.f32 $0xffff, v18, v19;
	v11 =	vsel vm1, v15, v11;
	v15 =	vsel vm1, v16, v17;
	v16, _, _ =	vpop (xrf0)  }
0xec: {  	v18 =	vld [tilespmem:s28+$0xFFFFFFF0];
	(xrf1) =	vsort.dscd.msk.f32 $0xffff, v11, v15;
	v15 =	vbroadcast v16, $0xF;
	_ =	sdelay $0x1  }
0xed: {  	[tilespmem:v7+s10+$0x0] =	vst.idx.add.f32.msk $0xff, v6;
	v19 =	vpop (erf)  }
0xee: {  	v17 =	vld [tilespmem:s28+$0xFFFFFFD0];
	v11 =	vmul.f32 v19, v22  }
0xef: {  	v16 =	vld [tilespmem:s28+$0xFFFFFFE0];
	v7, v19, _ =	vpop (xrf1)  }
0xf0: {  	v20 =	vld [tilespmem:s28+$0xFFFFFFC0];
	[tilespmem:s16+$0xFFFFFFF8] =	vst.msk $0xff, v11;
	v11 =	vsub.f32 v13, v15;
	(xrf1) =	vsort.dscd.msk.f32 $0xffff, v18, v4;
	v13, v15, _ =	vpop (xrf1)  }
0xf1: {  	v7 =	vperm.xlane v7, v5;
	(xrf0) =	vmax.scan.msk.f32 $0xffff, v13  }
0xf2: {  	v18 =	vperm.xlane v19, v5;
	[tilespmem:s17+$0xFFFFFFF8] =	vst.msk $0xff, v10;
	v19, v21, _ =	vpop (xrf1)  }
0xf3: {  	(xrf1) =	vsort.dscd.msk.f32 $0xffff, v17, v2;
	v17 =	vld [tilespmem:s12+$0x0];
	vm1 =	vge.f32 v19, v7  }
0xf4: {  	(xrf1) =	vsort.dscd.msk.f32 $0xffff, v16, v3;
	v16 =	vld [tilespmem:s12+$0x30];
	v7 =	vsel vm1, v19, v7  }
0xf5: {  	v11 =	vmul.f32 $1.442695020e+00, v11;
	(xrf1) =	vsort.dscd.msk.f32 $0xffff, v20, v0  }
0xf6: {  	v18 =	vsel vm1, v21, v18  }
0xf7: {  	(erf) = vpow2.f32 v11;
	v11 =	vld [tilespmem:s12+$0x10];
	(xrf1) =	vsort.dscd.msk.f32 $0xffff, v7, v18;
	v7, _, _ =	vpop (xrf0)  }
0xf8: {  	v19 =	vld [tilespmem:s12+$0x20];
	(xrf1) =	vsort.dscd.msk.f32 $0xffff, v17, v0;
	v17 =	vbroadcast v7, $0xF  }
0xf9: {  	(xrf1) =	vsort.dscd.msk.f32 $0xffff, v16, v4;
	v16, v7, _ =	vpop (xrf1)  }
0xfa: {  	(xrf0) =	vmax.scan.msk.f32 $0xffff, v16;
	v13 =	vsub.f32 v13, v17;
	_ =	sdelay $0x1  }
0xfb: {  	(xrf1) =	vsort.dscd.msk.f32 $0xffff, v11, v2;
	v13 =	vmul.f32 $1.442695020e+00, v13  }
0xfc: {  	(xrf1) =	vsort.dscd.msk.f32 $0xffff, v19, v3  }
0xfd: {  	v11, v17, _ =	vpop (xrf1)  }
0xfe: {  	v19, v20, _ =	vpop (xrf1)  }
0xff: {  	(erf) = vpow2.f32 v13;
	v13, _, _ =	vpop (xrf0)  }
0x100: {  	v19 =	vperm.xlane v19, v5;
	v21, v22, _ =	vpop (xrf1);
	v13 =	vbroadcast v13, $0xF  }
0x101: {  	v20 =	vperm.xlane v20, v5;
	v23, v24, _ =	vpop (xrf1);
	v21 =	vperm.xlane v21, v5  }
0x102: {  	v22 =	vperm.xlane v22, v5;
	vm1 =	vge.f32 v23, v19;
	v13 =	vsub.f32 v16, v13;
	v16, v25, _ =	vpop (xrf1)  }
0x103: {  	s26 =	simm.s32 $0x680;
	v18 =	vpop (erf);
	v19 =	vsel vm1, v23, v19;
	v20 =	vsel vm1, v24, v20;
	vm1 =	vge.f32 v16, v21  }
0x104: {  	v26 =	vld [tilespmem:s26+$0xFFFFFF80];
	v18 =	vnsel vm0, $0x0, v18;
	(xrf1) =	vsort.dscd.msk.f32 $0xffff, v19, v20;
	v24, v27, _ =	vpop (xrf1);
	v20 =	vsel vm1, v25, v22  }
0x105: {  	(xrf2) =	vadd.scan.msk.f32 $0xffff, v18;
	v23 =	vld [tilespmem:s26+$0xFFFFFF90];
	v19 =	vperm.xlane v24, v5;
	v16 =	vsel vm1, v16, v21  }
0x106: {  	v13 =	vmul.f32 $1.442695020e+00, v13  }
0x107: {  	v21, v22, _ =	vpop (xrf1);
	(xrf1) =	vsort.dscd.msk.f32 $0xffff, v16, v20  }
0x108: {  	(erf) = vpow2.f32 v13;
	v13 =	vperm.xlane v27, v5;
	vm1 =	vge.f32 v11, v19;
	v16, v20, _ =	vpop (xrf1)  }
0x109: {  	(xrf1) =	vsort.dscd.msk.f32 $0xffff, v26, v0;
	v11 =	vsel vm1, v11, v19;
	v16 =	vperm.xlane v16, v5;
	v19, v25, _ =	vpop (xrf1)  }
0x10a: {  	(xrf1) =	vsort.dscd.msk.f32 $0xffff, v23, v2;
	v13 =	vsel vm1, v17, v13;
	v17 =	vperm.xlane v20, v5;
	v20, v23, _ =	vpop (xrf1)  }
0x10b: {  	v24 =	vpop (erf);
	(xrf1) =	vsort.dscd.msk.f32 $0xffff, v11, v13;
	v11 =	vperm.xlane v19, v5;
	vm1 =	vge.f32 v20, v16  }
0x10c: {  	v24 =	vnsel vm0, $0x0, v24;
	v16 =	vsel vm1, v20, v16  }
0x10d: {  	(xrf2) =	vadd.scan.msk.f32 $0xffff, v24;
	v17 =	vsel vm1, v23, v17;
	vm1 =	vge.f32 v21, v11  }
0x10e: {  	v13 =	vperm.xlane v25, v5;
	v11 =	vsel vm1, v21, v11  }
0x10f: {  	(xrf1) =	vsort.dscd.msk.f32 $0xffff, v16, v17;
	v16, _, _ =	vpop (xrf2)  }
0x110: {  	v13 =	vsel vm1, v22, v13;
	v16 =	vbroadcast v16, $0xF  }
0x111: {  	(xrf1) =	vsort.dscd.msk.f32 $0xffff, v11, v13;
	v11 =	vpop (erf)  }
0x112: {  	(erf) = vrcp.f32 v16;
	v16 =	vnsel vm0, $0x0, v11;
	v11 =	vld [tilespmem:s26+$0xFFFFFFB0]  }
0x113: {  	v13, v17, _ =	vpop (xrf1)  }
0x114: {  	v13 =	vperm.xlane v13, v5;
	(xrf2) =	vadd.scan.msk.f32 $0xffff, v16  }
0x115: {  	v19, v20, _ =	vpop (xrf1)  }
0x116: {  	v22 =	vld [tilespmem:s26+$0xFFFFFFA0];
	v17 =	vperm.xlane v17, v5;
	vm1 =	vge.f32 v19, v13  }
0x117: {  	v21, _, _ =	vpop (xrf2);
	(xrf1) =	vsort.dscd.msk.f32 $0xffff, v11, v4;
	v11 =	vsel vm1, v19, v13  }
0x118: {  	v13 =	vsel vm1, v20, v17;
	v17 =	vbroadcast v21, $0xF  }
0x119: {  	v23, v25, _ =	vpop (xrf1);
	(xrf1) =	vsort.dscd.msk.f32 $0xffff, v11, v13  }
0x11a: {  	v19, v20, _ =	vpop (xrf1);
	(erf) = vrcp.f32 v17  }
0x11b: {  	(xrf1) =	vsort.dscd.msk.f32 $0xffff, v22, v3;
	v21, v11, _ =	vpop (xrf1)  }
0x11c: {  	v13 =	vpop (erf)  }
0x11d: {  	v17, v26, _ =	vpop (xrf1)  }
0x11e: {  	(xrf0) =	vmax.scan.msk.f32 $0xffff, v21;
	v13 =	vmul.f32 v13, v18;
	v22, _, _ =	vpop (xrf2);
	v17 =	vperm.xlane v17, v5  }
0x11f: {  	s22 =	simm.s32 $0x4090;
	v27, v28, _ =	vpop (xrf1);
	v26 =	vperm.xlane v26, v5  }
0x120: {  	s23 =	simm.s32 $0x48A0;
	v22 =	vbroadcast v22, $0xF;
	[tilespmem:s22+$0xFFFFFFF0] =	vst.msk $0xff, v13;
	v13 =	vperm.xlane v19, v5;
	vm1 =	vge.f32 v27, v17  }
0x121: {  	[tilespmem:s23+$0xFFFFFFF0] =	vst.msk $0xff, v12;
	v17 =	vsel vm1, v27, v17;
	v18 =	vsel vm1, v28, v26  }
0x122: {  	(erf) = vrcp.f32 v22;
	vm1 =	vge.f32 v23, v13;
	(xrf1) =	vsort.dscd.msk.f32 $0xffff, v17, v18;
	v17 =	vperm.xlane v20, v5;
	v18 =	vld [tilespmem:s25+$0xFFFFFFF0]  }
0x123: {  	[tilespmem:v8+s10+$0x0] =	vst.idx.add.f32.msk $0xff, v6;
	v13 =	vsel vm1, v23, v13;
	v19 =	vpop (erf)  }
0x124: {  	v20 =	vld [tilespmem:s25+$0xFFFFFFD0];
	v8 =	vmul.f32 v19, v24;
	v17 =	vsel vm1, v25, v17;
	v19, _, _ =	vpop (xrf0)  }
0x125: {  	(xrf1) =	vsort.dscd.msk.f32 $0xffff, v13, v17;
	v17 =	vbroadcast v19, $0xF;
	v19 =	vld [tilespmem:s25+$0xFFFFFFE0]  }
0x126: {  	v22, v23, _ =	vpop (xrf1);
	[tilespmem:s18+$0xFFFFFFF8] =	vst.msk $0xff, v8;
	v8 =	vld [tilespmem:s25+$0xFFFFFFC0]  }
0x127: {  	v24, v13, _ =	vpop (xrf1);
	(xrf1) =	vsort.dscd.msk.f32 $0xffff, v18, v4  }
0x128: {  	[tilespmem:v14+s10+$0x0] =	vst.idx.add.f32.msk $0xff, v6;
	v14 =	vperm.xlane v22, v5;
	(xrf0) =	vmax.scan.msk.f32 $0xffff, v24  }
0x129: {  	[tilespmem:s19+$0xFFFFFFF8] =	vst.msk $0xff, v15;
	v17 =	vsub.f32 v21, v17;
	(xrf1) =	vsort.dscd.msk.f32 $0xffff, v20, v2;
	v20 =	vperm.xlane v23, v5;
	v22, v23, _ =	vpop (xrf1)  }
0x12a: {  	v21 =	vld [tilespmem:s29+$0x0];
	vm1 =	vge.f32 v22, v14;
	(xrf1) =	vsort.dscd.msk.f32 $0xffff, v19, v3  }
0x12b: {  	v25 =	vld [tilespmem:s29+$0x30];
	v17 =	vmul.f32 $1.442695020e+00, v17;
	v18 =	vpop (erf);
	(xrf1) =	vsort.dscd.msk.f32 $0xffff, v8, v0;
	v8 =	vsel vm1, v22, v14  }
0x12c: {  	v16 =	vmul.f32 v18, v16  }
0x12d: {  	(erf) = vpow2.f32 v17;
	v17 =	vld [tilespmem:s29+$0x10];
	v14 =	vsel vm1, v23, v20  }
0x12e: {  	(xrf1) =	vsort.dscd.msk.f32 $0xffff, v8, v14;
	[tilespmem:s14+$0x0] =	vst.msk $0xff, v16;
	v16 =	vld [tilespmem:s29+$0x20];
	v8, _, _ =	vpop (xrf0)  }
0x12f: {  	(xrf1) =	vsort.dscd.msk.f32 $0xffff, v21, v0;
	[tilespmem:s15+$0x0] =	vst.msk $0xff, v7;
	v18 =	vbroadcast v8, $0xF  }
0x130: {  	(xrf1) =	vsort.dscd.msk.f32 $0xffff, v25, v4;
	v14 =	vld [tilespmem:s0+$0x70];
	v19, v8, _ =	vpop (xrf1)  }
0x131: {  	v20 =	vld [tilespmem:s0+$0x60];
	(xrf0) =	vmax.scan.msk.f32 $0xffff, v19;
	v18 =	vsub.f32 v24, v18  }
0x132: {  	(xrf1) =	vsort.dscd.msk.f32 $0xffff, v17, v2  }
0x133: {  	(xrf1) =	vsort.dscd.msk.f32 $0xffff, v16, v3;
	v16 =	vld [tilespmem:s0+$0x50];
	v17 =	vmul.f32 $1.442695020e+00, v18;
	_ =	sdelay $0x1  }
0x134: {  	(xrf1) =	vsort.dscd.msk.f32 $0xffff, v14, v4;
	v14 =	vld [tilespmem:s0+$0x40];
	v18, v21, _ =	vpop (xrf1)  }
0x135: {  	(xrf1) =	vsort.dscd.msk.f32 $0xffff, v20, v3;
	v20, v23, _ =	vpop (xrf1)  }
0x136: {  	(erf) = vpow2.f32 v17;
	v17, _, _ =	vpop (xrf0)  }
0x137: {  	(xrf1) =	vsort.dscd.msk.f32 $0xffff, v16, v2;
	v16 =	vperm.xlane v20, v5;
	v20, v24, _ =	vpop (xrf1)  }
0x138: {  	v23 =	vperm.xlane v23, v5;
	v17 =	vbroadcast v17, $0xF;
	v25, v26, _ =	vpop (xrf1)  }
0x139: {  	v22 =	vpop (erf);
	v24 =	vperm.xlane v24, v5;
	(xrf1) =	vsort.dscd.msk.f32 $0xffff, v14, v0;
	vm1 =	vge.f32 v25, v16  }
0x13a: {  	s30 =	simm.s32 $0x780;
	v14 =	vperm.xlane v20, v5;
	v17 =	vsub.f32 v19, v17;
	v19, v20, _ =	vpop (xrf1);
	v23 =	vsel vm1, v26, v23  }
0x13b: {  	v27 =	vld [tilespmem:s30+$0xFFFFFF80];
	v16 =	vsel vm1, v25, v16;
	v26, v28, _ =	vpop (xrf1)  }
0x13c: {  	v22 =	vnsel vm0, $0x0, v22;
	v25 =	vld [tilespmem:s30+$0xFFFFFF90];
	vm1 =	vge.f32 v19, v14;
	(xrf1) =	vsort.dscd.msk.f32 $0xffff, v16, v23;
	v17 =	vmul.f32 $1.442695020e+00, v17  }
0x13d: {  	v16 =	vperm.xlane v26, v5;
	v14 =	vsel vm1, v19, v14;
	v19 =	vsel vm1, v20, v24;
	v23, v26, _ =	vpop (xrf1)  }
0x13e: {  	(xrf2) =	vadd.scan.msk.f32 $0xffff, v22;
	v20, v24, _ =	vpop (xrf1)  }
0x13f: {  	(xrf1) =	vsort.dscd.msk.f32 $0xffff, v14, v19;
	v14 =	vperm.xlane v28, v5;
	(erf) = vpow2.f32 v17;
	vm1 =	vge.f32 v18, v16  }
0x140: {  	(xrf1) =	vsort.dscd.msk.f32 $0xffff, v27, v0;
	v16 =	vsel vm1, v18, v16;
	v18 =	vperm.xlane v20, v5;
	v19, v20, _ =	vpop (xrf1)  }
0x141: {  	v14 =	vsel vm1, v21, v14;
	v21 =	vperm.xlane v24, v5;
	(xrf1) =	vsort.dscd.msk.f32 $0xffff, v25, v2;
	v24, v25, _ =	vpop (xrf1)  }
0x142: {  	(xrf1) =	vsort.dscd.msk.f32 $0xffff, v16, v14;
	v14 =	vperm.xlane v19, v5;
	vm1 =	vge.f32 v24, v18  }
0x143: {  	v20 =	vperm.xlane v20, v5;
	v21 =	vsel vm1, v25, v21  }
0x144: {  	v18 =	vsel vm1, v24, v18;
	vm1 =	vge.f32 v23, v14  }
0x145: {  	v16, v19, _ =	vpop (xrf1);
	(xrf1) =	vsort.dscd.msk.f32 $0xffff, v18, v21;
	v18 =	vsel vm1, v26, v20  }
0x146: {  	v17 =	vpop (erf);
	v14 =	vsel vm1, v23, v14  }
0x147: {  	v17 =	vnsel vm0, $0x0, v17;
	v16 =	vperm.xlane v16, v5;
	v20, v21, _ =	vpop (xrf1)  }
0x148: {  	(xrf2) =	vadd.scan.msk.f32 $0xffff, v17;
	v19 =	vperm.xlane v19, v5;
	v23 =	vpop (erf)  }
0x149: {  	(xrf1) =	vsort.dscd.msk.f32 $0xffff, v14, v18;
	vm1 =	vge.f32 v20, v16;
	v14, v18, _ =	vpop (xrf1)  }
0x14a: {  	v24, _, _ =	vpop (xrf2);
	v14 =	vperm.xlane v14, v5;
	v16 =	vsel vm1, v20, v16;
	v19 =	vsel vm1, v21, v19  }
0x14b: {  	v20 =	vnsel vm0, $0x0, v23;
	v18 =	vperm.xlane v18, v5;
	v21, v23, _ =	vpop (xrf1);
	(xrf1) =	vsort.dscd.msk.f32 $0xffff, v16, v19;
	v16 =	vbroadcast v24, $0xF  }
0x14c: {  	vm1 =	vge.f32 v21, v14  }
0x14d: {  	v18 =	vsel vm1, v23, v18;
	_ =	sdelay $0x1  }
0x14e: {  	(xrf2) =	vadd.scan.msk.f32 $0xffff, v20;
	v19 =	vld [tilespmem:s30+$0xFFFFFFB0];
	v14 =	vsel vm1, v21, v14;
	(erf) = vrcp.f32 v16;
	v16, v21, _ =	vpop (xrf1)  }
0x14f: {  	(xrf1) =	vsort.dscd.msk.f32 $0xffff, v14, v18;
	v14 =	vperm.xlane v16, v5  }
0x150: {  	v16, v18, _ =	vpop (xrf1)  }
0x151: {  	v21 =	vperm.xlane v21, v5;
	vm1 =	vge.f32 v16, v14  }
0x152: {  	v23, _, _ =	vpop (xrf2);
	v14 =	vsel vm1, v16, v14  }
0x153: {  	(xrf1) =	vsort.dscd.msk.f32 $0xffff, v19, v4;
	v25, v26, _ =	vpop (xrf1);
	v16 =	vsel vm1, v18, v21  }
0x154: {  	v24 =	vld [tilespmem:s30+$0xFFFFFFA0];
	v18, v19, _ =	vpop (xrf1);
	(xrf1) =	vsort.dscd.msk.f32 $0xffff, v14, v16;
	v16 =	vbroadcast v23, $0xF;
	_ =	sdelay $0x1  }
0x155: {  	v21, v14, _ =	vpop (xrf1)  }
0x156: {  	v23, v27, _ =	vpop (xrf1)  }
0x157: {  	v18 =	vperm.xlane v18, v5;
	(erf) = vrcp.f32 v16;
	v16, _, _ =	vpop (xrf2)  }
0x158: {  	v28 =	vpop (erf);
	(xrf1) =	vsort.dscd.msk.f32 $0xffff, v24, v3;
	v23 =	vperm.xlane v23, v5;
	v16 =	vbroadcast v16, $0xF  }
0x159: {  	v22 =	vmul.f32 v28, v22;
	(xrf0) =	vmax.scan.msk.f32 $0xffff, v21;
	v24, v29, _ =	vpop (xrf1);
	v27 =	vperm.xlane v27, v5  }
0x15a: {  	s0 =	simm.s32 $0x40B0;
	vm1 =	vge.f32 v24, v23  }
0x15b: {  	[tilespmem:s0+$0xFFFFFFF0] =	vst.msk $0xff, v22;
	v22 =	vsel vm1, v24, v23;
	v23 =	vsel vm1, v29, v27;
	vm1 =	vge.f32 v25, v18  }
0x15c: {  	s8 =	simm.s32 $0x48C0;
	v19 =	vperm.xlane v19, v5;
	(erf) = vrcp.f32 v16;
	v16, v28, _ =	vpop (xrf1);
	v18 =	vsel vm1, v25, v18  }
0x15d: {  	[tilespmem:s8+$0xFFFFFFF0] =	vst.msk $0xff, v11;
	v16 =	vperm.xlane v16, v5  }
0x15e: {  	(xrf1) =	vsort.dscd.msk.f32 $0xffff, v22, v23;
	v22 =	vld [tilespmem:s24+$0xFFFFFFF0];
	v19 =	vsel vm1, v26, v19;
	v23 =	vperm.xlane v28, v5;
	v24, v27, _ =	vpop (xrf1)  }
0x15f: {  	(xrf1) =	vsort.dscd.msk.f32 $0xffff, v18, v19;
	v19 =	vld [tilespmem:s24+$0xFFFFFFD0];
	vm1 =	vge.f32 v24, v16;
	v18, _, _ =	vpop (xrf0)  }
0x160: {  	[tilespmem:v9+s10+$0x0] =	vst.idx.add.f32.msk $0xff, v6;
	v16 =	vsel vm1, v24, v16;
	v23 =	vsel vm1, v27, v23;
	v24 =	vpop (erf);
	v18 =	vbroadcast v18, $0xF  }
0x161: {  	[tilespmem:v10+s10+$0x0] =	vst.idx.add.f32.msk $0xff, v6;
	v17 =	vmul.f32 v24, v17  }
0x162: {  	v25 =	vld [tilespmem:s24+$0xFFFFFFE0];
	(xrf1) =	vsort.dscd.msk.f32 $0xffff, v16, v23  }
0x163: {  	v26 =	vld [tilespmem:s24+$0xFFFFFFC0];
	v9 =	vsub.f32 v21, v18;
	(xrf1) =	vsort.dscd.msk.f32 $0xffff, v22, v4;
	v23, v24, _ =	vpop (xrf1)  }
0x164: {  	[tilespmem:s20+$0xFFFFFFF8] =	vst.msk $0xff, v17;
	(xrf1) =	vsort.dscd.msk.f32 $0xffff, v19, v2;
	v18, v16, _ =	vpop (xrf1)  }
0x165: {  	[tilespmem:s21+$0xFFFFFFF8] =	vst.msk $0xff, v13;
	v9 =	vmul.f32 $1.442695020e+00, v9;
	v19 =	vperm.xlane v23, v5;
	(xrf0) =	vmax.scan.msk.f32 $0xffff, v18;
	v17 =	vpop (erf)  }
0x166: {  	v10 =	vperm.xlane v24, v5;
	v21 =	vld [tilespmem:s28+$0x0];
	v17 =	vmul.f32 v17, v20;
	v20, v22, _ =	vpop (xrf1)  }
0x167: {  	(xrf1) =	vsort.dscd.msk.f32 $0xffff, v25, v3;
	(erf) = vpow2.f32 v9;
	v9 =	vld [tilespmem:s28+$0x30];
	vm1 =	vge.f32 v20, v19  }
0x168: {  	(xrf1) =	vsort.dscd.msk.f32 $0xffff, v26, v0;
	[tilespmem:s16+$0x0] =	vst.msk $0xff, v17;
	v17 =	vsel vm1, v20, v19;
	v10 =	vsel vm1, v22, v10  }
0x169: {  	v23 =	vld [tilespmem:s28+$0x10]  }
0x16a: {  	v20 =	vld [tilespmem:s28+$0x20];
	[tilespmem:s17+$0x0] =	vst.msk $0xff, v8;
	(xrf1) =	vsort.dscd.msk.f32 $0xffff, v17, v10  }
0x16b: {  	(xrf1) =	vsort.dscd.msk.f32 $0xffff, v21, v0;
	v21 =	vld [tilespmem:s12+$0x70];
	v17, _, _ =	vpop (xrf0)  }
0x16c: {  	(xrf1) =	vsort.dscd.msk.f32 $0xffff, v9, v4;
	v28, v10, _ =	vpop (xrf1)  }
0x16d: {  	v24 =	vbroadcast v17, $0xF;
	(xrf0) =	vmax.scan.msk.f32 $0xffff, v28  }
0x16e: {  	v22 =	vld [tilespmem:s12+$0x60];
	v19, v17, _ =	vpop (xrf1);
	(xrf1) =	vsort.dscd.msk.f32 $0xffff, v23, v2  }
0x16f: {  	(xrf1) =	vsort.dscd.msk.f32 $0xffff, v20, v3;
	v18 =	vsub.f32 v18, v24  }
0x170: {  	v23 =	vld [tilespmem:s12+$0x50];
	v20, v9, _ =	vpop (xrf1);
	(xrf1) =	vsort.dscd.msk.f32 $0xffff, v21, v4  }
0x171: {  	v30 =	vld [tilespmem:s12+$0x40];
	v21 =	vpop (erf);
	(xrf0) =	vmax.scan.msk.f32 $0xffff, v20;
	v31 =	vmul.f32 $1.442695020e+00, v18  }
0x172: {  	v24, v26, _ =	vpop (xrf1)  }
0x173: {  	(xrf1) =	vsort.dscd.msk.f32 $0xffff, v22, v3;
	v18 =	vnsel vm0, $0x0, v21;
	(erf) = vpow2.f32 v31;
	v27, _, _ =	vpop (xrf0)  }
0x174: {  	v22 =	vperm.xlane v24, v5;
	v21, v25, _ =	vpop (xrf1);
	(xrf2) =	vadd.scan.msk.f32 $0xffff, v18;
	v32 =	vbroadcast v27, $0xF  }
0x175: {  	s11 =	simm.s32 $0x1C;
	v26 =	vperm.xlane v26, v5;
	(xrf1) =	vsort.dscd.msk.f32 $0xffff, v23, v2;
	v21 =	vperm.xlane v21, v5;
	v29, v27, _ =	vpop (xrf1)  }
0x176: {  	s31 =	simm.s32 $0x40B0;
	s1 =	simm.s32 $0x48C0;
	s12 =	simm.s32 $0x880;
	(xrf1) =	vsort.dscd.msk.f32 $0xffff, v30, v0;
	vm1 =	vge.f32 v29, v22;
	v24, v23, _ =	vpop (xrf1);
	v28 =	vsub.f32 v28, v32  }
.LBB2_2:
0x177: {  	v30 =	vld [tilespmem:s12+$0xFFFFFF80];
	v33 =	vperm.xlane v25, v5;
	v22 =	vsel vm1, v29, v22;
	v26 =	vsel vm1, v27, v26;
	v27, _, _ =	vpop (xrf0)  }
0x178: {  	vm1 =	vge.f32 v24, v21;
	v31, v32, _ =	vpop (xrf1);
	(xrf1) =	vsort.dscd.msk.f32 $0xffff, v22, v26;
	v22 =	vmul.f32 $1.442695020e+00, v28  }
0x179: {  	v29 =	vld [tilespmem:s12+$0xFFFFFF90];
	v34 =	vbroadcast v27, $0xF;
	v27 =	vperm.xlane v31, v5;
	v28 =	vsel vm1, v23, v33  }
0x17a: {  	v31 =	vsel vm1, v24, v21;
	v24, v25, _ =	vpop (xrf1)  }
0x17b: {  	(xrf1) =	vsort.dscd.msk.f32 $0xffff, v31, v28;
	v21, v23, _ =	vpop (xrf1);
	(erf) = vpow2.f32 v22;
	v20 =	vsub.f32 v20, v34  }
0x17c: {  	v22 =	vperm.xlane v32, v5;
	vm1 =	vge.f32 v19, v27;
	v26 =	vpop (erf)  }
0x17d: {  	v21 =	vperm.xlane v21, v5;
	(xrf1) =	vsort.dscd.msk.f32 $0xffff, v30, v0;
	v19 =	vsel vm1, v19, v27;
	v30 =	vmul.f32 $1.442695020e+00, v20;
	v27, v28, _ =	vpop (xrf1)  }
0x17e: {  	v23 =	vperm.xlane v23, v5;
	v17 =	vsel vm1, v17, v22;
	v22 =	vnsel vm0, $0x0, v26;
	(xrf1) =	vsort.dscd.msk.f32 $0xffff, v29, v2;
	v26, v29, _ =	vpop (xrf1)  }
0x17f: {  	(xrf1) =	vsort.dscd.msk.f32 $0xffff, v19, v17;
	v17 =	vperm.xlane v27, v5  }
0x180: {  	v28 =	vperm.xlane v28, v5;
	vm1 =	vge.f32 v26, v21;
	v19, v27, _ =	vpop (xrf1);
	(erf) = vpow2.f32 v30  }
0x181: {  	v20, _, _ =	vpop (xrf2);
	(xrf2) =	vadd.scan.msk.f32 $0xffff, v22;
	v30 =	vsel vm1, v26, v21;
	v23 =	vsel vm1, v29, v23;
	vm1 =	vge.f32 v24, v17  }
0x182: {  	v19 =	vperm.xlane v19, v5;
	(xrf1) =	vsort.dscd.msk.f32 $0xffff, v30, v23;
	v26 =	vsel vm1, v25, v28  }
0x183: {  	v23 =	vperm.xlane v27, v5;
	v29 =	vsel vm1, v24, v17;
	v24, v25, _ =	vpop (xrf1)  }
0x184: {  	v20 =	vbroadcast v20, $0xF;
	(xrf1) =	vsort.dscd.msk.f32 $0xffff, v29, v26;
	vm1 =	vge.f32 v24, v19;
	v17, v21, _ =	vpop (xrf1)  }
0x185: {  	v17 =	vperm.xlane v17, v5;
	v19 =	vsel vm1, v24, v19;
	v23 =	vsel vm1, v25, v23;
	v26 =	vpop (erf)  }
0x186: {  	v24, v25, _ =	vpop (xrf1)  }
0x187: {  	v21 =	vperm.xlane v21, v5;
	vm1 =	vge.f32 v24, v17  }
0x188: {  	(erf) = vrcp.f32 v20;
	v20 =	vnsel vm0, $0x0, v26;
	(xrf1) =	vsort.dscd.msk.f32 $0xffff, v19, v23;
	v24 =	vsel vm1, v24, v17  }
0x189: {  	(xrf2) =	vadd.scan.msk.f32 $0xffff, v20  }
0x18a: {  	v19 =	vld [tilespmem:s12+$0xFFFFFFB0];
	v23, v26, _ =	vpop (xrf1);
	v21 =	vsel vm1, v25, v21  }
0x18b: {  	(xrf1) =	vsort.dscd.msk.f32 $0xffff, v24, v21;
	v17 =	vpop (erf);
	v25 =	vperm.xlane v26, v5  }
0x18c: {  	v21 =	vperm.xlane v23, v5;
	v17 =	vnsel vm0, $0x0, v17;
	v23, v24, _ =	vpop (xrf1)  }
0x18d: {  	v26, _, _ =	vpop (xrf2);
	(xrf2) =	vadd.scan.msk.f32 $0xffff, v17  }
0x18e: {  	vm1 =	vge.f32 v23, v21;
	v27 =	vld [tilespmem:s12+$0xFFFFFFA0];
	v28, v29, _ =	vpop (xrf1)  }
0x18f: {  	v32 =	vsel vm1, v23, v21;
	v21 =	vsel vm1, v24, v25;
	v26 =	vbroadcast v26, $0xF;
	v30, v31, _ =	vpop (xrf1);
	(xrf1) =	vsort.dscd.msk.f32 $0xffff, v19, v4  }
0x190: {  	v24, v25, _ =	vpop (xrf1);
	(xrf1) =	vsort.dscd.msk.f32 $0xffff, v32, v21  }
0x191: {  	v19 =	vpop (erf);
	(erf) = vrcp.f32 v26  }
0x192: {  	v21, v23, _ =	vpop (xrf1)  }
0x193: {  	v26 =	vperm.xlane v30, v5;
	(xrf1) =	vsort.dscd.msk.f32 $0xffff, v27, v3;
	v27, _, _ =	vpop (xrf2)  }
0x194: {  	v34 =	vperm.xlane v21, v5;
	v30, v32, _ =	vpop (xrf1);
	v33 =	vbroadcast v27, $0xF  }
0x195: {  	v18 =	vmul.f32 v19, v18;
	v19 =	vperm.xlane v23, v5;
	(xrf0) =	vmax.scan.msk.f32 $0xffff, v24  }
0x196: {  	s0 =	sadd.s32 $0x20, s0;
	v23 =	vperm.xlane v31, v5;
	vm1 =	vge.f32 v30, v34;
	(erf) = vrcp.f32 v33;
	v27, v31, _ =	vpop (xrf1)  }
0x197: {  	s8 =	sadd.s32 $0x20, s8;
	vm2 =	vge.f32 v28, v26;
	v19 =	vsel vm1, v32, v19;
	[tilespmem:s0+$0xFFFFFFF0] =	vst.msk $0xff, v18;
	v18 =	vsel vm1, v30, v34;
	v21, _, _ =	vpop (xrf2)  }
0x198: {  	[tilespmem:s8+$0xFFFFFFF0] =	vst.msk $0xff, v14;
	(xrf1) =	vsort.dscd.msk.f32 $0xffff, v18, v19;
	v18 =	vperm.xlane v27, v5;
	v30 =	vbroadcast v21, $0xF  }
0x199: {  	v23 =	vsel vm2, v29, v23;
	v21 =	vsel vm2, v28, v26;
	v27 =	vperm.xlane v31, v5;
	v26 =	vld [tilespmem:s26+$0xFFFFFFF0];
	v28, v29, _ =	vpop (xrf1)  }
0x19a: {  	(xrf1) =	vsort.dscd.msk.f32 $0xffff, v21, v23;
	[tilespmem:v12+s10+$0x0] =	vst.idx.add.f32.msk $0xff, v6;
	v12 =	vpop (erf);
	vm1 =	vge.f32 v28, v18;
	(erf) = vrcp.f32 v30  }
0x19b: {  	v19, _, _ =	vpop (xrf0);
	v21 =	vld [tilespmem:s26+$0xFFFFFFD0];
	v30 =	vmul.f32 v12, v22;
	v28 =	vsel vm1, v28, v18;
	v27 =	vsel vm1, v29, v27  }
0x19c: {  	v12 =	vmovc v11;
	v11 =	vmov v14;
	v14 =	vmov v25;
	v19 =	vbroadcast v19, $0xF;
	v23 =	vld [tilespmem:s26+$0xFFFFFFE0];
	(xrf1) =	vsort.dscd.msk.f32 $0xffff, v28, v27  }
0x19d: {  	v18, v25, _ =	vpop (xrf1);
	v27 =	vld [tilespmem:s26+$0xFFFFFFC0];
	[tilespmem:s22+$0xFFFFFFF8] =	vst.msk $0xff, v30  }
0x19e: {  	v19 =	vsub.f32 v24, v19;
	(xrf1) =	vsort.dscd.msk.f32 $0xffff, v26, v4;
	v22, v24, _ =	vpop (xrf1);
	[tilespmem:s23+$0xFFFFFFF8] =	vst.msk $0xff, v16  }
0x19f: {  	v18 =	vperm.xlane v18, v5;
	(xrf0) =	vmax.scan.msk.f32 $0xffff, v22;
	[tilespmem:v15+s10+$0x0] =	vst.idx.add.f32.msk $0xff, v6;
	v26 =	vpop (erf);
	v15 =	vmov v13  }
0x1a0: {  	v13 =	vmovc v16;
	v16 =	vmov v24;
	v19 =	vmul.f32 $1.442695020e+00, v19;
	(xrf1) =	vsort.dscd.msk.f32 $0xffff, v21, v2;
	v21 =	vld [tilespmem:s25+$0x0];
	v20 =	vmul.f32 v26, v20  }
0x1a1: {  	v28 =	vperm.xlane v25, v5;
	v25, v26, _ =	vpop (xrf1);
	(xrf1) =	vsort.dscd.msk.f32 $0xffff, v23, v3;
	v23 =	vld [tilespmem:s25+$0x30]  }
0x1a2: {  	vm1 =	vge.f32 v25, v18;
	(erf) = vpow2.f32 v19;
	(xrf1) =	vsort.dscd.msk.f32 $0xffff, v27, v0;
	v27 =	vld [tilespmem:s25+$0x10];
	[tilespmem:s18+$0x0] =	vst.msk $0xff, v20  }
0x1a3: {  	v25 =	vsel vm1, v25, v18;
	v19 =	vsel vm1, v26, v28;
	v20 =	vld [tilespmem:s25+$0x20];
	[tilespmem:s19+$0x0] =	vst.msk $0xff, v10;
	v24 =	vpop (erf)  }
0x1a4: {  	(xrf1) =	vsort.dscd.msk.f32 $0xffff, v25, v19;
	[tilespmem:v7+s10+$0x0] =	vst.idx.add.f32.msk $0xff, v6;
	v24 =	vmul.f32 v24, v17;
	v7 =	vmov v8  }
0x1a5: {  	v8 =	vmov v10;
	v18, _, _ =	vpop (xrf0);
	(xrf1) =	vsort.dscd.msk.f32 $0xffff, v21, v0;
	v21 =	vld [tilespmem:s29+$0x70]  }
0x1a6: {  	v18 =	vbroadcast v18, $0xF;
	(xrf1) =	vsort.dscd.msk.f32 $0xffff, v23, v4;
	v28, v10, _ =	vpop (xrf1);
	[tilespmem:s14+$0x8] =	vst.msk $0xff, v24;
	s14 =	smov.u32 s16;
	s16 =	smov.u32 s18;
	s18 =	smov.u32 s20  }
0x1a7: {  	s20 =	smov.u32 s22;
	s22 =	smov.u32 s31;
	s31 =	smov.u32 s0;
	(xrf0) =	vmax.scan.msk.f32 $0xffff, v28;
	v23 =	vld [tilespmem:s29+$0x60];
	[tilespmem:s15+$0x8] =	vst.msk $0xff, v9  }
0x1a8: {  	s15 =	smov.u32 s17;
	s17 =	smov.u32 s19;
	s19 =	smov.u32 s21;
	v19, v17, _ =	vpop (xrf1);
	v18 =	vsub.f32 v22, v18;
	(xrf1) =	vsort.dscd.msk.f32 $0xffff, v27, v2;
	[tilespmem:v9+s10+$0x0] =	vst.idx.add.f32.msk $0xff, v6  }
0x1a9: {  	s11 =	sadd.s32 $0x4, s11;
	s21 =	smov.u32 s23;
	s23 =	smov.u32 s1;
	(xrf1) =	vsort.dscd.msk.f32 $0xffff, v20, v3;
	v24 =	vld [tilespmem:s29+$0x50]  }
0x1aa: {  	p0 =	slt.u32 s11, $0xFC;
	s1 =	smov.u32 s8;
	v18 =	vmul.f32 $1.442695020e+00, v18;
	(xrf1) =	vsort.dscd.msk.f32 $0xffff, v21, v4;
	v20, v9, _ =	vpop (xrf1)  }
0x1ab: {  	v21 =	vpop (erf);
	v30 =	vld [tilespmem:s29+$0x40];
	(xrf0) =	vmax.scan.msk.f32 $0xffff, v20;
	s29 =	smov.u32 s28;
	s28 =	smov.u32 s25;
	s25 =	smov.u32 s24  }
.Ltmp0:
0x1ac: {  	s24 =	smov.u32 s26;
	s26 =	smov.u32 s30;
	v22, v26, _ =	vpop (xrf1);
	(erf) = vpow2.f32 v18;
	(pc) =	sbr.rel @p0 .LBB2_2-.Ltmp0, $4  }
0x1ad: {  	s30 =	smov.u32 s12;
	v27, _, _ =	vpop (xrf0);
	(xrf1) =	vsort.dscd.msk.f32 $0xffff, v23, v3  }
0x1ae: {  	v18 =	vnsel vm0, $0x0, v21;
	v22 =	vperm.xlane v22, v5;
	v21, v25, _ =	vpop (xrf1);
	v31 =	vbroadcast v27, $0xF;
	(xrf1) =	vsort.dscd.msk.f32 $0xffff, v24, v2  }
0x1af: {  	v26 =	vperm.xlane v26, v5;
	(xrf2) =	vadd.scan.msk.f32 $0xffff, v18;
	v21 =	vperm.xlane v21, v5;
	v29, v27, _ =	vpop (xrf1)  }
0x1b0: {  	s12 =	sadd.s32 $0x100, s12;
	vm1 =	vge.f32 v29, v22;
	v24, v23, _ =	vpop (xrf1);
	v28 =	vsub.f32 v28, v31;
	(xrf1) =	vsort.dscd.msk.f32 $0xffff, v30, v0  }
0x1b1: {  	v25 =	vperm.xlane v25, v5  }
0x1b2: {  	v22 =	vsel vm1, v29, v22;
	v26 =	vsel vm1, v27, v26;
	vm1 =	vge.f32 v24, v21  }
0x1b3: {  	v30, _, _ =	vpop (xrf0);
	v23 =	vsel vm1, v23, v25  }
0x1b4: {  	v47, v46, _ =	vpop (xrf1);
	v28 =	vmul.f32 $1.442695020e+00, v28;
	v21 =	vsel vm1, v24, v21  }
0x1b5: {  	v48 =	vbroadcast v30, $0xF;
	v49 =	vperm.xlane v47, v5;
	v50, v51, _ =	vpop (xrf1)  }
0x1b6: {  	(xrf1) =	vsort.dscd.msk.f32 $0xffff, v22, v26;
	v52 =	vperm.xlane v46, v5;
	(erf) = vpow2.f32 v28;
	v53 =	vpop (erf)  }
0x1b7: {  	(xrf1) =	vsort.dscd.msk.f32 $0xffff, v21, v23;
	v20 =	vsub.f32 v20, v48;
	vm1 =	vge.f32 v19, v49;
	v21, v23, _ =	vpop (xrf1)  }
0x1b8: {  	v19 =	vsel vm1, v19, v49;
	v21 =	vperm.xlane v21, v5;
	v55, v54, _ =	vpop (xrf1)  }
0x1b9: {  	v20 =	vmul.f32 $1.442695020e+00, v20;
	v17 =	vsel vm1, v17, v52;
	v56 =	vperm.xlane v23, v5;
	v58, v57, _ =	vpop (xrf1)  }
0x1ba: {  	v27 =	vnsel vm0, $0x0, v53;
	(xrf1) =	vsort.dscd.msk.f32 $0xffff, v19, v17;
	v59 =	vperm.xlane v55, v5;
	vm1 =	vge.f32 v58, v21  }
0x1bb: {  	v28 =	vperm.xlane v54, v5;
	v60, v61, _ =	vpop (xrf1);
	v21 =	vsel vm1, v58, v21;
	v22 =	vsel vm1, v57, v56  }
0x1bc: {  	v62, _, _ =	vpop (xrf2);
	(xrf2) =	vadd.scan.msk.f32 $0xffff, v27;
	vm1 =	vge.f32 v50, v59;
	v19 =	vperm.xlane v60, v5;
	v32 =	vperm.xlane v61, v5  }
0x1bd: {  	v63, v29, _ =	vpop (xrf1);
	(xrf1) =	vsort.dscd.msk.f32 $0xffff, v21, v22;
	v17 =	vsel vm1, v50, v59;
	v31 =	vsel vm1, v51, v28  }
0x1be: {  	(erf) = vpow2.f32 v20;
	v35 =	vbroadcast v62, $0xF;
	v33, v34, _ =	vpop (xrf1);
	(xrf1) =	vsort.dscd.msk.f32 $0xffff, v17, v31;
	vm1 =	vge.f32 v63, v19  }
0x1bf: {  	v36 =	vpop (erf);
	v37 =	vperm.xlane v33, v5;
	v19 =	vsel vm1, v63, v19;
	v38 =	vsel vm1, v29, v32  }
0x1c0: {  	v39 =	vperm.xlane v34, v5;
	(erf) = vrcp.f32 v35;
	v41, v40, _ =	vpop (xrf1);
	v25 =	vnsel vm0, $0x0, v36;
	(xrf1) =	vsort.dscd.msk.f32 $0xffff, v19, v38  }
0x1c1: {  	vm1 =	vge.f32 v41, v37;
	(xrf2) =	vadd.scan.msk.f32 $0xffff, v25  }
0x1c2: {  	v42 =	vsel vm1, v41, v37;
	v43 =	vsel vm1, v40, v39  }
0x1c3: {  	(xrf1) =	vsort.dscd.msk.f32 $0xffff, v42, v43;
	_ =	sdelay $0x1  }
0x1c4: {  	v44, v45, _ =	vpop (xrf1)  }
0x1c5: {  	v49, _, _ =	vpop (xrf2)  }
0x1c6: {  	v46 =	vperm.xlane v44, v5;
	v52 =	vpop (erf);
	v51 =	vbroadcast v49, $0xF  }
0x1c7: {  	v21 =	vperm.xlane v45, v5;
	v47, v48, _ =	vpop (xrf1)  }
0x1c8: {  	vm1 =	vge.f32 v47, v46;
	(erf) = vrcp.f32 v51;
	v54 =	vpop (erf)  }
0x1c9: {  	v17 =	vsel vm1, v47, v46;
	v50 =	vsel vm1, v48, v21;
	v53, v20, _ =	vpop (xrf1)  }
0x1ca: {  	(xrf1) =	vsort.dscd.msk.f32 $0xffff, v17, v50;
	v57, _, _ =	vpop (xrf2)  }
0x1cb: {  	v17 =	vnsel vm0, $0x0, v52;
	v18 =	vmul.f32 v54, v18;
	v56, v55, _ =	vpop (xrf1)  }
0x1cc: {  	(xrf2) =	vadd.scan.msk.f32 $0xffff, v17;
	v61 =	vbroadcast v57, $0xF;
	v22 =	vperm.xlane v56, v5  }
0x1cd: {  	s0 =	sadd.s32 $0x20, s0;
	[tilespmem:v12+s10+$0x0] =	vst.idx.add.f32.msk $0xff, v6;
	v59, v58, _ =	vpop (xrf1);
	v60 =	vperm.xlane v55, v5  }
0x1ce: {  	s8 =	sadd.s32 $0x20, s8;
	(xrf0) =	vmax.scan.msk.f32 $0xffff, v53;
	[tilespmem:s0+$0xFFFFFFF0] =	vst.msk $0xff, v18;
	(erf) = vrcp.f32 v61;
	vm1 =	vge.f32 v59, v22;
	v63, v62, _ =	vpop (xrf1)  }
0x1cf: {  	[tilespmem:s8+$0xFFFFFFF0] =	vst.msk $0xff, v14;
	v32 =	vsel vm1, v59, v22;
	v21 =	vsel vm1, v58, v60;
	v33 =	vperm.xlane v63, v5  }
0x1d0: {  	v34 =	vld [tilespmem:s26+$0xFFFFFFF0];
	v35 =	vperm.xlane v62, v5;
	(xrf1) =	vsort.dscd.msk.f32 $0xffff, v32, v21;
	v36, v37, _ =	vpop (xrf1)  }
0x1d1: {  	[tilespmem:v15+s10+$0x0] =	vst.idx.add.f32.msk $0xff, v6;
	v38 =	vpop (erf);
	vm1 =	vge.f32 v36, v33  }
0x1d2: {  	v40 =	vld [tilespmem:s26+$0xFFFFFFD0];
	v41 =	vmul.f32 v38, v27;
	v18 =	vsel vm1, v36, v33;
	v22 =	vsel vm1, v37, v35  }
0x1d3: {  	v43 =	vld [tilespmem:s26+$0xFFFFFFE0];
	(xrf1) =	vsort.dscd.msk.f32 $0xffff, v18, v22  }
0x1d4: {  	v39, _, _ =	vpop (xrf0);
	[tilespmem:s22+$0xFFFFFFF8] =	vst.msk $0xff, v41  }
0x1d5: {  	v46 =	vld [tilespmem:s26+$0xFFFFFFC0];
	v42 =	vbroadcast v39, $0xF;
	(xrf1) =	vsort.dscd.msk.f32 $0xffff, v34, v4;
	[tilespmem:s23+$0xFFFFFFF8] =	vst.msk $0xff, v16  }
0x1d6: {  	v44, _, _ =	vpop (xrf2);
	v49 =	vld [tilespmem:s25+$0x0]  }
0x1d7: {  	v45 =	vbroadcast v44, $0xF;
	v19 =	vsub.f32 v53, v42;
	(xrf1) =	vsort.dscd.msk.f32 $0xffff, v40, v2;
	v51 =	vld [tilespmem:s25+$0x30];
	v50 =	vpop (erf)  }
0x1d8: {  	v53 =	vld [tilespmem:s25+$0x10];
	v47, v22, _ =	vpop (xrf1);
	(xrf1) =	vsort.dscd.msk.f32 $0xffff, v43, v3;
	v52 =	vmul.f32 v50, v25  }
0x1d9: {  	(erf) = vrcp.f32 v45;
	v48 =	vmul.f32 $1.442695020e+00, v19;
	v54 =	vld [tilespmem:s25+$0x20];
	(xrf0) =	vmax.scan.msk.f32 $0xffff, v47  }
0x1da: {  	(xrf1) =	vsort.dscd.msk.f32 $0xffff, v46, v0;
	[tilespmem:s18+$0x0] =	vst.msk $0xff, v52  }
0x1db: {  	(erf) = vpow2.f32 v48;
	[tilespmem:s19+$0x0] =	vst.msk $0xff, v10;
	(xrf1) =	vsort.dscd.msk.f32 $0xffff, v49, v0  }
0x1dc: {  	v56 =	vld [tilespmem:s29+$0x70];
	(xrf1) =	vsort.dscd.msk.f32 $0xffff, v51, v4  }
0x1dd: {  	(xrf1) =	vsort.dscd.msk.f32 $0xffff, v53, v2  }
0x1de: {  	v59 =	vld [tilespmem:s29+$0x60];
	v57, v15, _ =	vpop (xrf1);
	(xrf1) =	vsort.dscd.msk.f32 $0xffff, v54, v3  }
0x1df: {  	v60 =	vld [tilespmem:s29+$0x50];
	v55, _, _ =	vpop (xrf0);
	(xrf0) =	vmax.scan.msk.f32 $0xffff, v57  }
0x1e0: {  	v58 =	vbroadcast v55, $0xF  }
0x1e1: {  	v63 =	vld [tilespmem:s29+$0x40];
	v61, v12, _ =	vpop (xrf1);
	(xrf1) =	vsort.dscd.msk.f32 $0xffff, v56, v4  }
0x1e2: {  	v18 =	vpop (erf);
	v21 =	vsub.f32 v47, v58;
	(xrf0) =	vmax.scan.msk.f32 $0xffff, v61  }
0x1e3: {  	v33, v34, _ =	vpop (xrf1);
	(xrf1) =	vsort.dscd.msk.f32 $0xffff, v59, v3  }
0x1e4: {  	v62 =	vpop (erf);
	v21 =	vmul.f32 $1.442695020e+00, v21;
	(xrf1) =	vsort.dscd.msk.f32 $0xffff, v60, v2  }
0x1e5: {  	v36 =	vperm.xlane v33, v5;
	v35, _, _ =	vpop (xrf0)  }
0x1e6: {  	v38, v37, _ =	vpop (xrf1);
	(erf) = vpow2.f32 v21;
	(xrf1) =	vsort.dscd.msk.f32 $0xffff, v63, v0;
	v21 =	vbroadcast v35, $0xF  }
0x1e7: {  	v40 =	vperm.xlane v34, v5;
	v41, v31, _ =	vpop (xrf1)  }
0x1e8: {  	v39 =	vperm.xlane v38, v5;
	vm1 =	vge.f32 v41, v36;
	v42, v43, _ =	vpop (xrf1);
	v21 =	vsub.f32 v57, v21  }
0x1e9: {  	v30 =	vperm.xlane v37, v5;
	v26 =	vsel vm1, v41, v36;
	v28 =	vsel vm1, v31, v40;
	v44, _, _ =	vpop (xrf0)  }
0x1ea: {  	v19 =	vnsel vm0, $0x0, v62;
	vm1 =	vge.f32 v42, v39;
	(xrf1) =	vsort.dscd.msk.f32 $0xffff, v26, v28;
	v47, v46, _ =	vpop (xrf1);
	v21 =	vmul.f32 $1.442695020e+00, v21  }
0x1eb: {  	(xrf2) =	vadd.scan.msk.f32 $0xffff, v19;
	v23 =	vsel vm1, v42, v39;
	v45 =	vsel vm1, v43, v30;
	v49, v48, _ =	vpop (xrf1)  }
0x1ec: {  	(xrf1) =	vsort.dscd.msk.f32 $0xffff, v23, v45;
	v52, v51, _ =	vpop (xrf1);
	(erf) = vpow2.f32 v21;
	v21 =	vperm.xlane v49, v5  }
0x1ed: {  	v23 =	vperm.xlane v48, v5;
	v26 =	vperm.xlane v52, v5;
	v54, v53, _ =	vpop (xrf1)  }
0x1ee: {  	v50 =	vbroadcast v44, $0xF;
	vm1 =	vge.f32 v54, v21  }
0x1ef: {  	v29 =	vperm.xlane v51, v5;
	v55 =	vpop (erf);
	v21 =	vsel vm1, v54, v21;
	v23 =	vsel vm1, v53, v23  }
0x1f0: {  	v24 =	vsub.f32 v61, v50;
	v32, v33, _ =	vpop (xrf1);
	vm1 =	vge.f32 v47, v26;
	(xrf1) =	vsort.dscd.msk.f32 $0xffff, v21, v23  }
0x1f1: {  	v57 =	vperm.xlane v32, v5;
	v58 =	vsel vm1, v47, v26;
	v59 =	vsel vm1, v46, v29;
	v60, v61, _ =	vpop (xrf1)  }
0x1f2: {  	v24 =	vmul.f32 $1.442695020e+00, v24;
	v25 =	vnsel vm0, $0x0, v55;
	v62 =	vperm.xlane v33, v5;
	(xrf1) =	vsort.dscd.msk.f32 $0xffff, v58, v59;
	v23, v26, _ =	vpop (xrf1)  }
0x1f3: {  	(xrf2) =	vadd.scan.msk.f32 $0xffff, v25;
	vm1 =	vge.f32 v60, v57;
	v23 =	vperm.xlane v23, v5  }
0x1f4: {  	(erf) = vpow2.f32 v24;
	v24 =	vsel vm1, v61, v62;
	v26 =	vperm.xlane v26, v5;
	v34, v35, _ =	vpop (xrf1)  }
0x1f5: {  	v21 =	vsel vm1, v60, v57;
	vm1 =	vge.f32 v34, v23  }
0x1f6: {  	v56, _, _ =	vpop (xrf2);
	v26 =	vsel vm1, v35, v26  }
0x1f7: {  	v33 =	vpop (erf);
	v23 =	vsel vm1, v34, v23  }
0x1f8: {  	v63 =	vbroadcast v56, $0xF;
	(xrf1) =	vsort.dscd.msk.f32 $0xffff, v21, v24;
	v30 =	vnsel vm0, $0x0, v33;
	v21, v24, _ =	vpop (xrf1)  }
0x1f9: {  	(xrf2) =	vadd.scan.msk.f32 $0xffff, v30;
	v21 =	vperm.xlane v21, v5  }
0x1fa: {  	(erf) = vrcp.f32 v63;
	(xrf1) =	vsort.dscd.msk.f32 $0xffff, v23, v26;
	v24 =	vperm.xlane v24, v5;
	v23, v26, _ =	vpop (xrf1)  }
0x1fb: {  	vm1 =	vge.f32 v23, v21  }
0x1fc: {  	v21 =	vsel vm1, v23, v21;
	v36 =	vsel vm1, v26, v24  }
0x1fd: {  	v37, _, _ =	vpop (xrf2);
	(xrf1) =	vsort.dscd.msk.f32 $0xffff, v21, v36  }
0x1fe: {  	v24, v26, _ =	vpop (xrf1)  }
0x1ff: {  	v21 =	vbroadcast v37, $0xF;
	v40 =	vperm.xlane v24, v5  }
0x200: {  	v42, v41, _ =	vpop (xrf1);
	v26 =	vperm.xlane v26, v5  }
0x201: {  	v38 =	vpop (erf);
	(erf) = vrcp.f32 v21;
	vm1 =	vge.f32 v42, v40  }
0x202: {  	v44 =	vsel vm1, v42, v40;
	v45 =	vsel vm1, v41, v26  }
0x203: {  	v39 =	vpop (erf);
	(xrf1) =	vsort.dscd.msk.f32 $0xffff, v44, v45  }
0x204: {  	v19 =	vmul.f32 v39, v19;
	v43, _, _ =	vpop (xrf2)  }
0x205: {  	s12 =	sadd.s32 $0x20, s0;
	v27 =	vbroadcast v43, $0xF  }
0x206: {  	s11 =	sadd.s32 $0x20, s8;
	[tilespmem:s12+$0xFFFFFFF0] =	vst.msk $0xff, v19;
	v46, v47, _ =	vpop (xrf1)  }
0x207: {  	[tilespmem:s11+$0xFFFFFFF0] =	vst.msk $0xff, v20;
	v48 =	vperm.xlane v46, v5;
	(erf) = vrcp.f32 v27  }
0x208: {  	v49 =	vld [tilespmem:s30+$0xFFFFFFF0];
	v26 =	vperm.xlane v47, v5;
	v51, v50, _ =	vpop (xrf1)  }
0x209: {  	v19 =	vnsel vm0, $0x0, v38;
	v52 =	vld [tilespmem:s30+$0xFFFFFFD0];
	vm1 =	vge.f32 v51, v48  }
0x20a: {  	(xrf2) =	vadd.scan.msk.f32 $0xffff, v19;
	v53 =	vld [tilespmem:s30+$0xFFFFFFE0];
	v21 =	vsel vm1, v51, v48;
	v26 =	vsel vm1, v50, v26;
	v54 =	vpop (erf)  }
0x20b: {  	[tilespmem:v11+s10+$0x0] =	vst.idx.add.f32.msk $0xff, v6;
	(xrf1) =	vsort.dscd.msk.f32 $0xffff, v21, v26;
	v55 =	vmul.f32 v54, v25;
	v57, v24, _ =	vpop (xrf1)  }
0x20c: {  	v56 =	vld [tilespmem:s30+$0xFFFFFFC0];
	(xrf0) =	vmax.scan.msk.f32 $0xffff, v57  }
0x20d: {  	(xrf1) =	vsort.dscd.msk.f32 $0xffff, v49, v4;
	[tilespmem:s31+$0xFFFFFFF8] =	vst.msk $0xff, v55  }
0x20e: {  	(xrf1) =	vsort.dscd.msk.f32 $0xffff, v52, v2;
	[tilespmem:s1+$0xFFFFFFF8] =	vst.msk $0xff, v22  }
0x20f: {  	(xrf1) =	vsort.dscd.msk.f32 $0xffff, v53, v3;
	v21 =	vld [tilespmem:s24+$0x0]  }
0x210: {  	v58 =	vpop (erf);
	v59 =	vld [tilespmem:s24+$0x30]  }
0x211: {  	[tilespmem:v13+s10+$0x0] =	vst.idx.add.f32.msk $0xff, v6;
	(xrf1) =	vsort.dscd.msk.f32 $0xffff, v56, v0;
	v11 =	vmul.f32 v58, v30;
	v63, v13, _ =	vpop (xrf1)  }
0x212: {  	v60 =	vld [tilespmem:s24+$0x10];
	v61, _, _ =	vpop (xrf0)  }
0x213: {  	v62 =	vld [tilespmem:s24+$0x20];
	[tilespmem:s20+$0x0] =	vst.msk $0xff, v11;
	(xrf0) =	vmax.scan.msk.f32 $0xffff, v63;
	v11 =	vbroadcast v61, $0xF  }
0x214: {  	[tilespmem:s21+$0x0] =	vst.msk $0xff, v15;
	(xrf1) =	vsort.dscd.msk.f32 $0xffff, v21, v0  }
0x215: {  	v35, _, _ =	vpop (xrf2);
	v34 =	vld [tilespmem:s28+$0x70];
	(xrf1) =	vsort.dscd.msk.f32 $0xffff, v59, v4;
	v11 =	vsub.f32 v57, v11  }
0x216: {  	v36 =	vbroadcast v35, $0xF;
	v37 =	vld [tilespmem:s28+$0x60]  }
0x217: {  	(xrf1) =	vsort.dscd.msk.f32 $0xffff, v60, v2  }
0x218: {  	(erf) = vrcp.f32 v36;
	v38 =	vld [tilespmem:s28+$0x50];
	(xrf1) =	vsort.dscd.msk.f32 $0xffff, v62, v3  }
0x219: {  	v39 =	vld [tilespmem:s28+$0x40];
	v40 =	vmul.f32 $1.442695020e+00, v11;
	v43, _, _ =	vpop (xrf0)  }
0x21a: {  	(xrf1) =	vsort.dscd.msk.f32 $0xffff, v34, v4;
	v27, v11, _ =	vpop (xrf1)  }
0x21b: {  	(erf) = vpow2.f32 v40;
	v21 =	vbroadcast v43, $0xF;
	(xrf1) =	vsort.dscd.msk.f32 $0xffff, v37, v3;
	v42, v41, _ =	vpop (xrf1)  }
0x21c: {  	v44 =	vperm.xlane v42, v5;
	v46, v45, _ =	vpop (xrf1)  }
0x21d: {  	(xrf1) =	vsort.dscd.msk.f32 $0xffff, v38, v2;
	v21 =	vsub.f32 v63, v21;
	v48 =	vperm.xlane v41, v5;
	v50, v49, _ =	vpop (xrf1)  }
0x21e: {  	(xrf1) =	vsort.dscd.msk.f32 $0xffff, v39, v0;
	v47 =	vperm.xlane v46, v5;
	vm1 =	vge.f32 v50, v44  }
0x21f: {  	v31 =	vperm.xlane v45, v5;
	v52, v51, _ =	vpop (xrf1);
	v23 =	vsel vm1, v50, v44;
	v29 =	vsel vm1, v49, v48  }
0x220: {  	vm1 =	vge.f32 v52, v47;
	(xrf1) =	vsort.dscd.msk.f32 $0xffff, v23, v29  }
0x221: {  	v53 =	vmul.f32 $1.442695020e+00, v21;
	v21 =	vpop (erf);
	v25 =	vsel vm1, v52, v47;
	v54 =	vsel vm1, v51, v31  }
0x222: {  	v57, v56, _ =	vpop (xrf1);
	(xrf1) =	vsort.dscd.msk.f32 $0xffff, v25, v54  }
0x223: {  	v59, v58, _ =	vpop (xrf1)  }
0x224: {  	(xrf0) =	vmax.scan.msk.f32 $0xffff, v27;
	v60 =	vpop (erf)  }
0x225: {  	(erf) = vpow2.f32 v53;
	v28 =	vperm.xlane v59, v5;
	v62, v61, _ =	vpop (xrf1)  }
0x226: {  	v29 =	vperm.xlane v58, v5;
	v63, v34, _ =	vpop (xrf1);
	v31 =	vperm.xlane v62, v5  }
0x227: {  	v32 =	vperm.xlane v61, v5;
	v30 =	vnsel vm0, $0x0, v60;
	vm1 =	vge.f32 v63, v28  }
0x228: {  	(xrf2) =	vadd.scan.msk.f32 $0xffff, v30;
	v35, v36, _ =	vpop (xrf1);
	v28 =	vsel vm1, v63, v28;
	v29 =	vsel vm1, v34, v29;
	vm1 =	vge.f32 v57, v31  }
0x229: {  	v26 =	vsel vm1, v56, v32;
	v40, v41, _ =	vpop (xrf1);
	(xrf1) =	vsort.dscd.msk.f32 $0xffff, v28, v29  }
0x22a: {  	v55, _, _ =	vpop (xrf0);
	v23 =	vsel vm1, v57, v31  }
0x22b: {  	v42 =	vperm.xlane v35, v5;
	v43, v44, _ =	vpop (xrf1);
	(xrf1) =	vsort.dscd.msk.f32 $0xffff, v23, v26  }
0x22c: {  	v25 =	vbroadcast v55, $0xF  }
0x22d: {  	v45 =	vperm.xlane v36, v5;
	vm1 =	vge.f32 v40, v42;
	v23, v26, _ =	vpop (xrf1)  }
0x22e: {  	v25 =	vsub.f32 v27, v25;
	v29 =	vperm.xlane v43, v5;
	v28 =	vsel vm1, v40, v42;
	v47, v48, _ =	vpop (xrf1)  }
0x22f: {  	v46 =	vpop (erf);
	v31 =	vsel vm1, v41, v45;
	v35 =	vperm.xlane v44, v5;
	v49 =	vperm.xlane v47, v5  }
0x230: {  	v32 =	vnsel vm0, $0x0, v46;
	(xrf1) =	vsort.dscd.msk.f32 $0xffff, v28, v31;
	vm1 =	vge.f32 v23, v29;
	v51, v50, _ =	vpop (xrf1);
	v52 =	vperm.xlane v48, v5  }
0x231: {  	(xrf2) =	vadd.scan.msk.f32 $0xffff, v32;
	v23 =	vsel vm1, v23, v29;
	v26 =	vsel vm1, v26, v35;
	vm1 =	vge.f32 v51, v49  }
0x232: {  	v25 =	vmul.f32 $1.442695020e+00, v25;
	(xrf1) =	vsort.dscd.msk.f32 $0xffff, v23, v26;
	v53 =	vsel vm1, v51, v49;
	v54 =	vsel vm1, v50, v52  }
0x233: {  	v55, _, _ =	vpop (xrf2);
	(xrf1) =	vsort.dscd.msk.f32 $0xffff, v53, v54  }
0x234: {  	(erf) = vpow2.f32 v25;
	v23 =	vbroadcast v55, $0xF;
	_ =	sdelay $0x1  }
0x235: {  	(erf) = vrcp.f32 v23  }
0x236: {  	v57, v56, _ =	vpop (xrf1)  }
0x237: {  	v23 =	vperm.xlane v57, v5  }
0x238: {  	v27, v28, _ =	vpop (xrf1);
	v25 =	vperm.xlane v56, v5  }
0x239: {  	vm1 =	vge.f32 v27, v23  }
0x23a: {  	v58, _, _ =	vpop (xrf2);
	v23 =	vsel vm1, v27, v23;
	v25 =	vsel vm1, v28, v25  }
0x23b: {  	v26 =	vbroadcast v58, $0xF;
	(xrf1) =	vsort.dscd.msk.f32 $0xffff, v23, v25  }
0x23c: {  	v59 =	vpop (erf)  }
0x23d: {  	(erf) = vrcp.f32 v26;
	v60, v61, _ =	vpop (xrf1);
	v23 =	vnsel vm0, $0x0, v59  }
0x23e: {  	v37 =	vpop (erf);
	(xrf2) =	vadd.scan.msk.f32 $0xffff, v23  }
0x23f: {  	v63, v62, _ =	vpop (xrf1)  }
0x240: {  	v30 =	vmul.f32 v37, v30;
	v36, v26, _ =	vpop (xrf1)  }
0x241: {  	[tilespmem:v14+s10+$0x0] =	vst.idx.add.f32.msk $0xff, v6;
	(xrf0) =	vmax.scan.msk.f32 $0xffff, v36  }
0x242: {  	v38 =	vperm.xlane v60, v5;
	[tilespmem:s0+$0xFFFFFFF8] =	vst.msk $0xff, v30  }
0x243: {  	[tilespmem:s8+$0xFFFFFFF8] =	vst.msk $0xff, v24  }
0x244: {  	vm1 =	vge.f32 v63, v38;
	v30 =	vld [tilespmem:s26+$0x0]  }
0x245: {  	[tilespmem:v16+s10+$0x0] =	vst.idx.add.f32.msk $0xff, v6;
	v39 =	vperm.xlane v61, v5;
	v14 =	vsel vm1, v63, v38  }
0x246: {  	v43 =	vld [tilespmem:s26+$0x30];
	v40 =	vpop (erf)  }
0x247: {  	v25 =	vsel vm1, v62, v39;
	v45 =	vld [tilespmem:s26+$0x10];
	v41, _, _ =	vpop (xrf0)  }
0x248: {  	(xrf1) =	vsort.dscd.msk.f32 $0xffff, v14, v25;
	v46 =	vld [tilespmem:s26+$0x20];
	v42 =	vmul.f32 v40, v32;
	v44, _, _ =	vpop (xrf2);
	v16 =	vbroadcast v41, $0xF  }
0x249: {  	(xrf1) =	vsort.dscd.msk.f32 $0xffff, v30, v0;
	v47, v14, _ =	vpop (xrf1)  }
0x24a: {  	[tilespmem:s22+$0x0] =	vst.msk $0xff, v42;
	v27 =	vbroadcast v44, $0xF;
	(xrf0) =	vmax.scan.msk.f32 $0xffff, v47;
	v16 =	vsub.f32 v36, v16  }
0x24b: {  	[tilespmem:s23+$0x0] =	vst.msk $0xff, v13;
	(xrf1) =	vsort.dscd.msk.f32 $0xffff, v43, v4  }
0x24c: {  	v48 =	vld [tilespmem:s25+$0x70];
	(xrf1) =	vsort.dscd.msk.f32 $0xffff, v45, v2;
	(erf) = vrcp.f32 v27;
	v16 =	vmul.f32 $1.442695020e+00, v16  }
0x24d: {  	v49 =	vld [tilespmem:s25+$0x60];
	(xrf1) =	vsort.dscd.msk.f32 $0xffff, v46, v3  }
0x24e: {  	v50 =	vld [tilespmem:s25+$0x50];
	(erf) = vpow2.f32 v16;
	_ =	sdelay $0x1  }
0x24f: {  	v52, _, _ =	vpop (xrf0)  }
0x250: {  	v51 =	vld [tilespmem:s25+$0x40];
	(xrf1) =	vsort.dscd.msk.f32 $0xffff, v48, v4;
	v16 =	vbroadcast v52, $0xF  }
0x251: {  	(xrf1) =	vsort.dscd.msk.f32 $0xffff, v49, v3  }
0x252: {  	(xrf1) =	vsort.dscd.msk.f32 $0xffff, v50, v2;
	_ =	sdelay $0x1  }
0x253: {  	v25 =	vpop (erf);
	v53 =	vsub.f32 v47, v16  }
0x254: {  	v54, v16, _ =	vpop (xrf1);
	(xrf1) =	vsort.dscd.msk.f32 $0xffff, v51, v0  }
0x255: {  	v27 =	vmul.f32 $1.442695020e+00, v53;
	v55 =	vpop (erf)  }
0x256: {  	(xrf0) =	vmax.scan.msk.f32 $0xffff, v54;
	v57, v56, _ =	vpop (xrf1);
	v29 =	vnsel vm0, $0x0, v55  }
0x257: {  	(erf) = vpow2.f32 v27;
	v59, v58, _ =	vpop (xrf1);
	(xrf2) =	vadd.scan.msk.f32 $0xffff, v29  }
0x258: {  	v31 =	vperm.xlane v59, v5;
	v61, v60, _ =	vpop (xrf1)  }
0x259: {  	v32 =	vperm.xlane v58, v5;
	v63, v62, _ =	vpop (xrf1)  }
0x25a: {  	vm1 =	vge.f32 v63, v31  }
0x25b: {  	v32 =	vsel vm1, v62, v32  }
0x25c: {  	v33 =	vperm.xlane v61, v5;
	v31 =	vsel vm1, v63, v31;
	v37, _, _ =	vpop (xrf0)  }
0x25d: {  	v38, v39, _ =	vpop (xrf1);
	v37 =	vbroadcast v37, $0xF  }
0x25e: {  	v34 =	vperm.xlane v60, v5;
	vm1 =	vge.f32 v57, v33;
	v41 =	vperm.xlane v38, v5;
	v42, v43, _ =	vpop (xrf1)  }
0x25f: {  	v44 =	vperm.xlane v39, v5;
	(xrf1) =	vsort.dscd.msk.f32 $0xffff, v31, v32;
	v28 =	vsub.f32 v54, v37;
	v31, v32, _ =	vpop (xrf1)  }
0x260: {  	v27 =	vsel vm1, v57, v33;
	v30 =	vsel vm1, v56, v34;
	vm1 =	vge.f32 v42, v41;
	v45 =	vpop (erf)  }
0x261: {  	v35 =	vsel vm1, v42, v41;
	v31 =	vperm.xlane v31, v5;
	v28 =	vmul.f32 $1.442695020e+00, v28;
	v46, _, _ =	vpop (xrf2)  }
0x262: {  	(xrf1) =	vsort.dscd.msk.f32 $0xffff, v27, v30;
	v47 =	vsel vm1, v43, v44;
	v48 =	vperm.xlane v32, v5;
	v50, v49, _ =	vpop (xrf1);
	v36 =	vbroadcast v46, $0xF  }
0x263: {  	(xrf1) =	vsort.dscd.msk.f32 $0xffff, v35, v47;
	v51 =	vnsel vm0, $0x0, v45;
	(erf) = vpow2.f32 v28;
	vm1 =	vge.f32 v50, v31  }
0x264: {  	(xrf2) =	vadd.scan.msk.f32 $0xffff, v51;
	v52 =	vsel vm1, v50, v31;
	v30 =	vsel vm1, v49, v48;
	(erf) = vrcp.f32 v36  }
0x265: {  	(xrf1) =	vsort.dscd.msk.f32 $0xffff, v52, v30;
	_ =	sdelay $0x6  }
0x266: {  	v53 =	vpop (erf)  }
0x267: {  	v54 =	vpop (erf)  }
0x268: {  	v31, v32, _ =	vpop (xrf1);
	v29 =	vmul.f32 v54, v29  }
0x269: {  	[tilespmem:v20+s10+$0x0] =	vst.idx.add.f32.msk $0xff, v6;
	v55, _, _ =	vpop (xrf2)  }
0x26a: {  	v57, v56, _ =	vpop (xrf1);
	v30 =	vbroadcast v55, $0xF;
	[tilespmem:s12+$0xFFFFFFF8] =	vst.msk $0xff, v29  }
0x26b: {  	v58 =	vperm.xlane v31, v5;
	v60 =	vperm.xlane v32, v5;
	v59, v35, _ =	vpop (xrf1);
	[tilespmem:s11+$0xFFFFFFF8] =	vst.msk $0xff, v26  }
0x26c: {  	v31 =	vperm.xlane v59, v5;
	(erf) = vrcp.f32 v30;
	v61 =	vld [tilespmem:s30+$0x0]  }
0x26d: {  	vm1 =	vge.f32 v57, v58;
	v62 =	vperm.xlane v35, v5;
	v40, v63, _ =	vpop (xrf1);
	v41 =	vld [tilespmem:s30+$0x30]  }
0x26e: {  	v27 =	vsel vm1, v56, v60;
	v29 =	vsel vm1, v57, v58;
	v42 =	vld [tilespmem:s30+$0x10];
	vm1 =	vge.f32 v40, v31  }
0x26f: {  	(xrf1) =	vsort.dscd.msk.f32 $0xffff, v29, v27;
	v45 =	vld [tilespmem:s30+$0x20];
	v43 =	vsel vm1, v40, v31;
	v44 =	vsel vm1, v63, v62  }
0x270: {  	(xrf1) =	vsort.dscd.msk.f32 $0xffff, v43, v44  }
0x271: {  	(xrf1) =	vsort.dscd.msk.f32 $0xffff, v61, v0  }
0x272: {  	(xrf1) =	vsort.dscd.msk.f32 $0xffff, v41, v4  }
0x273: {  	(xrf1) =	vsort.dscd.msk.f32 $0xffff, v42, v2  }
0x274: {  	(xrf1) =	vsort.dscd.msk.f32 $0xffff, v45, v3  }
0x275: {  	v46 =	vpop (erf)  }
0x276: {  	v27 =	vmul.f32 v46, v51  }
0x277: {  	[tilespmem:v22+s10+$0x0] =	vst.idx.add.f32.msk $0xff, v6  }
0x278: {  	v20 =	vnsel vm0, $0x0, v53;
	[tilespmem:s31+$0x0] =	vst.msk $0xff, v27  }
0x279: {  	(xrf2) =	vadd.scan.msk.f32 $0xffff, v20;
	[tilespmem:s1+$0x0] =	vst.msk $0xff, v14  }
0x27a: {  	v47 =	vld [tilespmem:s24+$0x70];
	_ =	sdelay $0x1  }
0x27b: {  	v49 =	vld [tilespmem:s24+$0x60]  }
0x27c: {  	v51 =	vld [tilespmem:s24+$0x50];
	v50, v27, _ =	vpop (xrf1)  }
0x27d: {  	v52 =	vld [tilespmem:s24+$0x40];
	(xrf0) =	vmax.scan.msk.f32 $0xffff, v50;
	v53, v22, _ =	vpop (xrf1)  }
0x27e: {  	(xrf1) =	vsort.dscd.msk.f32 $0xffff, v47, v4;
	v54, v55, _ =	vpop (xrf1)  }
0x27f: {  	v56, v37, _ =	vpop (xrf1)  }
0x280: {  	(xrf1) =	vsort.dscd.msk.f32 $0xffff, v49, v3;
	v28 =	vperm.xlane v56, v5;
	v58, v57, _ =	vpop (xrf1)  }
0x281: {  	(xrf1) =	vsort.dscd.msk.f32 $0xffff, v51, v2;
	v59 =	vperm.xlane v37, v5;
	v61, v60, _ =	vpop (xrf1)  }
0x282: {  	v48, _, _ =	vpop (xrf2);
	(xrf1) =	vsort.dscd.msk.f32 $0xffff, v52, v0;
	v62 =	vperm.xlane v58, v5;
	vm1 =	vge.f32 v61, v28  }
0x283: {  	v63, _, _ =	vpop (xrf0);
	v40 =	vperm.xlane v57, v5;
	v28 =	vsel vm1, v61, v28;
	v32 =	vsel vm1, v60, v59  }
0x284: {  	v29 =	vbroadcast v48, $0xF;
	v30 =	vbroadcast v63, $0xF;
	vm1 =	vge.f32 v54, v62;
	(xrf1) =	vsort.dscd.msk.f32 $0xffff, v28, v32  }
0x285: {  	v41 =	vsel vm1, v54, v62;
	v42 =	vsel vm1, v55, v40  }
0x286: {  	(erf) = vrcp.f32 v29;
	v30 =	vsub.f32 v50, v30;
	(xrf1) =	vsort.dscd.msk.f32 $0xffff, v41, v42  }
0x287: {  	(xrf0) =	vmax.scan.msk.f32 $0xffff, v53  }
0x288: {  	v43 =	vmul.f32 $1.442695020e+00, v30;
	_ =	sdelay $0x1  }
0x289: {  	(erf) = vpow2.f32 v43;
	_ =	sdelay $0x1  }
0x28a: {  	v45, v31, _ =	vpop (xrf1)  }
0x28b: {  	v44, _, _ =	vpop (xrf0);
	v30 =	vperm.xlane v45, v5  }
0x28c: {  	v31 =	vperm.xlane v31, v5;
	v46, v47, _ =	vpop (xrf1)  }
0x28d: {  	v28 =	vpop (erf);
	vm1 =	vge.f32 v46, v30  }
0x28e: {  	v29 =	vbroadcast v44, $0xF;
	v48, v49, _ =	vpop (xrf1);
	v31 =	vsel vm1, v47, v31  }
0x28f: {  	v30 =	vsel vm1, v46, v30;
	v51, v50, _ =	vpop (xrf1)  }
0x290: {  	v29 =	vsub.f32 v53, v29;
	v52 =	vperm.xlane v48, v5;
	v54, v53, _ =	vpop (xrf1)  }
0x291: {  	v56 =	vperm.xlane v49, v5;
	v55 =	vpop (erf);
	v32 =	vperm.xlane v54, v5  }
0x292: {  	(xrf1) =	vsort.dscd.msk.f32 $0xffff, v30, v31;
	vm1 =	vge.f32 v51, v52;
	v57 =	vnsel vm0, $0x0, v55;
	v30, v31, _ =	vpop (xrf1);
	v35 =	vperm.xlane v53, v5  }
0x293: {  	v34 =	vsel vm1, v51, v52;
	v33 =	vsel vm1, v50, v56;
	(xrf2) =	vadd.scan.msk.f32 $0xffff, v57;
	vm1 =	vge.f32 v30, v32  }
0x294: {  	(xrf1) =	vsort.dscd.msk.f32 $0xffff, v34, v33;
	v30 =	vsel vm1, v30, v32;
	v31 =	vsel vm1, v31, v35  }
0x295: {  	v29 =	vmul.f32 $1.442695020e+00, v29;
	(xrf1) =	vsort.dscd.msk.f32 $0xffff, v30, v31;
	_ =	sdelay $0x1  }
0x296: {  	(erf) = vpow2.f32 v29;
	_ =	sdelay $0x5  }
0x297: {  	v58, _, _ =	vpop (xrf2)  }
0x298: {  	v29 =	vbroadcast v58, $0xF;
	_ =	sdelay $0x1  }
0x299: {  	v59 =	vpop (erf)  }
0x29a: {  	v61, v60, _ =	vpop (xrf1)  }
0x29b: {  	v30 =	vnsel vm0, $0x0, v59;
	(erf) = vrcp.f32 v29;
	v33, v34, _ =	vpop (xrf1)  }
0x29c: {  	(xrf2) =	vadd.scan.msk.f32 $0xffff, v30;
	v62, v29, _ =	vpop (xrf1)  }
0x29d: {  	(xrf0) =	vmax.scan.msk.f32 $0xffff, v62;
	_ =	sdelay $0x1  }
0x29e: {  	v31 =	vperm.xlane v61, v5  }
0x29f: {  	v32 =	vperm.xlane v60, v5  }
0x2a0: {  	vm1 =	vge.f32 v33, v31  }
0x2a1: {  	v31 =	vsel vm1, v33, v31;
	v32 =	vsel vm1, v34, v32  }
0x2a2: {  	(xrf1) =	vsort.dscd.msk.f32 $0xffff, v31, v32;
	v39, _, _ =	vpop (xrf0)  }
0x2a3: {  	v63 =	vpop (erf);
	v41 =	vbroadcast v39, $0xF  }
0x2a4: {  	v40 =	vmul.f32 v63, v57  }
0x2a5: {  	[tilespmem:v24+s10+$0x0] =	vst.idx.add.f32.msk $0xff, v6;
	v42, _, _ =	vpop (xrf2);
	v44 =	vsub.f32 v62, v41  }
0x2a6: {  	v43 =	vbroadcast v42, $0xF;
	[tilespmem:s0+$0x0] =	vst.msk $0xff, v40  }
0x2a7: {  	[tilespmem:s8+$0x0] =	vst.msk $0xff, v27;
	v31 =	vmul.f32 $1.442695020e+00, v44  }
0x2a8: {  	(erf) = vrcp.f32 v43;
	v45 =	vld [tilespmem:s26+$0x70]  }
0x2a9: {  	v46 =	vld [tilespmem:s26+$0x60];
	(erf) = vpow2.f32 v31  }
0x2aa: {  	v47 =	vld [tilespmem:s26+$0x50];
	_ =	sdelay $0x1  }
0x2ab: {  	v48 =	vld [tilespmem:s26+$0x40]  }
0x2ac: {  	(xrf1) =	vsort.dscd.msk.f32 $0xffff, v45, v4  }
0x2ad: {  	(xrf1) =	vsort.dscd.msk.f32 $0xffff, v46, v3  }
0x2ae: {  	(xrf1) =	vsort.dscd.msk.f32 $0xffff, v47, v2  }
0x2af: {  	v49, v24, _ =	vpop (xrf1)  }
0x2b0: {  	(xrf1) =	vsort.dscd.msk.f32 $0xffff, v48, v0;
	v31 =	vpop (erf)  }
0x2b1: {  	(xrf0) =	vmax.scan.msk.f32 $0xffff, v49;
	v50 =	vpop (erf)  }
0x2b2: {  	v33 =	vnsel vm0, $0x0, v50  }
0x2b3: {  	(xrf2) =	vadd.scan.msk.f32 $0xffff, v33;
	_ =	sdelay $0x3  }
0x2b4: {  	v51, _, _ =	vpop (xrf0)  }
0x2b5: {  	v34 =	vbroadcast v51, $0xF;
	_ =	sdelay $0x1  }
0x2b6: {  	v32 =	vsub.f32 v49, v34;
	v53, v52, _ =	vpop (xrf1)  }
0x2b7: {  	v35 =	vperm.xlane v53, v5;
	v55, v54, _ =	vpop (xrf1)  }
0x2b8: {  	v32 =	vmul.f32 $1.442695020e+00, v32;
	v36 =	vperm.xlane v52, v5;
	v57, v56, _ =	vpop (xrf1)  }
0x2b9: {  	vm1 =	vge.f32 v55, v35;
	v38 =	vperm.xlane v57, v5;
	v59 =	vperm.xlane v56, v5;
	v58, _, _ =	vpop (xrf2)  }
0x2ba: {  	v60, v40, _ =	vpop (xrf1);
	v34 =	vsel vm1, v55, v35;
	v36 =	vsel vm1, v54, v36;
	v35 =	vbroadcast v58, $0xF  }
0x2bb: {  	(erf) = vpow2.f32 v32;
	(xrf1) =	vsort.dscd.msk.f32 $0xffff, v34, v36;
	vm1 =	vge.f32 v60, v38  }
0x2bc: {  	v61 =	vsel vm1, v60, v38;
	v62 =	vsel vm1, v40, v59;
	(erf) = vrcp.f32 v35  }
0x2bd: {  	(xrf1) =	vsort.dscd.msk.f32 $0xffff, v61, v62;
	_ =	sdelay $0x6  }
0x2be: {  	v63 =	vpop (erf)  }
0x2bf: {  	v37 =	vpop (erf)  }
0x2c0: {  	v33 =	vmul.f32 v37, v33  }
0x2c1: {  	[tilespmem:v26+s10+$0x0] =	vst.idx.add.f32.msk $0xff, v6  }
0x2c2: {  	[tilespmem:s12+$0x0] =	vst.msk $0xff, v33  }
0x2c3: {  	v38, v39, _ =	vpop (xrf1);
	[tilespmem:s11+$0x0] =	vst.msk $0xff, v29  }
0x2c4: {  	v26 =	vperm.xlane v38, v5;
	v40 =	vld [tilespmem:s30+$0x70]  }
0x2c5: {  	v42, v41, _ =	vpop (xrf1);
	v33 =	vperm.xlane v39, v5;
	v43 =	vld [tilespmem:s30+$0x60]  }
0x2c6: {  	vm1 =	vge.f32 v42, v26;
	v44 =	vld [tilespmem:s30+$0x50]  }
0x2c7: {  	v26 =	vsel vm1, v42, v26;
	v33 =	vsel vm1, v41, v33  }
0x2c8: {  	v45 =	vld [tilespmem:s30+$0x40];
	(xrf1) =	vsort.dscd.msk.f32 $0xffff, v26, v33  }
0x2c9: {  	(xrf1) =	vsort.dscd.msk.f32 $0xffff, v40, v4  }
0x2ca: {  	(xrf1) =	vsort.dscd.msk.f32 $0xffff, v43, v3  }
0x2cb: {  	(xrf1) =	vsort.dscd.msk.f32 $0xffff, v44, v2;
	_ =	sdelay $0x1  }
0x2cc: {  	(xrf1) =	vsort.dscd.msk.f32 $0xffff, v45, v0;
	_ =	sdelay $0x8  }
0x2cd: {  	v26, v33, _ =	vpop (xrf1)  }
0x2ce: {  	v34, v46, _ =	vpop (xrf1)  }
0x2cf: {  	v34 =	vperm.xlane v34, v5;
	v47, v37, _ =	vpop (xrf1)  }
0x2d0: {  	v35 =	vperm.xlane v46, v5;
	v38, v48, _ =	vpop (xrf1)  }
0x2d1: {  	vm1 =	vge.f32 v47, v34;
	v38 =	vperm.xlane v38, v5  }
0x2d2: {  	v49 =	vperm.xlane v48, v5;
	v50, v51, _ =	vpop (xrf1);
	v34 =	vsel vm1, v47, v34;
	v35 =	vsel vm1, v37, v35  }
0x2d3: {  	(xrf1) =	vsort.dscd.msk.f32 $0xffff, v34, v35;
	vm1 =	vge.f32 v50, v38  }
0x2d4: {  	v52 =	vsel vm1, v50, v38;
	v53 =	vsel vm1, v51, v49  }
0x2d5: {  	(xrf1) =	vsort.dscd.msk.f32 $0xffff, v52, v53;
	_ =	sdelay $0x4  }
0x2d6: {  	v32 =	vnsel vm0, $0x0, v63  }
0x2d7: {  	(xrf2) =	vadd.scan.msk.f32 $0xffff, v32  }
0x2d8: {  	(xrf0) =	vmax.scan.msk.f32 $0xffff, v26;
	_ =	sdelay $0x4  }
0x2d9: {  	v34, v35, _ =	vpop (xrf1)  }
0x2da: {  	v54, _, _ =	vpop (xrf0);
	v34 =	vperm.xlane v34, v5  }
0x2db: {  	v36 =	vbroadcast v54, $0xF;
	v35 =	vperm.xlane v35, v5;
	v37, v38, _ =	vpop (xrf1)  }
0x2dc: {  	vm1 =	vge.f32 v37, v34  }
0x2dd: {  	v55, _, _ =	vpop (xrf2);
	v26 =	vsub.f32 v26, v36;
	v34 =	vsel vm1, v37, v34;
	v35 =	vsel vm1, v38, v35  }
0x2de: {  	v56 =	vbroadcast v55, $0xF;
	(xrf1) =	vsort.dscd.msk.f32 $0xffff, v34, v35  }
0x2df: {  	v26 =	vmul.f32 $1.442695020e+00, v26  }
0x2e0: {  	(erf) = vrcp.f32 v56  }
0x2e1: {  	(erf) = vpow2.f32 v26;
	_ =	sdelay $0x7  }
0x2e2: {  	v57 =	vpop (erf)  }
0x2e3: {  	v58 =	vpop (erf)  }
0x2e4: {  	v34 =	vnsel vm0, $0x0, v58  }
0x2e5: {  	(xrf2) =	vadd.scan.msk.f32 $0xffff, v34;
	v35, v59, _ =	vpop (xrf1)  }
0x2e6: {  	(xrf0) =	vmax.scan.msk.f32 $0xffff, v35;
	_ =	sdelay $0x5  }
0x2e7: {  	v60, _, _ =	vpop (xrf0)  }
0x2e8: {  	v37 =	vbroadcast v60, $0xF;
	_ =	sdelay $0x1  }
0x2e9: {  	v61, _, _ =	vpop (xrf2);
	v35 =	vsub.f32 v35, v37  }
0x2ea: {  	v37 =	vbroadcast v61, $0xF  }
0x2eb: {  	v35 =	vmul.f32 $1.442695020e+00, v35  }
0x2ec: {  	(erf) = vrcp.f32 v37  }
0x2ed: {  	(erf) = vpow2.f32 v35;
	_ =	sdelay $0x6  }
0x2ee: {  	[tilespmem:v7+s10+$0x0] =	vst.idx.add.f32.msk $0xff, v6  }
0x2ef: {  	[tilespmem:v8+s10+$0x0] =	vst.idx.add.f32.msk $0xff, v6;
	v17 =	vmul.f32 v18, v17;
	v62 =	vpop (erf)  }
0x2f0: {  	[tilespmem:v10+s10+$0x0] =	vst.idx.add.f32.msk $0xff, v6;
	v63 =	vpop (erf)  }
0x2f1: {  	[tilespmem:s14+$0x8] =	vst.msk $0xff, v17;
	v37 =	vnsel vm0, $0x0, v63  }
0x2f2: {  	[tilespmem:s15+$0x8] =	vst.msk $0xff, v9;
	(xrf2) =	vadd.scan.msk.f32 $0xffff, v37  }
0x2f3: {  	[tilespmem:v9+s10+$0x0] =	vst.idx.add.f32.msk $0xff, v6;
	v7 =	vmul.f32 v21, v19  }
0x2f4: {  	[tilespmem:v15+s10+$0x0] =	vst.idx.add.f32.msk $0xff, v6  }
0x2f5: {  	[tilespmem:s16+$0x8] =	vst.msk $0xff, v7  }
0x2f6: {  	[tilespmem:s17+$0x8] =	vst.msk $0xff, v12  }
0x2f7: {  	[tilespmem:v12+s10+$0x0] =	vst.idx.add.f32.msk $0xff, v6;
	v7 =	vmul.f32 v25, v23  }
0x2f8: {  	[tilespmem:v13+s10+$0x0] =	vst.idx.add.f32.msk $0xff, v6  }
0x2f9: {  	[tilespmem:s18+$0x8] =	vst.msk $0xff, v7  }
0x2fa: {  	[tilespmem:s19+$0x8] =	vst.msk $0xff, v11  }
0x2fb: {  	[tilespmem:v11+s10+$0x0] =	vst.idx.add.f32.msk $0xff, v6;
	v8 =	vmul.f32 v28, v20  }
0x2fc: {  	[tilespmem:v14+s10+$0x0] =	vst.idx.add.f32.msk $0xff, v6;
	v7, _, _ =	vpop (xrf2)  }
0x2fd: {  	[tilespmem:s20+$0x8] =	vst.msk $0xff, v8;
	v7 =	vbroadcast v7, $0xF  }
0x2fe: {  	[tilespmem:s21+$0x8] =	vst.msk $0xff, v16  }
0x2ff: {  	[tilespmem:v16+s10+$0x0] =	vst.idx.add.f32.msk $0xff, v6;
	(erf) = vrcp.f32 v7  }
0x300: {  	[tilespmem:v27+s10+$0x0] =	vst.idx.add.f32.msk $0xff, v6;
	v7 =	vmul.f32 v31, v30  }
0x301: {  	[tilespmem:v29+s10+$0x0] =	vst.idx.add.f32.msk $0xff, v6  }
0x302: {  	[tilespmem:s22+$0x8] =	vst.msk $0xff, v7;
	v7 =	vmul.f32 v57, v32  }
0x303: {  	[tilespmem:s23+$0x8] =	vst.msk $0xff, v22  }
0x304: {  	[tilespmem:s31+$0x8] =	vst.msk $0xff, v7;
	v7 =	vmul.f32 v62, v34  }
0x305: {  	[tilespmem:v22+s10+$0x0] =	vst.idx.add.f32.msk $0xff, v6  }
0x306: {  	[tilespmem:s1+$0x8] =	vst.msk $0xff, v24  }
0x307: {  	[tilespmem:s0+$0x8] =	vst.msk $0xff, v7  }
0x308: {  	[tilespmem:v24+s10+$0x0] =	vst.idx.add.f32.msk $0xff, v6;
	v7 =	vpop (erf)  }
0x309: {  	[tilespmem:s8+$0x8] =	vst.msk $0xff, v33;
	v7 =	vmul.f32 v7, v37  }
0x30a: {  	[tilespmem:v33+s10+$0x0] =	vst.idx.add.f32.msk $0xff, v6  }
0x30b: {  	[tilespmem:s12+$0x8] =	vst.msk $0xff, v7  }
0x30c: {  	[tilespmem:s11+$0x8] =	vst.msk $0xff, v59  }
0x30d: {  	s30 =	simm.s32 $0x4000;
	[tilespmem:v59+s10+$0x0] =	vst.idx.add.f32.msk $0xff, v6  }
0x30e: {  	[hbm4b:s4+s2] =	stream.linear.scatter [tilespmem:s30], [sflag:$0x1], $0x800, $0x38;
	[tilespmem:$0x50A0] =	vst v63  }
0x30f: {  	_ =	swait.ge [sflag:s9], $0x800  }
0x310: {  	[sflag:s9] =	ssyncset.done $0x0  }
0x311: {  	s31 =	simm.s32 $0x4810;
	[sflag:s9] =	ssyncadd.s32 $0xFFFFF800  }
0x312: {  	[hbm4b:s5+s2] =	stream.linear.scatter [tilespmem:s31], [sflag:$0x1], $0x800, $0x38;
	[tilespmem:$0x50A0] =	vst v63  }
0x313: {  	s13 =	sadd.s32 $0x1, s13;
	_ =	swait.ge [sflag:s9], $0x800  }
0x314: {  	p0 =	sne.s32 s13, s7;
	[sflag:s9] =	ssyncset.done $0x0  }
.Ltmp1:
0x315: {  	[sflag:s9] =	ssyncadd.s32 $0xFFFFF800;
	(pc) =	sbr.rel @p0 .LBB2_1-.Ltmp1, $4  }
0x316: {  	[hbm4b:s6+s2] =	stream.linear.scatter [tilespmem:s10], [sflag:$0x1], $0x80, $0x38;
	[tilespmem:$0x50A0] =	vst v63  }
0x317: {  	_ =	swait.ge [sflag:s9], $0x80  }
0x318: {  	[sflag:s9] =	ssyncset.done $0x0  }
0x319: {  	[sflag:s9] =	ssyncadd.s32 $0xFFFFFF80  }
0x31a: {  	_ =	sfence.sel $0x180000  }
0x31b: {  	[bflag:$0x0] =	sbarrier.arrive $0xFFFF  }
0x31c: {  	_ =	strace $0x90000047  }
0x31d: {  	s0 =	stileid.u32;
	[bflag:$0x2] =	sbarrier.arrive $0xFFFF  }
0x31e: {  	p0 =	sne.s32 s0, $0x0;
	s0 =	rddreg [dreg:$0x1]  }
0x31f: {  	s0 =	sadd.s32 @!p0 $0x100000, s0  }
0x320: {  	[sflag:s0] =	ssyncadd.tile.s32 @!p0 $0x1;
	_ =	shalt  }
.Lfunc_end2:
_tile_overlayer_lowered:
.L_overlay_start_2:
0x321: {  	(tag) =	ssettag $0x2  }
0x322: {  	s0 =	rddreg [dreg:$0x0];
	s2 =	stileid.u32  }
0x323: {  	s1 =	rddreg [dreg:$0x1];
	p0 =	sne.s32 s2, $0x0  }
0x324: {  	s3 =	rddreg [dreg:$0x2];
	[bflag:$0x3] =	sbarrier.arrive $0xFFFF;
	s2 =	simm.s32 @!p0 $0x1C01  }
0x325: {  	[timem:s3], [sflag:s2] =	dma.local @!p0 [hbm:s0], s1  }
0x326: {  	s0 =	simm.s32 @!p0 $0x1  }
0x327: {  	_ =	swait.ge @!p0 [sflag:s0], s1  }
0x328: {  	s1 =	ssub.s32 @!p0 $0x0, s1;
	[sflag:s0] =	ssyncset.done @!p0 $0x0  }
0x329: {  	[sflag:s0] =	ssyncadd.s32 @!p0 s1  }
0x32a: {  	[bflag:$0x3] =	sbarrier.arrive $0xFFFF  }
0x32b: {  	_ =	shalt  }

// kernel: kernel.7.cloned.1.call-start
scs
__scs_entry_jumppad:
0x0: {  	(pc) =	sbr.rel $0x88, $3  }
0x1: {  	(tag) =	ssettag $0x0;
	lr =	simm.s32 $0x1  }
0x2: {  	[smem:$0x3F9E] =	sst lr;
	_ =	strace $0xD0000000  }
0x3: {  	_ = 	snop  }
0x4: {  	_ = 	snop  }
0x5: {  	_ = 	snop  }
0x6: {  	_ = 	snop  }
0x7: {  	_ = 	snop  }
__scs_overlays_trampoline_lowered:
0x8: {  	[smem:$0x3FAD] =	sst s0  }
0x9: {  	[smem:$0x3FAE] =	sst s1  }
0xa: {  	[smem:$0x3FAF] =	sst s2  }
0xb: {  	[smem:$0x3FB0] =	sst s3  }
0xc: {  	[smem:$0x3FB1] =	sst s4  }
0xd: {  	[smem:$0x3FB2] =	sst s5  }
0xe: {  	[smem:$0x3FB3] =	sst s6  }
0xf: {  	[smem:$0x3FB4] =	sst s7  }
0x10: {  	[smem:$0x3FB5] =	sst s8  }
0x11: {  	[smem:$0x3FB6] =	sst s9;
	s0 =	simm.s32 @!p0 $0x0  }
0x12: {  	s1 =	sld [smem:$0x3F9C];
	s0 =	simm.s32 @p0 $0x1  }
0x13: {  	[smem:$0x3FB7] =	sst s0;
	s0 =	simm.s32 @!p1 $0x0  }
0x14: {  	s2 =	sld [smem:$0x3F9B];
	s0 =	simm.s32 @p1 $0x1  }
0x15: {  	[smem:$0x3FB8] =	sst s0;
	s0 =	simm.s32 @!p2 $0x0  }
0x16: {  	s3 =	sld [smem:$0x3FDB];
	s0 =	simm.s32 @p2 $0x1  }
0x17: {  	s4 =	simm.s32 $0x1BF5;
	[smem:$0x3FBA] =	sst s0  }
0x18: {  	s0 =	sld [smem:$0x3F9D];
	_ =	swait.ge [sflag:s4], $0x0  }
0x19: {  	s7 =	sld [smem:$0x3F9E]  }
0x1a: {  	s8 =	sadd.s32 $0xFFFFE003, lr  }
0x1b: {  	s9 =	sadd.s32 $0xFFFFFEF7, lr;
	s5 =	simm.s32 $0xFFFFFFFF;
	p2 =	slt.u32 s8, $0xFFFFF086  }
0x1c: {  	p1 =	slt.u32 s9, $0xF7A;
	s5 =	simm.s32 @!p2 $0x0  }
0x1d: {  	s5 =	simm.s32 @p1 $0x1;
	p0 =	seq.s32 s7, s2  }
0x1e: {  	s7 =	smul.u32 @!p0 $0xF7A, s2;
	p2 =	seq.s32 @!p0 s5, $0x0  }
0x1f: {  	s9 =	smul.u32 $0xF7A, s1;
	s8 =	simm.s32 @!p0 $0x1BF5;
	p2 =	por !p2, p0  }
0x20: {  	[sflag:s8] =	ssyncset.s32 @!p0 $0xFFFFF086;
	s6 =	sadd.s32 @!p0 s3, s7;
	s7 =	simm.s32 @!p0 $0x108  }
0x21: {  	s3 =	sadd.s32 s3, s9;
	s6 =	sadd.s32 @!p0 $0x88, s6;
	s7 =	simm.s32 @p2 $0x1082  }
0x22: {  	[simem:s7], [sflag:s8] =	dma.local @!p0 [hbm:s6], $0xF7A  }
0x23: {  	s9 =	sor.u32 $0xD0000000, s2;
	s6 =	simm.s32 $0x108;
	_ =	swait.ge @!p0 [sflag:s8], $0x0  }
0x24: {  	s3 =	sadd.s32 $0x88, s3;
	s6 =	simm.s32 @!p1 $0x1082;
	[sflag:s4] =	ssyncset.s32 $0xFFFFF086  }
0x25: {  	[simem:s6], [sflag:s4] =	dma.local [hbm:s3], $0xF7A  }
0x26: {  	[smem:$0x3F9E] =	sst s1;
	(tag) =	ssettag s2;
	_ =	strace s9  }
0x27: {  	s1 =	sld [smem:$0x3FAE]  }
0x28: {  	s2 =	sld [smem:$0x3FAF]  }
0x29: {  	s4 =	sld [smem:$0x3FB1]  }
0x2a: {  	p0 =	seq.s32 s5, $0x0;
	s5 =	sld [smem:$0x3FB2]  }
0x2b: {  	s6 =	sld [smem:$0x3FB3]  }
0x2c: {  	s7 =	sld [smem:$0x3FB4]  }
0x2d: {  	s3 =	simm.s32 $0x108;
	s8 =	sld [smem:$0x3FB5]  }
0x2e: {  	s3 =	simm.s32 @!p0 $0x1082;
	s9 =	sld [smem:$0x3FB6]  }
0x2f: {  	lr =	sadd.s32 s0, s3;
	s0 =	sld [smem:$0x3FAD]  }
0x30: {  	s3 =	sld [smem:$0x3FB0]  }
0x31: {  	[smem:$0x3FB9] =	sst s10  }
0x32: {  	s10 =	sld [smem:$0x3FB7];
	_ =	sdelay $0x3  }
0x33: {  	p0 =	seq.s32 s10, $0x1;
	s10 =	sld [smem:$0x3FB9];
	_ =	sdelay $0x3  }
0x34: {  	[smem:$0x3FB9] =	sst s10  }
0x35: {  	s10 =	sld [smem:$0x3FB8];
	_ =	sdelay $0x3  }
0x36: {  	p1 =	seq.s32 s10, $0x1;
	s10 =	sld [smem:$0x3FB9];
	_ =	sdelay $0x3  }
0x37: {  	[smem:$0x3FB9] =	sst s10  }
0x38: {  	s10 =	sld [smem:$0x3FBA]  }
0x39: {  	_ = 	snop;
	(pc) =	sbr.ind lr, $3  }
0x3a: {  	_ = 	snop  }
0x3b: {  	_ = 	snop  }
0x3c: {  	p2 =	seq.s32 s10, $0x1;
	s10 =	sld [smem:$0x3FB9]  }
0x3d: {  	_ =	shalt  }
0x3e: {  	_ =	shalt  }
0x3f: {  	_ =	shalt  }
0x40: {  	_ =	shalt  }
0x41: {  	_ =	shalt  }
0x42: {  	_ =	shalt  }
0x43: {  	_ =	shalt  }
0x44: {  	_ =	shalt  }
0x45: {  	_ =	shalt  }
0x46: {  	_ =	shalt  }
0x47: {  	_ =	shalt  }
0x48: {  	_ =	shalt  }
0x49: {  	_ =	shalt  }
0x4a: {  	_ =	shalt  }
0x4b: {  	_ =	shalt  }
0x4c: {  	_ =	shalt  }
0x4d: {  	_ =	shalt  }
0x4e: {  	_ =	shalt  }
0x4f: {  	_ =	shalt  }
0x50: {  	_ =	shalt  }
0x51: {  	_ =	shalt  }
0x52: {  	_ =	shalt  }
0x53: {  	_ =	shalt  }
0x54: {  	_ =	shalt  }
0x55: {  	_ =	shalt  }
0x56: {  	_ =	shalt  }
0x57: {  	_ =	shalt  }
0x58: {  	_ =	shalt  }
0x59: {  	_ =	shalt  }
0x5a: {  	_ =	shalt  }
0x5b: {  	_ =	shalt  }
0x5c: {  	_ =	shalt  }
0x5d: {  	_ =	shalt  }
0x5e: {  	_ =	shalt  }
0x5f: {  	_ =	shalt  }
0x60: {  	_ =	shalt  }
0x61: {  	_ =	shalt  }
0x62: {  	_ =	shalt  }
0x63: {  	_ =	shalt  }
0x64: {  	_ =	shalt  }
0x65: {  	_ =	shalt  }
0x66: {  	_ =	shalt  }
0x67: {  	_ =	shalt  }
0x68: {  	_ =	shalt  }
0x69: {  	_ =	shalt  }
0x6a: {  	_ =	shalt  }
0x6b: {  	_ =	shalt  }
0x6c: {  	_ =	shalt  }
0x6d: {  	_ =	shalt  }
0x6e: {  	_ =	shalt  }
0x6f: {  	_ =	shalt  }
0x70: {  	_ =	shalt  }
0x71: {  	_ =	shalt  }
0x72: {  	_ =	shalt  }
0x73: {  	_ =	shalt  }
0x74: {  	_ =	shalt  }
0x75: {  	_ =	shalt  }
0x76: {  	_ =	shalt  }
0x77: {  	_ =	shalt  }
0x78: {  	_ =	shalt  }
0x79: {  	_ =	shalt  }
0x7a: {  	_ =	shalt  }
0x7b: {  	_ =	shalt  }
0x7c: {  	_ =	shalt  }
0x7d: {  	_ =	shalt  }
0x7e: {  	_ =	shalt  }
0x7f: {  	_ =	shalt  }
0x80: {  	_ =	shalt  }
0x81: {  	_ =	shalt  }
0x82: {  	_ =	shalt  }
0x83: {  	_ =	shalt  }
0x84: {  	_ =	shalt  }
0x85: {  	_ =	shalt  }
0x86: {  	_ =	shalt  }
0x87: {  	_ =	shalt  }
.Lfunc_end0:
.L_simem_size_0:
called_computation.1_lowered:
.L_overlay_start_0:
0x88: {  	s2 =	sld [smem:$0x3FD9]  }
0x89: {  	s3 =	sld [smem:$0x3FFE];
	_ =	sdelay $0x1  }
0x8a: {  	s1 =	srdreg.scid  }
0x8b: {  	s0 =	sand.u32 $0x1, s1  }
0x8c: {  	s15 =	sshll.u32 s0, $0xA;
	s2 =	sadd.s32 s3, s2  }
0x8d: {  	s2 =	sadd.s32 s2, s15  }
0x8e: {  	[smem:$0x3FC5] =	sst s2  }
0x8f: {  	_ = 	snop  }
0x90: {  	s2 =	sld [smem:$0x3FD0];
	_ =	sdelay $0x2  }
0x91: {  	s4 =	simm.s32 $0xB;
	s16 =	simm.s32 $0x10  }
0x92: {  	[smem:s16], [sflag:s4] =	dma.local [hbm:s2], $0x1  }
0x93: {  	_ =	swait.eq [sflag:s4], $0x1  }
0x94: {  	[sflag:s4] =	ssyncset.done $0x0  }
0x95: {  	s17 =	sld [smem:$0x10];
	[sflag:s4] =	ssyncadd.s32 $0xFFFFFFFF  }
0x96: {  	s18 =	sld [smem:$0x11];
	(tm) =	ssettm $0x1  }
0x97: {  	s19 =	sld [smem:$0x3FFB];
	_ =	sdelay $0x3  }
0x98: {  	_ =	strace s19  }
0x99: {  	s2 =	sld [smem:$0x3FFC];
	_ =	sdelay $0x3  }
0x9a: {  	_ =	strace s2  }
0x9b: {  	s2 =	sld [smem:$0x3FFD];
	_ =	sdelay $0x3  }
0x9c: {  	_ =	strace s2  }
0x9d: {  	_ =	strace $0x8FFFFFFF  }
0x9e: {  	s20 =	sld [smem:$0x3FDB];
	_ =	sdelay $0x1  }
0x9f: {  	s5 =	simm.s32 $_scs_section_size  }
0xa0: {  	s6 =	simm.s32 $_size__tile_overlayer_lowered;
	s7 =	simm.s32 $_tile_overlayer_lowered  }
0xa1: {  	s8 =	simm.s32 $0x1BFF;
	s21 =	sshll.u32 s7, $0x1;
	s5 =	sadd.s32 s5, s20  }
0xa2: {  	s22 =	simm.s32 $0x0;
	s6 =	sshll.u32 s6, $0x1;
	s7 =	sadd.s32 s21, s5  }
0xa3: {  	[timem:s22], [sflag:s8] =	dma.local [hbm:s7], s6  }
0xa4: {  	_ =	swait.ge [sflag:s8], s6  }
0xa5: {  	s6 =	ssub.s32 $0x0, s6;
	[sflag:s8] =	ssyncset.done $0x0  }
0xa6: {  	[sflag:s8] =	ssyncadd.s32 s6;
	_ =	sdelay $0x1  }
0xa7: {  	s23 =	simm.s32 $0x1B8B  }
0xa8: {  	_ =	swait.ge [sflag:s23], $0x1  }
0xa9: {  	[sflag:s23] =	ssyncset.done $0x0  }
0xaa: {  	[sflag:s23] =	ssyncadd.s32 $0xFFFFFFFF  }
0xab: {  	s6 =	sld [smem:$0x0]  }
0xac: {  	s7 =	sand.u32 $0xFFFFFFFE, s1  }
0xad: {  	p0 =	sne.s32 s1, s7  }
0xae: {  	s7 =	sshll.u32 @p0 s7, $0xE  }
0xaf: {  	s7 =	sadd.s32 @p0 $0x11B8D, s7;
	s8 =	sshll.u32 @p0 s6, $0x11  }
0xb0: {  	s7 =	sor.u32 @p0 s8, s7  }
0xb1: {  	[sflag:s7] =	ssyncadd.remote.s32 @p0 $0x1;
	_ =	sdelay $0x1  }
0xb2: {  	s7 =	simm.s32 @p0 $0x1B8D  }
0xb3: {  	_ =	swait.eq @p0 [sflag:s7], $0x1  }
0xb4: {  	[sflag:s7] =	ssyncadd.s32 @p0 $0xFFFFFFFF  }
0xb5: {  	s8 =	sshll.u32 @!p0 s1, $0xE  }
0xb6: {  	s8 =	sor.u32 @!p0 $0x4000, s8;
	s7 =	simm.s32 @!p0 $0x1B8D  }
0xb7: {  	s6 =	sshll.u32 @!p0 s6, $0x11;
	s8 =	sadd.s32 @!p0 $0x11B8D, s8;
	_ =	swait.eq @!p0 [sflag:s7], $0x1  }
0xb8: {  	s6 =	sor.u32 @!p0 s6, s8;
	[sflag:s7] =	ssyncadd.s32 @!p0 $0xFFFFFFFF  }
0xb9: {  	s25 =	simm.s32 $0x1B8E;
	s24 =	sld [smem:$0x3FFE];
	[sflag:s6] =	ssyncadd.remote.s32 @!p0 $0x1  }
0xba: {  	s26 =	simm.s32 $execute0_lowered;
	[smem:$0x3FD2] =	sst s25  }
0xbb: {  	s7 =	sshll.u32 s26, $0x1;
	_ =	strace $0x80000049;
	[dreg:$0x1] =	wrdreg $0xFFFFFFFF  }
0xbc: {  	s28 =	simm.s32 $_size_execute0_lowered;
	s5 =	sadd.s32 s5, s7;
	[dreg:$0x0] =	wrdreg $0x0  }
0xbd: {  	s7 =	sshll.u32 s28, $0x1;
	[dreg:$0x2] =	wrdreg s5  }
0xbe: {  	[dreg:$0x3] =	wrdreg s7  }
0xbf: {  	[dreg:$0x4] =	wrdreg $0xC0  }
0xc0: {  	_ =	task [dreg:s22], $0x5FFFF  }
0xc1: {  	[dreg:$0x1] =	wrdreg $0xFFFFFFFF  }
0xc2: {  	[dreg:$0x0] =	wrdreg $0x60  }
0xc3: {  	[dreg:$0x2] =	wrdreg s24  }
0xc4: {  	[dreg:$0x3] =	wrdreg s18  }
0xc5: {  	[dreg:$0x4] =	wrdreg s17  }
0xc6: {  	[dreg:$0x5] =	wrdreg $0xA  }
0xc7: {  	_ =	task.clear_ibuf [dreg:s22], $0x6FFFF;
	_ =	strace $0x90000049  }
0xc8: {  	s29 =	simm.s32 $0xA;
	_ =	strace $0x8000004B  }
0xc9: {  	_ =	swait.ge [sflag:s29], $0x1  }
0xca: {  	[sflag:s29] =	ssyncadd.s32 $0xFFFFFFFF  }
0xcb: {  	_ =	strace $0x9000004B  }
0xcc: {  	_ =	sfence  }
0xcd: {  	s30 =	sld [smem:$0x0];
	_ =	sdelay $0x2  }
0xce: {  	s31 =	sshll.u32 s1, $0xD;
	s1 =	sshrl.u32 s1, $0x2  }
0xcf: {  	s4 =	sand.u32 $0x4000, s31;
	s1 =	sadd.s32 s1, s30  }
0xd0: {  	s0 =	sor.u32 s4, s0;
	s1 =	sshll.u32 s1, $0x11  }
0xd1: {  	s0 =	sor.u32 s1, s0  }
0xd2: {  	s0 =	sadd.s32 $0x8F2B, s0  }
0xd3: {  	[sflag:s0] =	ssyncadd.remote.s32 $0x1  }
0xd4: {  	_ =	sfence.sel $0xFFFF  }
0xd5: {  	[dreg:$0x0] =	wrdreg $0xFFFFFFFF;
	(pc) =	sbr.abs _section_cstart, $3  }
0xd6: {  	[dreg:$0x1] =	wrdreg $0xFFFFFFFF  }
0xd7: {  	_ =	task.clear_ibuf [dreg:s22], $0x2FFFF;
	_ =	strace $0x9FFFFFFF  }
0xd8: {  	(tm) =	ssettm $0x7FFFFFFF  }
0xd9: {  	_ =	shalt  }
tec
execute0_lowered:
.L_overlay_start_1:
0x0: {  	(tag) =	ssettag $0x1  }
0x1: {  	s0 =	rddreg [dreg:$0x0]  }
0x2: {  	s1 =	rddreg [dreg:$0x1]  }
0x3: {  	s5 =	rddreg [dreg:$0x2]  }
0x4: {  	s3 =	srdreg.scid;
	s4 =	stileid.u32;
	s2 =	simm.s32 $0x0  }
0x5: {  	s9 =	simm.s32 $0x1;
	s10 =	simm.s32 $0x5020;
	s13 =	simm.s32 $0x0  }
0x6: {  	s3 =	sand.u32 $0x1, s3;
	s4 =	sshll.u32 s4, $0x1;
	[smem:$0x7FF] =	sst s2  }
0x7: {  	s4 =	sor.u32 s3, s4;
	_ =	strace $0x8000004A;
	s3 =	ssub.s32 $0x2, s3  }
0x8: {  	v0 =	vlaneseq.u32;
	s6 =	sshll.u32 s4, $0xC;
	s7 =	sshll.u32 s4, $0x4;
	s31 =	sshrl.u32 s3, $0x1  }
0x9: {  	v1 =	vimm.f32 $0.0e+00;
	v5 =	vmul.u32 $0xFFFFFFFF, v0;
	s8 =	sshll.u32 s4, $0x8;
	s6 =	sadd.s32 s6, s0;
	s0 =	sadd.s32 s7, s0  }
0xa: {  	vm0 =	vmmov $0xff;
	v6 =	vimm.f32 $1.000000000e+00;
	v2 =	vor.u32 $0x10, v0;
	s7 =	ssub.s32 s3, s31;
	s4 =	sadd.s32 s1, s8;
	s5 =	sadd.s32 s5, s8  }
0xb: {  	v3 =	vor.u32 $0x20, v0;
	v4 =	vor.u32 $0x30, v0;
	v5 =	vadd.s32 $0xF, v5;
	s3 =	sadd.s32 $0x26400, s6;
	s6 =	sadd.s32 $0x46400, s0;
	s7 =	smax.u32 s7, $0x1  }
.LBB2_1:
0xc: {  	s1 =	simm.s32 $0x80;
	s0 =	simm.s32 $0x40  }
0xd: {  	[tilespmem:s2], [sflag:$0x1] =	stream.strided.gather [hbm4b:s3+s0], $0x4000, s1, s0, $0x38;
	[tilespmem:$0x50A0] =	vst v63  }
0xe: {  	_ =	swait.ge [sflag:s9], $0x4000  }
0xf: {  	[sflag:s9] =	ssyncset.done $0x0  }
0x10: {  	[sflag:s9] =	ssyncadd.s32 $0xFFFFC000  }
0x11: {  	[tilespmem:$0x5020] =	vst v1  }
0x12: {  	[tilespmem:$0x5030] =	vst v1  }
0x13: {  	[tilespmem:$0x5040] =	vst v1  }
0x14: {  	[tilespmem:$0x5050] =	vst v1  }
0x15: {  	[tilespmem:$0x5060] =	vst v1  }
0x16: {  	[tilespmem:$0x5070] =	vst v1  }
0x17: {  	[tilespmem:$0x5080] =	vst v1  }
0x18: {  	[tilespmem:$0x5090] =	vst v1  }
0x19: {  	v7 =	vld [tilespmem:s1+$0xFFFFFF80]  }
0x1a: {  	v8 =	vld [tilespmem:s1+$0xFFFFFF90]  }
0x1b: {  	v9 =	vld [tilespmem:s1+$0xFFFFFFB0];
	_ =	sdelay $0x1  }
0x1c: {  	v10 =	vld [tilespmem:s1+$0xFFFFFFA0]  }
0x1d: {  	(xrf1) =	vsort.dscd.msk.f32 $0xffff, v7, v0  }
0x1e: {  	(xrf1) =	vsort.dscd.msk.f32 $0xffff, v8, v2  }
0x1f: {  	(xrf1) =	vsort.dscd.msk.f32 $0xffff, v9, v4;
	_ =	sdelay $0x1  }
0x20: {  	(xrf1) =	vsort.dscd.msk.f32 $0xffff, v10, v3;
	_ =	sdelay $0x9  }
0x21: {  	v7, v8, _ =	vpop (xrf1)  }
0x22: {  	v9, v10, _ =	vpop (xrf1)  }
0x23: {  	v9 =	vperm.xlane v9, v5;
	v11, v12, _ =	vpop (xrf1)  }
0x24: {  	v10 =	vperm.xlane v10, v5;
	v11 =	vperm.xlane v11, v5  }
0x25: {  	v12 =	vperm.xlane v12, v5;
	v13, v14, _ =	vpop (xrf1);
	vm1 =	vge.f32 v7, v9  }
0x26: {  	v7 =	vsel vm1, v7, v9;
	v8 =	vsel vm1, v8, v10;
	vm1 =	vge.f32 v13, v11  }
0x27: {  	(xrf1) =	vsort.dscd.msk.f32 $0xffff, v7, v8;
	v7 =	vsel vm1, v13, v11;
	v8 =	vsel vm1, v14, v12  }
0x28: {  	(xrf1) =	vsort.dscd.msk.f32 $0xffff, v7, v8;
	_ =	sdelay $0xa  }
0x29: {  	s12 =	simm.s32 $0x180  }
0x2a: {  	v7 =	vld [tilespmem:s12+$0xFFFFFF80]  }
0x2b: {  	v10 =	vld [tilespmem:s12+$0xFFFFFF90];
	v8, v9, _ =	vpop (xrf1)  }
0x2c: {  	v11, v12, _ =	vpop (xrf1)  }
0x2d: {  	v11 =	vperm.xlane v11, v5  }
0x2e: {  	v12 =	vperm.xlane v12, v5  }
0x2f: {  	(xrf1) =	vsort.dscd.msk.f32 $0xffff, v7, v0;
	vm1 =	vge.f32 v8, v11  }
0x30: {  	(xrf1) =	vsort.dscd.msk.f32 $0xffff, v10, v2;
	v7 =	vsel vm1, v8, v11;
	v8 =	vsel vm1, v9, v12  }
0x31: {  	(xrf1) =	vsort.dscd.msk.f32 $0xffff, v7, v8;
	_ =	sdelay $0x2  }
0x32: {  	v7 =	vld [tilespmem:s12+$0xFFFFFFB0];
	_ =	sdelay $0x1  }
0x33: {  	v8 =	vld [tilespmem:s12+$0xFFFFFFA0];
	_ =	sdelay $0x2  }
0x34: {  	(xrf1) =	vsort.dscd.msk.f32 $0xffff, v7, v4;
	_ =	sdelay $0x1  }
0x35: {  	(xrf1) =	vsort.dscd.msk.f32 $0xffff, v8, v3;
	_ =	sdelay $0x1  }
0x36: {  	v7, v8, _ =	vpop (xrf1)  }
0x37: {  	v9, v11, _ =	vpop (xrf1)  }
0x38: {  	v12, v10, _ =	vpop (xrf1)  }
0x39: {  	(xrf0) =	vmax.scan.msk.f32 $0xffff, v12;
	_ =	sdelay $0x5  }
0x3a: {  	v13, _, _ =	vpop (xrf0)  }
0x3b: {  	v9 =	vperm.xlane v9, v5;
	v14, v15, _ =	vpop (xrf1);
	v13 =	vbroadcast v13, $0xF  }
0x3c: {  	v11 =	vperm.xlane v11, v5;
	v14 =	vperm.xlane v14, v5  }
0x3d: {  	vm1 =	vge.f32 v7, v9;
	v12 =	vsub.f32 v12, v13;
	v13 =	vperm.xlane v15, v5;
	v15, v16, _ =	vpop (xrf1)  }
0x3e: {  	v7 =	vsel vm1, v7, v9;
	v8 =	vsel vm1, v8, v11;
	vm1 =	vge.f32 v15, v14  }
0x3f: {  	(xrf1) =	vsort.dscd.msk.f32 $0xffff, v7, v8;
	v7 =	vmul.f32 $1.442695020e+00, v12;
	v8 =	vsel vm1, v15, v14;
	v9 =	vsel vm1, v16, v13  }
0x40: {  	(xrf1) =	vsort.dscd.msk.f32 $0xffff, v8, v9  }
0x41: {  	(erf) = vpow2.f32 v7;
	_ =	sdelay $0x8  }
0x42: {  	v7 =	vpop (erf)  }
0x43: {  	s29 =	simm.s32 $0x280;
	v8 =	vnsel vm0, $0x0, v7  }
0x44: {  	v7 =	vld [tilespmem:s29+$0xFFFFFF80];
	(xrf2) =	vadd.scan.msk.f32 $0xffff, v8  }
0x45: {  	v12 =	vld [tilespmem:s29+$0xFFFFFF90];
	v9, v11, _ =	vpop (xrf1)  }
0x46: {  	v13, v14, _ =	vpop (xrf1)  }
0x47: {  	v13 =	vperm.xlane v13, v5  }
0x48: {  	v14 =	vperm.xlane v14, v5  }
0x49: {  	(xrf1) =	vsort.dscd.msk.f32 $0xffff, v7, v0;
	vm1 =	vge.f32 v9, v13  }
0x4a: {  	(xrf1) =	vsort.dscd.msk.f32 $0xffff, v12, v2;
	v7 =	vsel vm1, v9, v13;
	v9 =	vsel vm1, v11, v14  }
0x4b: {  	(xrf1) =	vsort.dscd.msk.f32 $0xffff, v7, v9;
	_ =	sdelay $0x2  }
0x4c: {  	v7, _, _ =	vpop (xrf2)  }
0x4d: {  	v7 =	vbroadcast v7, $0xF;
	_ =	sdelay $0x1  }
0x4e: {  	(erf) = vrcp.f32 v7;
	_ =	sdelay $0x2  }
0x4f: {  	v9 =	vld [tilespmem:s29+$0xFFFFFFB0];
	_ =	sdelay $0x2  }
0x50: {  	v11, v12, _ =	vpop (xrf1)  }
0x51: {  	v13 =	vld [tilespmem:s29+$0xFFFFFFA0];
	v14, v15, _ =	vpop (xrf1)  }
0x52: {  	(xrf1) =	vsort.dscd.msk.f32 $0xffff, v9, v4;
	v16, v7, _ =	vpop (xrf1)  }
0x53: {  	v9 =	vpop (erf);
	(xrf0) =	vmax.scan.msk.f32 $0xffff, v16  }
0x54: {  	v8 =	vmul.f32 v9, v8  }
0x55: {  	s14 =	simm.s32 $0x4010  }
0x56: {  	s15 =	simm.s32 $0x4820;
	(xrf1) =	vsort.dscd.msk.f32 $0xffff, v13, v3;
	[tilespmem:s14+$0xFFFFFFF0] =	vst.msk $0xff, v8;
	v8 =	vperm.xlane v14, v5  }
0x57: {  	v9 =	vperm.xlane v15, v5;
	[tilespmem:s15+$0xFFFFFFF0] =	vst.msk $0xff, v10  }
0x58: {  	v13 =	vld [tilespmem:s1+$0xFFFFFFF0];
	vm1 =	vge.f32 v11, v8  }
0x59: {  	v14 =	vld [tilespmem:s1+$0xFFFFFFD0];
	v8 =	vsel vm1, v11, v8;
	v9 =	vsel vm1, v12, v9;
	v11, _, _ =	vpop (xrf0)  }
0x5a: {  	v12 =	vld [tilespmem:s1+$0xFFFFFFE0];
	(xrf1) =	vsort.dscd.msk.f32 $0xffff, v8, v9;
	v8 =	vbroadcast v11, $0xF;
	_ =	sdelay $0x1  }
0x5b: {  	v9 =	vld [tilespmem:s1+$0xFFFFFFC0];
	v8 =	vsub.f32 v16, v8  }
0x5c: {  	(xrf1) =	vsort.dscd.msk.f32 $0xffff, v13, v4  }
0x5d: {  	(xrf1) =	vsort.dscd.msk.f32 $0xffff, v14, v2;
	v8 =	vmul.f32 $1.442695020e+00, v8  }
0x5e: {  	(xrf1) =	vsort.dscd.msk.f32 $0xffff, v12, v3  }
0x5f: {  	(erf) = vpow2.f32 v8  }
0x60: {  	(xrf1) =	vsort.dscd.msk.f32 $0xffff, v9, v0  }
0x61: {  	v8, v9, _ =	vpop (xrf1)  }
0x62: {  	v8 =	vperm.xlane v8, v5  }
0x63: {  	v9 =	vperm.xlane v9, v5;
	v11, v12, _ =	vpop (xrf1)  }
0x64: {  	vm1 =	vge.f32 v11, v8  }
0x65: {  	v8 =	vsel vm1, v11, v8;
	v9 =	vsel vm1, v12, v9  }
0x66: {  	(xrf1) =	vsort.dscd.msk.f32 $0xffff, v8, v9;
	_ =	sdelay $0x1  }
0x67: {  	v11 =	vpop (erf)  }
0x68: {  	v8, v9, _ =	vpop (xrf1)  }
0x69: {  	v12, v13, _ =	vpop (xrf1)  }
0x6a: {  	v12 =	vperm.xlane v12, v5;
	v14, v15, _ =	vpop (xrf1)  }
0x6b: {  	v13 =	vperm.xlane v13, v5;
	v16, v17, _ =	vpop (xrf1)  }
0x6c: {  	v11 =	vnsel vm0, $0x0, v11;
	v14 =	vperm.xlane v14, v5;
	vm1 =	vge.f32 v16, v12  }
0x6d: {  	(xrf2) =	vadd.scan.msk.f32 $0xffff, v11;
	v15 =	vperm.xlane v15, v5;
	v18, v19, _ =	vpop (xrf1);
	v12 =	vsel vm1, v16, v12;
	v13 =	vsel vm1, v17, v13  }
0x6e: {  	vm1 =	vge.f32 v18, v14;
	(xrf1) =	vsort.dscd.msk.f32 $0xffff, v12, v13  }
0x6f: {  	s28 =	simm.s32 $0x380;
	v12 =	vsel vm1, v18, v14;
	v13 =	vsel vm1, v19, v15  }
0x70: {  	(xrf1) =	vsort.dscd.msk.f32 $0xffff, v12, v13;
	v12 =	vld [tilespmem:s28+$0xFFFFFF80];
	_ =	sdelay $0x1  }
0x71: {  	v13 =	vld [tilespmem:s28+$0xFFFFFF90]  }
0x72: {  	v14, v15, _ =	vpop (xrf1)  }
0x73: {  	v14 =	vperm.xlane v14, v5  }
0x74: {  	v15 =	vperm.xlane v15, v5;
	(xrf1) =	vsort.dscd.msk.f32 $0xffff, v12, v0  }
0x75: {  	vm1 =	vge.f32 v8, v14  }
0x76: {  	(xrf1) =	vsort.dscd.msk.f32 $0xffff, v13, v2;
	v8 =	vsel vm1, v8, v14;
	v9 =	vsel vm1, v9, v15  }
0x77: {  	v12, _, _ =	vpop (xrf2);
	(xrf1) =	vsort.dscd.msk.f32 $0xffff, v8, v9  }
0x78: {  	v8 =	vbroadcast v12, $0xF;
	_ =	sdelay $0x1  }
0x79: {  	(erf) = vrcp.f32 v8;
	v8 =	vld [tilespmem:s28+$0xFFFFFFB0]  }
0x7a: {  	v9, v12, _ =	vpop (xrf1)  }
0x7b: {  	v9 =	vperm.xlane v9, v5  }
0x7c: {  	v13, v14, _ =	vpop (xrf1);
	v12 =	vperm.xlane v12, v5  }
0x7d: {  	vm1 =	vge.f32 v13, v9  }
0x7e: {  	(xrf1) =	vsort.dscd.msk.f32 $0xffff, v8, v4;
	v8 =	vsel vm1, v13, v9;
	v9 =	vsel vm1, v14, v12  }
0x7f: {  	(xrf1) =	vsort.dscd.msk.f32 $0xffff, v8, v9;
	v9 =	vld [tilespmem:s28+$0xFFFFFFA0];
	_ =	sdelay $0x1  }
0x80: {  	v12, v13, _ =	vpop (xrf1)  }
0x81: {  	v8 =	vpop (erf)  }
0x82: {  	v14, v15, _ =	vpop (xrf1);
	v11 =	vmul.f32 v8, v11  }
0x83: {  	s16 =	simm.s32 $0x4030;
	v16, v8, _ =	vpop (xrf1);
	(xrf1) =	vsort.dscd.msk.f32 $0xffff, v9, v3  }
0x84: {  	s17 =	simm.s32 $0x4840;
	[tilespmem:s16+$0xFFFFFFF0] =	vst.msk $0xff, v11;
	v11 =	vperm.xlane v14, v5;
	(xrf0) =	vmax.scan.msk.f32 $0xffff, v16  }
0x85: {  	[tilespmem:s17+$0xFFFFFFF0] =	vst.msk $0xff, v7  }
0x86: {  	v14 =	vld [tilespmem:s12+$0xFFFFFFF0];
	vm1 =	vge.f32 v12, v11  }
0x87: {  	v9 =	vperm.xlane v15, v5;
	v15 =	vld [tilespmem:s12+$0xFFFFFFD0];
	v11 =	vsel vm1, v12, v11  }
0x88: {  	v17 =	vld [tilespmem:s12+$0xFFFFFFE0]  }
0x89: {  	v9 =	vsel vm1, v13, v9  }
0x8a: {  	(xrf1) =	vsort.dscd.msk.f32 $0xffff, v11, v9;
	v9 =	vld [tilespmem:s12+$0xFFFFFFC0];
	v11, _, _ =	vpop (xrf0)  }
0x8b: {  	(xrf1) =	vsort.dscd.msk.f32 $0xffff, v14, v4;
	v11 =	vbroadcast v11, $0xF  }
0x8c: {  	v12, v13, _ =	vpop (xrf1);
	(xrf1) =	vsort.dscd.msk.f32 $0xffff, v15, v2  }
0x8d: {  	v15, v14, _ =	vpop (xrf1);
	(xrf1) =	vsort.dscd.msk.f32 $0xffff, v17, v3;
	v11 =	vsub.f32 v16, v11  }
0x8e: {  	(xrf0) =	vmax.scan.msk.f32 $0xffff, v15  }
0x8f: {  	(xrf1) =	vsort.dscd.msk.f32 $0xffff, v9, v0;
	v9 =	vmul.f32 $1.442695020e+00, v11;
	_ =	sdelay $0x1  }
0x90: {  	(erf) = vpow2.f32 v9;
	v9 =	vperm.xlane v12, v5  }
0x91: {  	v12 =	vperm.xlane v13, v5;
	v13, v16, _ =	vpop (xrf1)  }
0x92: {  	vm1 =	vge.f32 v13, v9  }
0x93: {  	v11, _, _ =	vpop (xrf0);
	v12 =	vsel vm1, v16, v12  }
0x94: {  	v11 =	vbroadcast v11, $0xF;
	v9 =	vsel vm1, v13, v9;
	_ =	sdelay $0x1  }
0x95: {  	(xrf1) =	vsort.dscd.msk.f32 $0xffff, v9, v12;
	v11 =	vsub.f32 v15, v11  }
0x96: {  	v9, v12, _ =	vpop (xrf1)  }
0x97: {  	v11 =	vmul.f32 $1.442695020e+00, v11;
	v13, v15, _ =	vpop (xrf1)  }
0x98: {  	v13 =	vperm.xlane v13, v5;
	v16, v17, _ =	vpop (xrf1)  }
0x99: {  	(erf) = vpow2.f32 v11;
	v11 =	vperm.xlane v15, v5;
	v15, v18, _ =	vpop (xrf1)  }
0x9a: {  	v19 =	vpop (erf);
	vm1 =	vge.f32 v15, v13  }
0x9b: {  	v16 =	vperm.xlane v16, v5;
	v13 =	vsel vm1, v15, v13;
	v15 =	vnsel vm0, $0x0, v19  }
0x9c: {  	v17 =	vperm.xlane v17, v5;
	v20, v21, _ =	vpop (xrf1);
	v11 =	vsel vm1, v18, v11;
	(xrf2) =	vadd.scan.msk.f32 $0xffff, v15  }
0x9d: {  	vm1 =	vge.f32 v20, v16;
	(xrf1) =	vsort.dscd.msk.f32 $0xffff, v13, v11  }
0x9e: {  	v11 =	vsel vm1, v20, v16;
	v13 =	vsel vm1, v21, v17  }
0x9f: {  	(xrf1) =	vsort.dscd.msk.f32 $0xffff, v11, v13  }
0xa0: {  	s25 =	simm.s32 $0x480  }
0xa1: {  	v11 =	vld [tilespmem:s25+$0xFFFFFF80]  }
0xa2: {  	v13 =	vpop (erf)  }
0xa3: {  	v16 =	vld [tilespmem:s25+$0xFFFFFF90];
	v17, v18, _ =	vpop (xrf1);
	v13 =	vnsel vm0, $0x0, v13  }
0xa4: {  	v17 =	vperm.xlane v17, v5;
	(xrf2) =	vadd.scan.msk.f32 $0xffff, v13  }
0xa5: {  	v18 =	vperm.xlane v18, v5  }
0xa6: {  	(xrf1) =	vsort.dscd.msk.f32 $0xffff, v11, v0;
	vm1 =	vge.f32 v9, v17;
	v11, _, _ =	vpop (xrf2)  }
0xa7: {  	v12 =	vsel vm1, v12, v18;
	v11 =	vbroadcast v11, $0xF  }
0xa8: {  	(xrf1) =	vsort.dscd.msk.f32 $0xffff, v16, v2  }
0xa9: {  	v9 =	vsel vm1, v9, v17  }
0xaa: {  	(xrf1) =	vsort.dscd.msk.f32 $0xffff, v9, v12;
	v9 =	vld [tilespmem:s25+$0xFFFFFFB0];
	(erf) = vrcp.f32 v11  }
0xab: {  	v11, v12, _ =	vpop (xrf1)  }
0xac: {  	v11 =	vperm.xlane v11, v5  }
0xad: {  	v16, v17, _ =	vpop (xrf1);
	v12 =	vperm.xlane v12, v5  }
0xae: {  	v18 =	vld [tilespmem:s25+$0xFFFFFFA0];
	v19, _, _ =	vpop (xrf2);
	vm1 =	vge.f32 v16, v11  }
0xaf: {  	(xrf1) =	vsort.dscd.msk.f32 $0xffff, v9, v4;
	v9 =	vsel vm1, v16, v11;
	v11 =	vsel vm1, v17, v12;
	v12 =	vbroadcast v19, $0xF;
	_ =	sdelay $0x1  }
0xb0: {  	(xrf1) =	vsort.dscd.msk.f32 $0xffff, v9, v11;
	(erf) = vrcp.f32 v12;
	_ =	sdelay $0x1  }
0xb1: {  	(xrf1) =	vsort.dscd.msk.f32 $0xffff, v18, v3;
	v9 =	vpop (erf)  }
0xb2: {  	v9 =	vmul.f32 v9, v15  }
0xb3: {  	v11, v12, _ =	vpop (xrf1)  }
0xb4: {  	v15, v16, _ =	vpop (xrf1)  }
0xb5: {  	s18 =	simm.s32 $0x4050;
	v15 =	vperm.xlane v15, v5  }
0xb6: {  	s19 =	simm.s32 $0x4860;
	[tilespmem:s18+$0xFFFFFFF0] =	vst.msk $0xff, v9;
	v16 =	vperm.xlane v16, v5  }
0xb7: {  	[tilespmem:s19+$0xFFFFFFF0] =	vst.msk $0xff, v8;
	v17, v9, _ =	vpop (xrf1);
	vm1 =	vge.f32 v11, v15  }
0xb8: {  	v18 =	vld [tilespmem:s29+$0xFFFFFFF0];
	(xrf0) =	vmax.scan.msk.f32 $0xffff, v17;
	v12 =	vsel vm1, v12, v16;
	v19 =	vpop (erf)  }
0xb9: {  	v11 =	vsel vm1, v11, v15;
	v13 =	vmul.f32 v19, v13  }
0xba: {  	v20 =	vld [tilespmem:s29+$0xFFFFFFD0]  }
0xbb: {  	[tilespmem:v10+s10+$0x0] =	vst.idx.add.f32.msk $0xff, v6  }
0xbc: {  	v15 =	vld [tilespmem:s29+$0xFFFFFFE0];
	(xrf1) =	vsort.dscd.msk.f32 $0xffff, v11, v12;
	v11, v12, _ =	vpop (xrf1)  }
0xbd: {  	v16 =	vld [tilespmem:s29+$0xFFFFFFC0];
	(xrf1) =	vsort.dscd.msk.f32 $0xffff, v18, v4;
	[tilespmem:s14+$0xFFFFFFF8] =	vst.msk $0xff, v13;
	v13, v10, _ =	vpop (xrf1)  }
0xbe: {  	v11 =	vperm.xlane v11, v5;
	v18, _, _ =	vpop (xrf0);
	(xrf0) =	vmax.scan.msk.f32 $0xffff, v13  }
0xbf: {  	(xrf1) =	vsort.dscd.msk.f32 $0xffff, v20, v2;
	v12 =	vperm.xlane v12, v5;
	v20, v21, _ =	vpop (xrf1)  }
0xc0: {  	vm1 =	vge.f32 v20, v11  }
0xc1: {  	[tilespmem:s15+$0xFFFFFFF8] =	vst.msk $0xff, v14;
	(xrf1) =	vsort.dscd.msk.f32 $0xffff, v15, v3;
	v18 =	vbroadcast v18, $0xF;
	v12 =	vsel vm1, v21, v12  }
0xc2: {  	v19 =	vld [tilespmem:s1+$0x0];
	(xrf1) =	vsort.dscd.msk.f32 $0xffff, v16, v0  }
0xc3: {  	v15 =	vld [tilespmem:s1+$0x30];
	v17 =	vsub.f32 v17, v18;
	v11 =	vsel vm1, v20, v11  }
0xc4: {  	v16 =	vld [tilespmem:s1+$0x10];
	(xrf1) =	vsort.dscd.msk.f32 $0xffff, v11, v12;
	v12, _, _ =	vpop (xrf0)  }
0xc5: {  	v18 =	vld [tilespmem:s1+$0x20];
	v11 =	vmul.f32 $1.442695020e+00, v17;
	v12 =	vbroadcast v12, $0xF;
	_ =	sdelay $0x1  }
0xc6: {  	(xrf1) =	vsort.dscd.msk.f32 $0xffff, v19, v0;
	(erf) = vpow2.f32 v11;
	v11 =	vsub.f32 v13, v12  }
0xc7: {  	(xrf1) =	vsort.dscd.msk.f32 $0xffff, v15, v4  }
0xc8: {  	(xrf1) =	vsort.dscd.msk.f32 $0xffff, v16, v2;
	v11 =	vmul.f32 $1.442695020e+00, v11  }
0xc9: {  	(xrf1) =	vsort.dscd.msk.f32 $0xffff, v18, v3;
	_ =	sdelay $0x1  }
0xca: {  	v12, v13, _ =	vpop (xrf1)  }
0xcb: {  	(erf) = vpow2.f32 v11;
	v11, v15, _ =	vpop (xrf1)  }
0xcc: {  	v11 =	vperm.xlane v11, v5;
	v16, v17, _ =	vpop (xrf1)  }
0xcd: {  	v15 =	vperm.xlane v15, v5;
	v18, v19, _ =	vpop (xrf1);
	v16 =	vperm.xlane v16, v5  }
0xce: {  	s24 =	simm.s32 $0x580;
	v17 =	vperm.xlane v17, v5;
	vm1 =	vge.f32 v18, v11;
	v21, v22, _ =	vpop (xrf1)  }
0xcf: {  	v23 =	vld [tilespmem:s24+$0xFFFFFF80];
	v20 =	vpop (erf);
	v11 =	vsel vm1, v18, v11;
	v15 =	vsel vm1, v19, v15;
	vm1 =	vge.f32 v21, v16  }
0xd0: {  	v18 =	vnsel vm0, $0x0, v20;
	v19 =	vld [tilespmem:s24+$0xFFFFFF90];
	v20, v24, _ =	vpop (xrf1);
	(xrf1) =	vsort.dscd.msk.f32 $0xffff, v11, v15;
	v15 =	vsel vm1, v21, v16;
	v16 =	vsel vm1, v22, v17  }
0xd1: {  	v11 =	vperm.xlane v20, v5;
	v21 =	vperm.xlane v24, v5  }
0xd2: {  	(xrf2) =	vadd.scan.msk.f32 $0xffff, v18  }
0xd3: {  	v17, v20, _ =	vpop (xrf1);
	(xrf1) =	vsort.dscd.msk.f32 $0xffff, v15, v16;
	vm1 =	vge.f32 v12, v11  }
0xd4: {  	(xrf1) =	vsort.dscd.msk.f32 $0xffff, v23, v0;
	v11 =	vsel vm1, v12, v11;
	v15, v16, _ =	vpop (xrf1)  }
0xd5: {  	v13 =	vsel vm1, v13, v21;
	(xrf1) =	vsort.dscd.msk.f32 $0xffff, v19, v2;
	v12 =	vperm.xlane v15, v5;
	v15, v23, _ =	vpop (xrf1)  }
0xd6: {  	v16 =	vperm.xlane v16, v5;
	(xrf1) =	vsort.dscd.msk.f32 $0xffff, v11, v13;
	v19, v21, _ =	vpop (xrf1);
	v11 =	vperm.xlane v15, v5  }
0xd7: {  	vm1 =	vge.f32 v19, v12  }
0xd8: {  	v22 =	vpop (erf);
	v12 =	vsel vm1, v19, v12;
	v15 =	vsel vm1, v21, v16;
	vm1 =	vge.f32 v17, v11  }
0xd9: {  	v22 =	vnsel vm0, $0x0, v22;
	v13 =	vperm.xlane v23, v5;
	v11 =	vsel vm1, v17, v11  }
0xda: {  	(xrf2) =	vadd.scan.msk.f32 $0xffff, v22  }
0xdb: {  	(xrf1) =	vsort.dscd.msk.f32 $0xffff, v12, v15;
	v12 =	vsel vm1, v20, v13  }
0xdc: {  	(xrf1) =	vsort.dscd.msk.f32 $0xffff, v11, v12;
	v11, _, _ =	vpop (xrf2)  }
0xdd: {  	v11 =	vbroadcast v11, $0xF;
	_ =	sdelay $0x2  }
0xde: {  	v12 =	vld [tilespmem:s24+$0xFFFFFFB0]  }
0xdf: {  	(erf) = vrcp.f32 v11;
	v11, v13, _ =	vpop (xrf1)  }
0xe0: {  	v11 =	vperm.xlane v11, v5  }
0xe1: {  	v15, v16, _ =	vpop (xrf1);
	v13 =	vperm.xlane v13, v5  }
0xe2: {  	v19 =	vld [tilespmem:s24+$0xFFFFFFA0];
	v17, _, _ =	vpop (xrf2);
	vm1 =	vge.f32 v15, v11  }
0xe3: {  	(xrf1) =	vsort.dscd.msk.f32 $0xffff, v12, v4;
	v11 =	vsel vm1, v15, v11;
	v12 =	vsel vm1, v16, v13;
	v13 =	vbroadcast v17, $0xF;
	_ =	sdelay $0x1  }
0xe4: {  	v15, v16, _ =	vpop (xrf1)  }
0xe5: {  	(xrf1) =	vsort.dscd.msk.f32 $0xffff, v11, v12;
	v11, v17, _ =	vpop (xrf1)  }
0xe6: {  	(erf) = vrcp.f32 v13;
	(xrf1) =	vsort.dscd.msk.f32 $0xffff, v19, v3;
	v13, v12, _ =	vpop (xrf1)  }
0xe7: {  	v19 =	vpop (erf);
	(xrf0) =	vmax.scan.msk.f32 $0xffff, v13  }
0xe8: {  	v20, v21, _ =	vpop (xrf1)  }
0xe9: {  	v18 =	vmul.f32 v19, v18;
	v20 =	vperm.xlane v20, v5  }
0xea: {  	v11 =	vperm.xlane v11, v5;
	v23, v24, _ =	vpop (xrf1);
	v19 =	vperm.xlane v21, v5  }
0xeb: {  	s20 =	simm.s32 $0x4070;
	v17 =	vperm.xlane v17, v5;
	vm1 =	vge.f32 v23, v20  }
0xec: {  	s21 =	simm.s32 $0x4880;
	[tilespmem:s20+$0xFFFFFFF0] =	vst.msk $0xff, v18;
	v18 =	vsel vm1, v23, v20;
	v19 =	vsel vm1, v24, v19;
	vm1 =	vge.f32 v15, v11  }
0xed: {  	[tilespmem:s21+$0xFFFFFFF0] =	vst.msk $0xff, v9;
	(xrf1) =	vsort.dscd.msk.f32 $0xffff, v18, v19;
	v11 =	vsel vm1, v15, v11;
	v15 =	vsel vm1, v16, v17;
	v16, _, _ =	vpop (xrf0)  }
0xee: {  	v18 =	vld [tilespmem:s28+$0xFFFFFFF0];
	(xrf1) =	vsort.dscd.msk.f32 $0xffff, v11, v15;
	v15 =	vbroadcast v16, $0xF;
	_ =	sdelay $0x1  }
0xef: {  	[tilespmem:v7+s10+$0x0] =	vst.idx.add.f32.msk $0xff, v6;
	v19 =	vpop (erf)  }
0xf0: {  	v17 =	vld [tilespmem:s28+$0xFFFFFFD0];
	v11 =	vmul.f32 v19, v22  }
0xf1: {  	v16 =	vld [tilespmem:s28+$0xFFFFFFE0];
	v7, v19, _ =	vpop (xrf1)  }
0xf2: {  	v20 =	vld [tilespmem:s28+$0xFFFFFFC0];
	[tilespmem:s16+$0xFFFFFFF8] =	vst.msk $0xff, v11;
	v11 =	vsub.f32 v13, v15;
	(xrf1) =	vsort.dscd.msk.f32 $0xffff, v18, v4;
	v13, v15, _ =	vpop (xrf1)  }
0xf3: {  	v7 =	vperm.xlane v7, v5;
	(xrf0) =	vmax.scan.msk.f32 $0xffff, v13  }
0xf4: {  	v18 =	vperm.xlane v19, v5;
	[tilespmem:s17+$0xFFFFFFF8] =	vst.msk $0xff, v10;
	v19, v21, _ =	vpop (xrf1)  }
0xf5: {  	(xrf1) =	vsort.dscd.msk.f32 $0xffff, v17, v2;
	v17 =	vld [tilespmem:s12+$0x0];
	vm1 =	vge.f32 v19, v7  }
0xf6: {  	(xrf1) =	vsort.dscd.msk.f32 $0xffff, v16, v3;
	v16 =	vld [tilespmem:s12+$0x30];
	v7 =	vsel vm1, v19, v7  }
0xf7: {  	v11 =	vmul.f32 $1.442695020e+00, v11;
	(xrf1) =	vsort.dscd.msk.f32 $0xffff, v20, v0  }
0xf8: {  	v18 =	vsel vm1, v21, v18  }
0xf9: {  	(erf) = vpow2.f32 v11;
	v11 =	vld [tilespmem:s12+$0x10];
	(xrf1) =	vsort.dscd.msk.f32 $0xffff, v7, v18;
	v7, _, _ =	vpop (xrf0)  }
0xfa: {  	v19 =	vld [tilespmem:s12+$0x20];
	(xrf1) =	vsort.dscd.msk.f32 $0xffff, v17, v0;
	v17 =	vbroadcast v7, $0xF  }
0xfb: {  	(xrf1) =	vsort.dscd.msk.f32 $0xffff, v16, v4;
	v16, v7, _ =	vpop (xrf1)  }
0xfc: {  	(xrf0) =	vmax.scan.msk.f32 $0xffff, v16;
	v13 =	vsub.f32 v13, v17;
	_ =	sdelay $0x1  }
0xfd: {  	(xrf1) =	vsort.dscd.msk.f32 $0xffff, v11, v2;
	v13 =	vmul.f32 $1.442695020e+00, v13  }
0xfe: {  	(xrf1) =	vsort.dscd.msk.f32 $0xffff, v19, v3  }
0xff: {  	v11, v17, _ =	vpop (xrf1)  }
0x100: {  	v19, v20, _ =	vpop (xrf1)  }
0x101: {  	(erf) = vpow2.f32 v13;
	v13, _, _ =	vpop (xrf0)  }
0x102: {  	v19 =	vperm.xlane v19, v5;
	v21, v22, _ =	vpop (xrf1);
	v13 =	vbroadcast v13, $0xF  }
0x103: {  	v20 =	vperm.xlane v20, v5;
	v23, v24, _ =	vpop (xrf1);
	v21 =	vperm.xlane v21, v5  }
0x104: {  	v22 =	vperm.xlane v22, v5;
	vm1 =	vge.f32 v23, v19;
	v13 =	vsub.f32 v16, v13;
	v16, v25, _ =	vpop (xrf1)  }
0x105: {  	s26 =	simm.s32 $0x680;
	v18 =	vpop (erf);
	v19 =	vsel vm1, v23, v19;
	v20 =	vsel vm1, v24, v20;
	vm1 =	vge.f32 v16, v21  }
0x106: {  	v26 =	vld [tilespmem:s26+$0xFFFFFF80];
	v18 =	vnsel vm0, $0x0, v18;
	(xrf1) =	vsort.dscd.msk.f32 $0xffff, v19, v20;
	v24, v27, _ =	vpop (xrf1);
	v20 =	vsel vm1, v25, v22  }
0x107: {  	(xrf2) =	vadd.scan.msk.f32 $0xffff, v18;
	v23 =	vld [tilespmem:s26+$0xFFFFFF90];
	v19 =	vperm.xlane v24, v5;
	v16 =	vsel vm1, v16, v21  }
0x108: {  	v13 =	vmul.f32 $1.442695020e+00, v13  }
0x109: {  	v21, v22, _ =	vpop (xrf1);
	(xrf1) =	vsort.dscd.msk.f32 $0xffff, v16, v20  }
0x10a: {  	(erf) = vpow2.f32 v13;
	v13 =	vperm.xlane v27, v5;
	vm1 =	vge.f32 v11, v19;
	v16, v20, _ =	vpop (xrf1)  }
0x10b: {  	(xrf1) =	vsort.dscd.msk.f32 $0xffff, v26, v0;
	v11 =	vsel vm1, v11, v19;
	v16 =	vperm.xlane v16, v5;
	v19, v25, _ =	vpop (xrf1)  }
0x10c: {  	(xrf1) =	vsort.dscd.msk.f32 $0xffff, v23, v2;
	v13 =	vsel vm1, v17, v13;
	v17 =	vperm.xlane v20, v5;
	v20, v23, _ =	vpop (xrf1)  }
0x10d: {  	v24 =	vpop (erf);
	(xrf1) =	vsort.dscd.msk.f32 $0xffff, v11, v13;
	v11 =	vperm.xlane v19, v5;
	vm1 =	vge.f32 v20, v16  }
0x10e: {  	v24 =	vnsel vm0, $0x0, v24;
	v16 =	vsel vm1, v20, v16  }
0x10f: {  	(xrf2) =	vadd.scan.msk.f32 $0xffff, v24;
	v17 =	vsel vm1, v23, v17;
	vm1 =	vge.f32 v21, v11  }
0x110: {  	v13 =	vperm.xlane v25, v5;
	v11 =	vsel vm1, v21, v11  }
0x111: {  	(xrf1) =	vsort.dscd.msk.f32 $0xffff, v16, v17;
	v16, _, _ =	vpop (xrf2)  }
0x112: {  	v13 =	vsel vm1, v22, v13;
	v16 =	vbroadcast v16, $0xF  }
0x113: {  	(xrf1) =	vsort.dscd.msk.f32 $0xffff, v11, v13;
	v11 =	vpop (erf)  }
0x114: {  	(erf) = vrcp.f32 v16;
	v16 =	vnsel vm0, $0x0, v11;
	v11 =	vld [tilespmem:s26+$0xFFFFFFB0]  }
0x115: {  	v13, v17, _ =	vpop (xrf1)  }
0x116: {  	v13 =	vperm.xlane v13, v5;
	(xrf2) =	vadd.scan.msk.f32 $0xffff, v16  }
0x117: {  	v19, v20, _ =	vpop (xrf1)  }
0x118: {  	v22 =	vld [tilespmem:s26+$0xFFFFFFA0];
	v17 =	vperm.xlane v17, v5;
	vm1 =	vge.f32 v19, v13  }
0x119: {  	v21, _, _ =	vpop (xrf2);
	(xrf1) =	vsort.dscd.msk.f32 $0xffff, v11, v4;
	v11 =	vsel vm1, v19, v13  }
0x11a: {  	v13 =	vsel vm1, v20, v17;
	v17 =	vbroadcast v21, $0xF  }
0x11b: {  	v23, v25, _ =	vpop (xrf1);
	(xrf1) =	vsort.dscd.msk.f32 $0xffff, v11, v13  }
0x11c: {  	v19, v20, _ =	vpop (xrf1);
	(erf) = vrcp.f32 v17  }
0x11d: {  	(xrf1) =	vsort.dscd.msk.f32 $0xffff, v22, v3;
	v21, v11, _ =	vpop (xrf1)  }
0x11e: {  	v13 =	vpop (erf)  }
0x11f: {  	v17, v26, _ =	vpop (xrf1)  }
0x120: {  	(xrf0) =	vmax.scan.msk.f32 $0xffff, v21;
	v13 =	vmul.f32 v13, v18;
	v22, _, _ =	vpop (xrf2);
	v17 =	vperm.xlane v17, v5  }
0x121: {  	s22 =	simm.s32 $0x4090;
	v27, v28, _ =	vpop (xrf1);
	v26 =	vperm.xlane v26, v5  }
0x122: {  	s23 =	simm.s32 $0x48A0;
	v22 =	vbroadcast v22, $0xF;
	[tilespmem:s22+$0xFFFFFFF0] =	vst.msk $0xff, v13;
	v13 =	vperm.xlane v19, v5;
	vm1 =	vge.f32 v27, v17  }
0x123: {  	[tilespmem:s23+$0xFFFFFFF0] =	vst.msk $0xff, v12;
	v17 =	vsel vm1, v27, v17;
	v18 =	vsel vm1, v28, v26  }
0x124: {  	(erf) = vrcp.f32 v22;
	vm1 =	vge.f32 v23, v13;
	(xrf1) =	vsort.dscd.msk.f32 $0xffff, v17, v18;
	v17 =	vperm.xlane v20, v5;
	v18 =	vld [tilespmem:s25+$0xFFFFFFF0]  }
0x125: {  	[tilespmem:v8+s10+$0x0] =	vst.idx.add.f32.msk $0xff, v6;
	v13 =	vsel vm1, v23, v13;
	v19 =	vpop (erf)  }
0x126: {  	v20 =	vld [tilespmem:s25+$0xFFFFFFD0];
	v8 =	vmul.f32 v19, v24;
	v17 =	vsel vm1, v25, v17;
	v19, _, _ =	vpop (xrf0)  }
0x127: {  	(xrf1) =	vsort.dscd.msk.f32 $0xffff, v13, v17;
	v17 =	vbroadcast v19, $0xF;
	v19 =	vld [tilespmem:s25+$0xFFFFFFE0]  }
0x128: {  	v22, v23, _ =	vpop (xrf1);
	[tilespmem:s18+$0xFFFFFFF8] =	vst.msk $0xff, v8;
	v8 =	vld [tilespmem:s25+$0xFFFFFFC0]  }
0x129: {  	v24, v13, _ =	vpop (xrf1);
	(xrf1) =	vsort.dscd.msk.f32 $0xffff, v18, v4  }
0x12a: {  	[tilespmem:v14+s10+$0x0] =	vst.idx.add.f32.msk $0xff, v6;
	v14 =	vperm.xlane v22, v5;
	(xrf0) =	vmax.scan.msk.f32 $0xffff, v24  }
0x12b: {  	[tilespmem:s19+$0xFFFFFFF8] =	vst.msk $0xff, v15;
	v17 =	vsub.f32 v21, v17;
	(xrf1) =	vsort.dscd.msk.f32 $0xffff, v20, v2;
	v20 =	vperm.xlane v23, v5;
	v22, v23, _ =	vpop (xrf1)  }
0x12c: {  	v21 =	vld [tilespmem:s29+$0x0];
	vm1 =	vge.f32 v22, v14;
	(xrf1) =	vsort.dscd.msk.f32 $0xffff, v19, v3  }
0x12d: {  	v25 =	vld [tilespmem:s29+$0x30];
	v17 =	vmul.f32 $1.442695020e+00, v17;
	v18 =	vpop (erf);
	(xrf1) =	vsort.dscd.msk.f32 $0xffff, v8, v0;
	v8 =	vsel vm1, v22, v14  }
0x12e: {  	v16 =	vmul.f32 v18, v16  }
0x12f: {  	(erf) = vpow2.f32 v17;
	v17 =	vld [tilespmem:s29+$0x10];
	v14 =	vsel vm1, v23, v20  }
0x130: {  	(xrf1) =	vsort.dscd.msk.f32 $0xffff, v8, v14;
	[tilespmem:s14+$0x0] =	vst.msk $0xff, v16;
	v16 =	vld [tilespmem:s29+$0x20];
	v8, _, _ =	vpop (xrf0)  }
0x131: {  	(xrf1) =	vsort.dscd.msk.f32 $0xffff, v21, v0;
	[tilespmem:s15+$0x0] =	vst.msk $0xff, v7;
	v18 =	vbroadcast v8, $0xF  }
0x132: {  	(xrf1) =	vsort.dscd.msk.f32 $0xffff, v25, v4;
	v14 =	vld [tilespmem:s1+$0x70];
	v19, v8, _ =	vpop (xrf1)  }
0x133: {  	v20 =	vld [tilespmem:s1+$0x60];
	(xrf0) =	vmax.scan.msk.f32 $0xffff, v19;
	v18 =	vsub.f32 v24, v18  }
0x134: {  	(xrf1) =	vsort.dscd.msk.f32 $0xffff, v17, v2  }
0x135: {  	(xrf1) =	vsort.dscd.msk.f32 $0xffff, v16, v3;
	v16 =	vld [tilespmem:s1+$0x50];
	v17 =	vmul.f32 $1.442695020e+00, v18;
	_ =	sdelay $0x1  }
0x136: {  	(xrf1) =	vsort.dscd.msk.f32 $0xffff, v14, v4;
	v14 =	vld [tilespmem:s1+$0x40];
	v18, v21, _ =	vpop (xrf1)  }
0x137: {  	(xrf1) =	vsort.dscd.msk.f32 $0xffff, v20, v3;
	v20, v23, _ =	vpop (xrf1)  }
0x138: {  	(erf) = vpow2.f32 v17;
	v17, _, _ =	vpop (xrf0)  }
0x139: {  	(xrf1) =	vsort.dscd.msk.f32 $0xffff, v16, v2;
	v16 =	vperm.xlane v20, v5;
	v20, v24, _ =	vpop (xrf1)  }
0x13a: {  	v23 =	vperm.xlane v23, v5;
	v17 =	vbroadcast v17, $0xF;
	v25, v26, _ =	vpop (xrf1)  }
0x13b: {  	v22 =	vpop (erf);
	v24 =	vperm.xlane v24, v5;
	(xrf1) =	vsort.dscd.msk.f32 $0xffff, v14, v0;
	vm1 =	vge.f32 v25, v16  }
0x13c: {  	s30 =	simm.s32 $0x780;
	v14 =	vperm.xlane v20, v5;
	v17 =	vsub.f32 v19, v17;
	v19, v20, _ =	vpop (xrf1);
	v23 =	vsel vm1, v26, v23  }
0x13d: {  	v27 =	vld [tilespmem:s30+$0xFFFFFF80];
	v16 =	vsel vm1, v25, v16;
	v26, v28, _ =	vpop (xrf1)  }
0x13e: {  	v22 =	vnsel vm0, $0x0, v22;
	v25 =	vld [tilespmem:s30+$0xFFFFFF90];
	vm1 =	vge.f32 v19, v14;
	(xrf1) =	vsort.dscd.msk.f32 $0xffff, v16, v23;
	v17 =	vmul.f32 $1.442695020e+00, v17  }
0x13f: {  	v16 =	vperm.xlane v26, v5;
	v14 =	vsel vm1, v19, v14;
	v19 =	vsel vm1, v20, v24;
	v23, v26, _ =	vpop (xrf1)  }
0x140: {  	(xrf2) =	vadd.scan.msk.f32 $0xffff, v22;
	v20, v24, _ =	vpop (xrf1)  }
0x141: {  	(xrf1) =	vsort.dscd.msk.f32 $0xffff, v14, v19;
	v14 =	vperm.xlane v28, v5;
	(erf) = vpow2.f32 v17;
	vm1 =	vge.f32 v18, v16  }
0x142: {  	(xrf1) =	vsort.dscd.msk.f32 $0xffff, v27, v0;
	v16 =	vsel vm1, v18, v16;
	v18 =	vperm.xlane v20, v5;
	v19, v20, _ =	vpop (xrf1)  }
0x143: {  	v14 =	vsel vm1, v21, v14;
	v21 =	vperm.xlane v24, v5;
	(xrf1) =	vsort.dscd.msk.f32 $0xffff, v25, v2;
	v24, v25, _ =	vpop (xrf1)  }
0x144: {  	(xrf1) =	vsort.dscd.msk.f32 $0xffff, v16, v14;
	v14 =	vperm.xlane v19, v5;
	vm1 =	vge.f32 v24, v18  }
0x145: {  	v20 =	vperm.xlane v20, v5;
	v21 =	vsel vm1, v25, v21  }
0x146: {  	v18 =	vsel vm1, v24, v18;
	vm1 =	vge.f32 v23, v14  }
0x147: {  	v16, v19, _ =	vpop (xrf1);
	(xrf1) =	vsort.dscd.msk.f32 $0xffff, v18, v21;
	v18 =	vsel vm1, v26, v20  }
0x148: {  	v17 =	vpop (erf);
	v14 =	vsel vm1, v23, v14  }
0x149: {  	v17 =	vnsel vm0, $0x0, v17;
	v16 =	vperm.xlane v16, v5;
	v20, v21, _ =	vpop (xrf1)  }
0x14a: {  	(xrf2) =	vadd.scan.msk.f32 $0xffff, v17;
	v19 =	vperm.xlane v19, v5;
	v23 =	vpop (erf)  }
0x14b: {  	(xrf1) =	vsort.dscd.msk.f32 $0xffff, v14, v18;
	vm1 =	vge.f32 v20, v16;
	v14, v18, _ =	vpop (xrf1)  }
0x14c: {  	v24, _, _ =	vpop (xrf2);
	v14 =	vperm.xlane v14, v5;
	v16 =	vsel vm1, v20, v16;
	v19 =	vsel vm1, v21, v19  }
0x14d: {  	v20 =	vnsel vm0, $0x0, v23;
	v18 =	vperm.xlane v18, v5;
	v21, v23, _ =	vpop (xrf1);
	(xrf1) =	vsort.dscd.msk.f32 $0xffff, v16, v19;
	v16 =	vbroadcast v24, $0xF  }
0x14e: {  	vm1 =	vge.f32 v21, v14  }
0x14f: {  	v18 =	vsel vm1, v23, v18;
	_ =	sdelay $0x1  }
0x150: {  	(xrf2) =	vadd.scan.msk.f32 $0xffff, v20;
	v19 =	vld [tilespmem:s30+$0xFFFFFFB0];
	v14 =	vsel vm1, v21, v14;
	(erf) = vrcp.f32 v16;
	v16, v21, _ =	vpop (xrf1)  }
0x151: {  	(xrf1) =	vsort.dscd.msk.f32 $0xffff, v14, v18;
	v14 =	vperm.xlane v16, v5  }
0x152: {  	v16, v18, _ =	vpop (xrf1)  }
0x153: {  	v21 =	vperm.xlane v21, v5;
	vm1 =	vge.f32 v16, v14  }
0x154: {  	v23, _, _ =	vpop (xrf2);
	v14 =	vsel vm1, v16, v14  }
0x155: {  	(xrf1) =	vsort.dscd.msk.f32 $0xffff, v19, v4;
	v25, v26, _ =	vpop (xrf1);
	v16 =	vsel vm1, v18, v21  }
0x156: {  	v24 =	vld [tilespmem:s30+$0xFFFFFFA0];
	v18, v19, _ =	vpop (xrf1);
	(xrf1) =	vsort.dscd.msk.f32 $0xffff, v14, v16;
	v16 =	vbroadcast v23, $0xF;
	_ =	sdelay $0x1  }
0x157: {  	v21, v14, _ =	vpop (xrf1)  }
0x158: {  	v23, v27, _ =	vpop (xrf1)  }
0x159: {  	v18 =	vperm.xlane v18, v5;
	(erf) = vrcp.f32 v16;
	v16, _, _ =	vpop (xrf2)  }
0x15a: {  	v28 =	vpop (erf);
	(xrf1) =	vsort.dscd.msk.f32 $0xffff, v24, v3;
	v23 =	vperm.xlane v23, v5;
	v16 =	vbroadcast v16, $0xF  }
0x15b: {  	v22 =	vmul.f32 v28, v22;
	(xrf0) =	vmax.scan.msk.f32 $0xffff, v21;
	v24, v29, _ =	vpop (xrf1);
	v27 =	vperm.xlane v27, v5  }
0x15c: {  	s1 =	simm.s32 $0x40B0;
	vm1 =	vge.f32 v24, v23  }
0x15d: {  	[tilespmem:s1+$0xFFFFFFF0] =	vst.msk $0xff, v22;
	v22 =	vsel vm1, v24, v23;
	v23 =	vsel vm1, v29, v27;
	vm1 =	vge.f32 v25, v18  }
0x15e: {  	s8 =	simm.s32 $0x48C0;
	v19 =	vperm.xlane v19, v5;
	(erf) = vrcp.f32 v16;
	v16, v28, _ =	vpop (xrf1);
	v18 =	vsel vm1, v25, v18  }
0x15f: {  	[tilespmem:s8+$0xFFFFFFF0] =	vst.msk $0xff, v11;
	v16 =	vperm.xlane v16, v5  }
0x160: {  	(xrf1) =	vsort.dscd.msk.f32 $0xffff, v22, v23;
	v22 =	vld [tilespmem:s24+$0xFFFFFFF0];
	v19 =	vsel vm1, v26, v19;
	v23 =	vperm.xlane v28, v5;
	v24, v27, _ =	vpop (xrf1)  }
0x161: {  	(xrf1) =	vsort.dscd.msk.f32 $0xffff, v18, v19;
	v19 =	vld [tilespmem:s24+$0xFFFFFFD0];
	vm1 =	vge.f32 v24, v16;
	v18, _, _ =	vpop (xrf0)  }
0x162: {  	[tilespmem:v9+s10+$0x0] =	vst.idx.add.f32.msk $0xff, v6;
	v16 =	vsel vm1, v24, v16;
	v23 =	vsel vm1, v27, v23;
	v24 =	vpop (erf);
	v18 =	vbroadcast v18, $0xF  }
0x163: {  	[tilespmem:v10+s10+$0x0] =	vst.idx.add.f32.msk $0xff, v6;
	v17 =	vmul.f32 v24, v17  }
0x164: {  	v25 =	vld [tilespmem:s24+$0xFFFFFFE0];
	(xrf1) =	vsort.dscd.msk.f32 $0xffff, v16, v23  }
0x165: {  	v26 =	vld [tilespmem:s24+$0xFFFFFFC0];
	v9 =	vsub.f32 v21, v18;
	(xrf1) =	vsort.dscd.msk.f32 $0xffff, v22, v4;
	v23, v24, _ =	vpop (xrf1)  }
0x166: {  	[tilespmem:s20+$0xFFFFFFF8] =	vst.msk $0xff, v17;
	(xrf1) =	vsort.dscd.msk.f32 $0xffff, v19, v2;
	v18, v16, _ =	vpop (xrf1)  }
0x167: {  	[tilespmem:s21+$0xFFFFFFF8] =	vst.msk $0xff, v13;
	v9 =	vmul.f32 $1.442695020e+00, v9;
	v19 =	vperm.xlane v23, v5;
	(xrf0) =	vmax.scan.msk.f32 $0xffff, v18;
	v17 =	vpop (erf)  }
0x168: {  	v10 =	vperm.xlane v24, v5;
	v21 =	vld [tilespmem:s28+$0x0];
	v17 =	vmul.f32 v17, v20;
	v20, v22, _ =	vpop (xrf1)  }
0x169: {  	(xrf1) =	vsort.dscd.msk.f32 $0xffff, v25, v3;
	(erf) = vpow2.f32 v9;
	v9 =	vld [tilespmem:s28+$0x30];
	vm1 =	vge.f32 v20, v19  }
0x16a: {  	(xrf1) =	vsort.dscd.msk.f32 $0xffff, v26, v0;
	[tilespmem:s16+$0x0] =	vst.msk $0xff, v17;
	v17 =	vsel vm1, v20, v19;
	v10 =	vsel vm1, v22, v10  }
0x16b: {  	v23 =	vld [tilespmem:s28+$0x10]  }
0x16c: {  	v20 =	vld [tilespmem:s28+$0x20];
	[tilespmem:s17+$0x0] =	vst.msk $0xff, v8;
	(xrf1) =	vsort.dscd.msk.f32 $0xffff, v17, v10  }
0x16d: {  	(xrf1) =	vsort.dscd.msk.f32 $0xffff, v21, v0;
	v21 =	vld [tilespmem:s12+$0x70];
	v17, _, _ =	vpop (xrf0)  }
0x16e: {  	(xrf1) =	vsort.dscd.msk.f32 $0xffff, v9, v4;
	v28, v10, _ =	vpop (xrf1)  }
0x16f: {  	v24 =	vbroadcast v17, $0xF;
	(xrf0) =	vmax.scan.msk.f32 $0xffff, v28  }
0x170: {  	v22 =	vld [tilespmem:s12+$0x60];
	v19, v17, _ =	vpop (xrf1);
	(xrf1) =	vsort.dscd.msk.f32 $0xffff, v23, v2  }
0x171: {  	(xrf1) =	vsort.dscd.msk.f32 $0xffff, v20, v3;
	v18 =	vsub.f32 v18, v24  }
0x172: {  	v23 =	vld [tilespmem:s12+$0x50];
	v20, v9, _ =	vpop (xrf1);
	(xrf1) =	vsort.dscd.msk.f32 $0xffff, v21, v4  }
0x173: {  	v30 =	vld [tilespmem:s12+$0x40];
	v21 =	vpop (erf);
	(xrf0) =	vmax.scan.msk.f32 $0xffff, v20;
	v31 =	vmul.f32 $1.442695020e+00, v18  }
0x174: {  	v24, v26, _ =	vpop (xrf1)  }
0x175: {  	(xrf1) =	vsort.dscd.msk.f32 $0xffff, v22, v3;
	v18 =	vnsel vm0, $0x0, v21;
	(erf) = vpow2.f32 v31;
	v27, _, _ =	vpop (xrf0)  }
0x176: {  	v22 =	vperm.xlane v24, v5;
	v21, v25, _ =	vpop (xrf1);
	(xrf2) =	vadd.scan.msk.f32 $0xffff, v18;
	v32 =	vbroadcast v27, $0xF  }
0x177: {  	s11 =	simm.s32 $0x1C;
	v26 =	vperm.xlane v26, v5;
	(xrf1) =	vsort.dscd.msk.f32 $0xffff, v23, v2;
	v21 =	vperm.xlane v21, v5;
	v29, v27, _ =	vpop (xrf1)  }
0x178: {  	s31 =	simm.s32 $0x40B0;
	s0 =	simm.s32 $0x48C0;
	s12 =	simm.s32 $0x880;
	(xrf1) =	vsort.dscd.msk.f32 $0xffff, v30, v0;
	vm1 =	vge.f32 v29, v22;
	v24, v23, _ =	vpop (xrf1);
	v28 =	vsub.f32 v28, v32  }
.LBB2_2:
0x179: {  	v30 =	vld [tilespmem:s12+$0xFFFFFF80];
	v33 =	vperm.xlane v25, v5;
	v22 =	vsel vm1, v29, v22;
	v26 =	vsel vm1, v27, v26;
	v27, _, _ =	vpop (xrf0)  }
0x17a: {  	vm1 =	vge.f32 v24, v21;
	v31, v32, _ =	vpop (xrf1);
	(xrf1) =	vsort.dscd.msk.f32 $0xffff, v22, v26;
	v22 =	vmul.f32 $1.442695020e+00, v28  }
0x17b: {  	v29 =	vld [tilespmem:s12+$0xFFFFFF90];
	v34 =	vbroadcast v27, $0xF;
	v27 =	vperm.xlane v31, v5;
	v28 =	vsel vm1, v23, v33  }
0x17c: {  	v31 =	vsel vm1, v24, v21;
	v24, v25, _ =	vpop (xrf1)  }
0x17d: {  	(xrf1) =	vsort.dscd.msk.f32 $0xffff, v31, v28;
	v21, v23, _ =	vpop (xrf1);
	(erf) = vpow2.f32 v22;
	v20 =	vsub.f32 v20, v34  }
0x17e: {  	v22 =	vperm.xlane v32, v5;
	vm1 =	vge.f32 v19, v27;
	v26 =	vpop (erf)  }
0x17f: {  	v21 =	vperm.xlane v21, v5;
	(xrf1) =	vsort.dscd.msk.f32 $0xffff, v30, v0;
	v19 =	vsel vm1, v19, v27;
	v30 =	vmul.f32 $1.442695020e+00, v20;
	v27, v28, _ =	vpop (xrf1)  }
0x180: {  	v23 =	vperm.xlane v23, v5;
	v17 =	vsel vm1, v17, v22;
	v22 =	vnsel vm0, $0x0, v26;
	(xrf1) =	vsort.dscd.msk.f32 $0xffff, v29, v2;
	v26, v29, _ =	vpop (xrf1)  }
0x181: {  	(xrf1) =	vsort.dscd.msk.f32 $0xffff, v19, v17;
	v17 =	vperm.xlane v27, v5  }
0x182: {  	v28 =	vperm.xlane v28, v5;
	vm1 =	vge.f32 v26, v21;
	v19, v27, _ =	vpop (xrf1);
	(erf) = vpow2.f32 v30  }
0x183: {  	v20, _, _ =	vpop (xrf2);
	(xrf2) =	vadd.scan.msk.f32 $0xffff, v22;
	v30 =	vsel vm1, v26, v21;
	v23 =	vsel vm1, v29, v23;
	vm1 =	vge.f32 v24, v17  }
0x184: {  	v19 =	vperm.xlane v19, v5;
	(xrf1) =	vsort.dscd.msk.f32 $0xffff, v30, v23;
	v26 =	vsel vm1, v25, v28  }
0x185: {  	v23 =	vperm.xlane v27, v5;
	v29 =	vsel vm1, v24, v17;
	v24, v25, _ =	vpop (xrf1)  }
0x186: {  	v20 =	vbroadcast v20, $0xF;
	(xrf1) =	vsort.dscd.msk.f32 $0xffff, v29, v26;
	vm1 =	vge.f32 v24, v19;
	v17, v21, _ =	vpop (xrf1)  }
0x187: {  	v17 =	vperm.xlane v17, v5;
	v19 =	vsel vm1, v24, v19;
	v23 =	vsel vm1, v25, v23;
	v26 =	vpop (erf)  }
0x188: {  	v24, v25, _ =	vpop (xrf1)  }
0x189: {  	v21 =	vperm.xlane v21, v5;
	vm1 =	vge.f32 v24, v17  }
0x18a: {  	(erf) = vrcp.f32 v20;
	v20 =	vnsel vm0, $0x0, v26;
	(xrf1) =	vsort.dscd.msk.f32 $0xffff, v19, v23;
	v24 =	vsel vm1, v24, v17  }
0x18b: {  	(xrf2) =	vadd.scan.msk.f32 $0xffff, v20  }
0x18c: {  	v19 =	vld [tilespmem:s12+$0xFFFFFFB0];
	v23, v26, _ =	vpop (xrf1);
	v21 =	vsel vm1, v25, v21  }
0x18d: {  	(xrf1) =	vsort.dscd.msk.f32 $0xffff, v24, v21;
	v17 =	vpop (erf);
	v25 =	vperm.xlane v26, v5  }
0x18e: {  	v21 =	vperm.xlane v23, v5;
	v17 =	vnsel vm0, $0x0, v17;
	v23, v24, _ =	vpop (xrf1)  }
0x18f: {  	v26, _, _ =	vpop (xrf2);
	(xrf2) =	vadd.scan.msk.f32 $0xffff, v17  }
0x190: {  	vm1 =	vge.f32 v23, v21;
	v27 =	vld [tilespmem:s12+$0xFFFFFFA0];
	v28, v29, _ =	vpop (xrf1)  }
0x191: {  	v32 =	vsel vm1, v23, v21;
	v21 =	vsel vm1, v24, v25;
	v26 =	vbroadcast v26, $0xF;
	v30, v31, _ =	vpop (xrf1);
	(xrf1) =	vsort.dscd.msk.f32 $0xffff, v19, v4  }
0x192: {  	v24, v25, _ =	vpop (xrf1);
	(xrf1) =	vsort.dscd.msk.f32 $0xffff, v32, v21  }
0x193: {  	v19 =	vpop (erf);
	(erf) = vrcp.f32 v26  }
0x194: {  	v21, v23, _ =	vpop (xrf1)  }
0x195: {  	v26 =	vperm.xlane v30, v5;
	(xrf1) =	vsort.dscd.msk.f32 $0xffff, v27, v3;
	v27, _, _ =	vpop (xrf2)  }
0x196: {  	v34 =	vperm.xlane v21, v5;
	v30, v32, _ =	vpop (xrf1);
	v33 =	vbroadcast v27, $0xF  }
0x197: {  	v18 =	vmul.f32 v19, v18;
	v19 =	vperm.xlane v23, v5;
	(xrf0) =	vmax.scan.msk.f32 $0xffff, v24  }
0x198: {  	s1 =	sadd.s32 $0x20, s1;
	v23 =	vperm.xlane v31, v5;
	vm1 =	vge.f32 v30, v34;
	(erf) = vrcp.f32 v33;
	v27, v31, _ =	vpop (xrf1)  }
0x199: {  	s8 =	sadd.s32 $0x20, s8;
	vm2 =	vge.f32 v28, v26;
	v19 =	vsel vm1, v32, v19;
	[tilespmem:s1+$0xFFFFFFF0] =	vst.msk $0xff, v18;
	v18 =	vsel vm1, v30, v34;
	v21, _, _ =	vpop (xrf2)  }
0x19a: {  	[tilespmem:s8+$0xFFFFFFF0] =	vst.msk $0xff, v14;
	(xrf1) =	vsort.dscd.msk.f32 $0xffff, v18, v19;
	v18 =	vperm.xlane v27, v5;
	v30 =	vbroadcast v21, $0xF  }
0x19b: {  	v23 =	vsel vm2, v29, v23;
	v21 =	vsel vm2, v28, v26;
	v27 =	vperm.xlane v31, v5;
	v26 =	vld [tilespmem:s26+$0xFFFFFFF0];
	v28, v29, _ =	vpop (xrf1)  }
0x19c: {  	(xrf1) =	vsort.dscd.msk.f32 $0xffff, v21, v23;
	[tilespmem:v12+s10+$0x0] =	vst.idx.add.f32.msk $0xff, v6;
	v12 =	vpop (erf);
	vm1 =	vge.f32 v28, v18;
	(erf) = vrcp.f32 v30  }
0x19d: {  	v19, _, _ =	vpop (xrf0);
	v21 =	vld [tilespmem:s26+$0xFFFFFFD0];
	v30 =	vmul.f32 v12, v22;
	v28 =	vsel vm1, v28, v18;
	v27 =	vsel vm1, v29, v27  }
0x19e: {  	v12 =	vmovc v11;
	v11 =	vmov v14;
	v14 =	vmov v25;
	v19 =	vbroadcast v19, $0xF;
	v23 =	vld [tilespmem:s26+$0xFFFFFFE0];
	(xrf1) =	vsort.dscd.msk.f32 $0xffff, v28, v27  }
0x19f: {  	v18, v25, _ =	vpop (xrf1);
	v27 =	vld [tilespmem:s26+$0xFFFFFFC0];
	[tilespmem:s22+$0xFFFFFFF8] =	vst.msk $0xff, v30  }
0x1a0: {  	v19 =	vsub.f32 v24, v19;
	(xrf1) =	vsort.dscd.msk.f32 $0xffff, v26, v4;
	v22, v24, _ =	vpop (xrf1);
	[tilespmem:s23+$0xFFFFFFF8] =	vst.msk $0xff, v16  }
0x1a1: {  	v18 =	vperm.xlane v18, v5;
	(xrf0) =	vmax.scan.msk.f32 $0xffff, v22;
	[tilespmem:v15+s10+$0x0] =	vst.idx.add.f32.msk $0xff, v6;
	v26 =	vpop (erf);
	v15 =	vmov v13  }
0x1a2: {  	v13 =	vmovc v16;
	v16 =	vmov v24;
	v19 =	vmul.f32 $1.442695020e+00, v19;
	(xrf1) =	vsort.dscd.msk.f32 $0xffff, v21, v2;
	v21 =	vld [tilespmem:s25+$0x0];
	v20 =	vmul.f32 v26, v20  }
0x1a3: {  	v28 =	vperm.xlane v25, v5;
	v25, v26, _ =	vpop (xrf1);
	(xrf1) =	vsort.dscd.msk.f32 $0xffff, v23, v3;
	v23 =	vld [tilespmem:s25+$0x30]  }
0x1a4: {  	vm1 =	vge.f32 v25, v18;
	(erf) = vpow2.f32 v19;
	(xrf1) =	vsort.dscd.msk.f32 $0xffff, v27, v0;
	v27 =	vld [tilespmem:s25+$0x10];
	[tilespmem:s18+$0x0] =	vst.msk $0xff, v20  }
0x1a5: {  	v25 =	vsel vm1, v25, v18;
	v19 =	vsel vm1, v26, v28;
	v20 =	vld [tilespmem:s25+$0x20];
	[tilespmem:s19+$0x0] =	vst.msk $0xff, v10;
	v24 =	vpop (erf)  }
0x1a6: {  	(xrf1) =	vsort.dscd.msk.f32 $0xffff, v25, v19;
	[tilespmem:v7+s10+$0x0] =	vst.idx.add.f32.msk $0xff, v6;
	v24 =	vmul.f32 v24, v17;
	v7 =	vmov v8  }
0x1a7: {  	v8 =	vmov v10;
	v18, _, _ =	vpop (xrf0);
	(xrf1) =	vsort.dscd.msk.f32 $0xffff, v21, v0;
	v21 =	vld [tilespmem:s29+$0x70]  }
0x1a8: {  	v18 =	vbroadcast v18, $0xF;
	(xrf1) =	vsort.dscd.msk.f32 $0xffff, v23, v4;
	v28, v10, _ =	vpop (xrf1);
	[tilespmem:s14+$0x8] =	vst.msk $0xff, v24;
	s14 =	smov.u32 s16;
	s16 =	smov.u32 s18;
	s18 =	smov.u32 s20  }
0x1a9: {  	s20 =	smov.u32 s22;
	s22 =	smov.u32 s31;
	s31 =	smov.u32 s1;
	(xrf0) =	vmax.scan.msk.f32 $0xffff, v28;
	v23 =	vld [tilespmem:s29+$0x60];
	[tilespmem:s15+$0x8] =	vst.msk $0xff, v9  }
0x1aa: {  	s15 =	smov.u32 s17;
	s17 =	smov.u32 s19;
	s19 =	smov.u32 s21;
	v19, v17, _ =	vpop (xrf1);
	v18 =	vsub.f32 v22, v18;
	(xrf1) =	vsort.dscd.msk.f32 $0xffff, v27, v2;
	[tilespmem:v9+s10+$0x0] =	vst.idx.add.f32.msk $0xff, v6  }
0x1ab: {  	s11 =	sadd.s32 $0x4, s11;
	s21 =	smov.u32 s23;
	s23 =	smov.u32 s0;
	(xrf1) =	vsort.dscd.msk.f32 $0xffff, v20, v3;
	v24 =	vld [tilespmem:s29+$0x50]  }
0x1ac: {  	p0 =	slt.u32 s11, $0xFC;
	s0 =	smov.u32 s8;
	v18 =	vmul.f32 $1.442695020e+00, v18;
	(xrf1) =	vsort.dscd.msk.f32 $0xffff, v21, v4;
	v20, v9, _ =	vpop (xrf1)  }
0x1ad: {  	v21 =	vpop (erf);
	v30 =	vld [tilespmem:s29+$0x40];
	(xrf0) =	vmax.scan.msk.f32 $0xffff, v20;
	s29 =	smov.u32 s28;
	s28 =	smov.u32 s25;
	s25 =	smov.u32 s24  }
.Ltmp0:
0x1ae: {  	s24 =	smov.u32 s26;
	s26 =	smov.u32 s30;
	v22, v26, _ =	vpop (xrf1);
	(erf) = vpow2.f32 v18;
	(pc) =	sbr.rel @p0 .LBB2_2-.Ltmp0, $4  }
0x1af: {  	s30 =	smov.u32 s12;
	v27, _, _ =	vpop (xrf0);
	(xrf1) =	vsort.dscd.msk.f32 $0xffff, v23, v3  }
0x1b0: {  	v18 =	vnsel vm0, $0x0, v21;
	v22 =	vperm.xlane v22, v5;
	v21, v25, _ =	vpop (xrf1);
	v31 =	vbroadcast v27, $0xF;
	(xrf1) =	vsort.dscd.msk.f32 $0xffff, v24, v2  }
0x1b1: {  	v26 =	vperm.xlane v26, v5;
	(xrf2) =	vadd.scan.msk.f32 $0xffff, v18;
	v21 =	vperm.xlane v21, v5;
	v29, v27, _ =	vpop (xrf1)  }
0x1b2: {  	s12 =	sadd.s32 $0x100, s12;
	vm1 =	vge.f32 v29, v22;
	v24, v23, _ =	vpop (xrf1);
	v28 =	vsub.f32 v28, v31;
	(xrf1) =	vsort.dscd.msk.f32 $0xffff, v30, v0  }
0x1b3: {  	v25 =	vperm.xlane v25, v5  }
0x1b4: {  	v22 =	vsel vm1, v29, v22;
	v26 =	vsel vm1, v27, v26;
	vm1 =	vge.f32 v24, v21  }
0x1b5: {  	v30, _, _ =	vpop (xrf0);
	v23 =	vsel vm1, v23, v25  }
0x1b6: {  	v47, v46, _ =	vpop (xrf1);
	v28 =	vmul.f32 $1.442695020e+00, v28;
	v21 =	vsel vm1, v24, v21  }
0x1b7: {  	v48 =	vbroadcast v30, $0xF;
	v49 =	vperm.xlane v47, v5;
	v50, v51, _ =	vpop (xrf1)  }
0x1b8: {  	(xrf1) =	vsort.dscd.msk.f32 $0xffff, v22, v26;
	v52 =	vperm.xlane v46, v5;
	(erf) = vpow2.f32 v28;
	v53 =	vpop (erf)  }
0x1b9: {  	(xrf1) =	vsort.dscd.msk.f32 $0xffff, v21, v23;
	v20 =	vsub.f32 v20, v48;
	vm1 =	vge.f32 v19, v49;
	v21, v23, _ =	vpop (xrf1)  }
0x1ba: {  	v19 =	vsel vm1, v19, v49;
	v21 =	vperm.xlane v21, v5;
	v55, v54, _ =	vpop (xrf1)  }
0x1bb: {  	v20 =	vmul.f32 $1.442695020e+00, v20;
	v17 =	vsel vm1, v17, v52;
	v56 =	vperm.xlane v23, v5;
	v58, v57, _ =	vpop (xrf1)  }
0x1bc: {  	v27 =	vnsel vm0, $0x0, v53;
	(xrf1) =	vsort.dscd.msk.f32 $0xffff, v19, v17;
	v59 =	vperm.xlane v55, v5;
	vm1 =	vge.f32 v58, v21  }
0x1bd: {  	v28 =	vperm.xlane v54, v5;
	v60, v61, _ =	vpop (xrf1);
	v21 =	vsel vm1, v58, v21;
	v22 =	vsel vm1, v57, v56  }
0x1be: {  	v62, _, _ =	vpop (xrf2);
	(xrf2) =	vadd.scan.msk.f32 $0xffff, v27;
	vm1 =	vge.f32 v50, v59;
	v19 =	vperm.xlane v60, v5;
	v32 =	vperm.xlane v61, v5  }
0x1bf: {  	v63, v29, _ =	vpop (xrf1);
	(xrf1) =	vsort.dscd.msk.f32 $0xffff, v21, v22;
	v17 =	vsel vm1, v50, v59;
	v31 =	vsel vm1, v51, v28  }
0x1c0: {  	(erf) = vpow2.f32 v20;
	v35 =	vbroadcast v62, $0xF;
	v33, v34, _ =	vpop (xrf1);
	(xrf1) =	vsort.dscd.msk.f32 $0xffff, v17, v31;
	vm1 =	vge.f32 v63, v19  }
0x1c1: {  	v36 =	vpop (erf);
	v37 =	vperm.xlane v33, v5;
	v19 =	vsel vm1, v63, v19;
	v38 =	vsel vm1, v29, v32  }
0x1c2: {  	v39 =	vperm.xlane v34, v5;
	(erf) = vrcp.f32 v35;
	v41, v40, _ =	vpop (xrf1);
	v25 =	vnsel vm0, $0x0, v36;
	(xrf1) =	vsort.dscd.msk.f32 $0xffff, v19, v38  }
0x1c3: {  	vm1 =	vge.f32 v41, v37;
	(xrf2) =	vadd.scan.msk.f32 $0xffff, v25  }
0x1c4: {  	v42 =	vsel vm1, v41, v37;
	v43 =	vsel vm1, v40, v39  }
0x1c5: {  	(xrf1) =	vsort.dscd.msk.f32 $0xffff, v42, v43;
	_ =	sdelay $0x1  }
0x1c6: {  	v44, v45, _ =	vpop (xrf1)  }
0x1c7: {  	v49, _, _ =	vpop (xrf2)  }
0x1c8: {  	v46 =	vperm.xlane v44, v5;
	v52 =	vpop (erf);
	v51 =	vbroadcast v49, $0xF  }
0x1c9: {  	v21 =	vperm.xlane v45, v5;
	v47, v48, _ =	vpop (xrf1)  }
0x1ca: {  	vm1 =	vge.f32 v47, v46;
	(erf) = vrcp.f32 v51;
	v54 =	vpop (erf)  }
0x1cb: {  	v17 =	vsel vm1, v47, v46;
	v50 =	vsel vm1, v48, v21;
	v53, v20, _ =	vpop (xrf1)  }
0x1cc: {  	(xrf1) =	vsort.dscd.msk.f32 $0xffff, v17, v50;
	v57, _, _ =	vpop (xrf2)  }
0x1cd: {  	v17 =	vnsel vm0, $0x0, v52;
	v18 =	vmul.f32 v54, v18;
	v56, v55, _ =	vpop (xrf1)  }
0x1ce: {  	(xrf2) =	vadd.scan.msk.f32 $0xffff, v17;
	v61 =	vbroadcast v57, $0xF;
	v22 =	vperm.xlane v56, v5  }
0x1cf: {  	s1 =	sadd.s32 $0x20, s1;
	[tilespmem:v12+s10+$0x0] =	vst.idx.add.f32.msk $0xff, v6;
	v59, v58, _ =	vpop (xrf1);
	v60 =	vperm.xlane v55, v5  }
0x1d0: {  	s8 =	sadd.s32 $0x20, s8;
	(xrf0) =	vmax.scan.msk.f32 $0xffff, v53;
	[tilespmem:s1+$0xFFFFFFF0] =	vst.msk $0xff, v18;
	(erf) = vrcp.f32 v61;
	vm1 =	vge.f32 v59, v22;
	v63, v62, _ =	vpop (xrf1)  }
0x1d1: {  	[tilespmem:s8+$0xFFFFFFF0] =	vst.msk $0xff, v14;
	v32 =	vsel vm1, v59, v22;
	v21 =	vsel vm1, v58, v60;
	v33 =	vperm.xlane v63, v5  }
0x1d2: {  	v34 =	vld [tilespmem:s26+$0xFFFFFFF0];
	v35 =	vperm.xlane v62, v5;
	(xrf1) =	vsort.dscd.msk.f32 $0xffff, v32, v21;
	v36, v37, _ =	vpop (xrf1)  }
0x1d3: {  	[tilespmem:v15+s10+$0x0] =	vst.idx.add.f32.msk $0xff, v6;
	v38 =	vpop (erf);
	vm1 =	vge.f32 v36, v33  }
0x1d4: {  	v40 =	vld [tilespmem:s26+$0xFFFFFFD0];
	v41 =	vmul.f32 v38, v27;
	v18 =	vsel vm1, v36, v33;
	v22 =	vsel vm1, v37, v35  }
0x1d5: {  	v43 =	vld [tilespmem:s26+$0xFFFFFFE0];
	(xrf1) =	vsort.dscd.msk.f32 $0xffff, v18, v22  }
0x1d6: {  	v39, _, _ =	vpop (xrf0);
	[tilespmem:s22+$0xFFFFFFF8] =	vst.msk $0xff, v41  }
0x1d7: {  	v46 =	vld [tilespmem:s26+$0xFFFFFFC0];
	v42 =	vbroadcast v39, $0xF;
	(xrf1) =	vsort.dscd.msk.f32 $0xffff, v34, v4;
	[tilespmem:s23+$0xFFFFFFF8] =	vst.msk $0xff, v16  }
0x1d8: {  	v44, _, _ =	vpop (xrf2);
	v49 =	vld [tilespmem:s25+$0x0]  }
0x1d9: {  	v45 =	vbroadcast v44, $0xF;
	v19 =	vsub.f32 v53, v42;
	(xrf1) =	vsort.dscd.msk.f32 $0xffff, v40, v2;
	v51 =	vld [tilespmem:s25+$0x30];
	v50 =	vpop (erf)  }
0x1da: {  	v53 =	vld [tilespmem:s25+$0x10];
	v47, v22, _ =	vpop (xrf1);
	(xrf1) =	vsort.dscd.msk.f32 $0xffff, v43, v3;
	v52 =	vmul.f32 v50, v25  }
0x1db: {  	(erf) = vrcp.f32 v45;
	v48 =	vmul.f32 $1.442695020e+00, v19;
	v54 =	vld [tilespmem:s25+$0x20];
	(xrf0) =	vmax.scan.msk.f32 $0xffff, v47  }
0x1dc: {  	(xrf1) =	vsort.dscd.msk.f32 $0xffff, v46, v0;
	[tilespmem:s18+$0x0] =	vst.msk $0xff, v52  }
0x1dd: {  	(erf) = vpow2.f32 v48;
	[tilespmem:s19+$0x0] =	vst.msk $0xff, v10;
	(xrf1) =	vsort.dscd.msk.f32 $0xffff, v49, v0  }
0x1de: {  	v56 =	vld [tilespmem:s29+$0x70];
	(xrf1) =	vsort.dscd.msk.f32 $0xffff, v51, v4  }
0x1df: {  	(xrf1) =	vsort.dscd.msk.f32 $0xffff, v53, v2  }
0x1e0: {  	v59 =	vld [tilespmem:s29+$0x60];
	v57, v15, _ =	vpop (xrf1);
	(xrf1) =	vsort.dscd.msk.f32 $0xffff, v54, v3  }
0x1e1: {  	v60 =	vld [tilespmem:s29+$0x50];
	v55, _, _ =	vpop (xrf0);
	(xrf0) =	vmax.scan.msk.f32 $0xffff, v57  }
0x1e2: {  	v58 =	vbroadcast v55, $0xF  }
0x1e3: {  	v63 =	vld [tilespmem:s29+$0x40];
	v61, v12, _ =	vpop (xrf1);
	(xrf1) =	vsort.dscd.msk.f32 $0xffff, v56, v4  }
0x1e4: {  	v18 =	vpop (erf);
	v21 =	vsub.f32 v47, v58;
	(xrf0) =	vmax.scan.msk.f32 $0xffff, v61  }
0x1e5: {  	v33, v34, _ =	vpop (xrf1);
	(xrf1) =	vsort.dscd.msk.f32 $0xffff, v59, v3  }
0x1e6: {  	v62 =	vpop (erf);
	v21 =	vmul.f32 $1.442695020e+00, v21;
	(xrf1) =	vsort.dscd.msk.f32 $0xffff, v60, v2  }
0x1e7: {  	v36 =	vperm.xlane v33, v5;
	v35, _, _ =	vpop (xrf0)  }
0x1e8: {  	v38, v37, _ =	vpop (xrf1);
	(erf) = vpow2.f32 v21;
	(xrf1) =	vsort.dscd.msk.f32 $0xffff, v63, v0;
	v21 =	vbroadcast v35, $0xF  }
0x1e9: {  	v40 =	vperm.xlane v34, v5;
	v41, v31, _ =	vpop (xrf1)  }
0x1ea: {  	v39 =	vperm.xlane v38, v5;
	vm1 =	vge.f32 v41, v36;
	v42, v43, _ =	vpop (xrf1);
	v21 =	vsub.f32 v57, v21  }
0x1eb: {  	v30 =	vperm.xlane v37, v5;
	v26 =	vsel vm1, v41, v36;
	v28 =	vsel vm1, v31, v40;
	v44, _, _ =	vpop (xrf0)  }
0x1ec: {  	v19 =	vnsel vm0, $0x0, v62;
	vm1 =	vge.f32 v42, v39;
	(xrf1) =	vsort.dscd.msk.f32 $0xffff, v26, v28;
	v47, v46, _ =	vpop (xrf1);
	v21 =	vmul.f32 $1.442695020e+00, v21  }
0x1ed: {  	(xrf2) =	vadd.scan.msk.f32 $0xffff, v19;
	v23 =	vsel vm1, v42, v39;
	v45 =	vsel vm1, v43, v30;
	v49, v48, _ =	vpop (xrf1)  }
0x1ee: {  	(xrf1) =	vsort.dscd.msk.f32 $0xffff, v23, v45;
	v52, v51, _ =	vpop (xrf1);
	(erf) = vpow2.f32 v21;
	v21 =	vperm.xlane v49, v5  }
0x1ef: {  	v23 =	vperm.xlane v48, v5;
	v26 =	vperm.xlane v52, v5;
	v54, v53, _ =	vpop (xrf1)  }
0x1f0: {  	v50 =	vbroadcast v44, $0xF;
	vm1 =	vge.f32 v54, v21  }
0x1f1: {  	v29 =	vperm.xlane v51, v5;
	v55 =	vpop (erf);
	v21 =	vsel vm1, v54, v21;
	v23 =	vsel vm1, v53, v23  }
0x1f2: {  	v24 =	vsub.f32 v61, v50;
	v32, v33, _ =	vpop (xrf1);
	vm1 =	vge.f32 v47, v26;
	(xrf1) =	vsort.dscd.msk.f32 $0xffff, v21, v23  }
0x1f3: {  	v57 =	vperm.xlane v32, v5;
	v58 =	vsel vm1, v47, v26;
	v59 =	vsel vm1, v46, v29;
	v60, v61, _ =	vpop (xrf1)  }
0x1f4: {  	v24 =	vmul.f32 $1.442695020e+00, v24;
	v25 =	vnsel vm0, $0x0, v55;
	v62 =	vperm.xlane v33, v5;
	(xrf1) =	vsort.dscd.msk.f32 $0xffff, v58, v59;
	v23, v26, _ =	vpop (xrf1)  }
0x1f5: {  	(xrf2) =	vadd.scan.msk.f32 $0xffff, v25;
	vm1 =	vge.f32 v60, v57;
	v23 =	vperm.xlane v23, v5  }
0x1f6: {  	(erf) = vpow2.f32 v24;
	v24 =	vsel vm1, v61, v62;
	v26 =	vperm.xlane v26, v5;
	v34, v35, _ =	vpop (xrf1)  }
0x1f7: {  	v21 =	vsel vm1, v60, v57;
	vm1 =	vge.f32 v34, v23  }
0x1f8: {  	v56, _, _ =	vpop (xrf2);
	v26 =	vsel vm1, v35, v26  }
0x1f9: {  	v33 =	vpop (erf);
	v23 =	vsel vm1, v34, v23  }
0x1fa: {  	v63 =	vbroadcast v56, $0xF;
	(xrf1) =	vsort.dscd.msk.f32 $0xffff, v21, v24;
	v30 =	vnsel vm0, $0x0, v33;
	v21, v24, _ =	vpop (xrf1)  }
0x1fb: {  	(xrf2) =	vadd.scan.msk.f32 $0xffff, v30;
	v21 =	vperm.xlane v21, v5  }
0x1fc: {  	(erf) = vrcp.f32 v63;
	(xrf1) =	vsort.dscd.msk.f32 $0xffff, v23, v26;
	v24 =	vperm.xlane v24, v5;
	v23, v26, _ =	vpop (xrf1)  }
0x1fd: {  	vm1 =	vge.f32 v23, v21  }
0x1fe: {  	v21 =	vsel vm1, v23, v21;
	v36 =	vsel vm1, v26, v24  }
0x1ff: {  	v37, _, _ =	vpop (xrf2);
	(xrf1) =	vsort.dscd.msk.f32 $0xffff, v21, v36  }
0x200: {  	v24, v26, _ =	vpop (xrf1)  }
0x201: {  	v21 =	vbroadcast v37, $0xF;
	v40 =	vperm.xlane v24, v5  }
0x202: {  	v42, v41, _ =	vpop (xrf1);
	v26 =	vperm.xlane v26, v5  }
0x203: {  	v38 =	vpop (erf);
	(erf) = vrcp.f32 v21;
	vm1 =	vge.f32 v42, v40  }
0x204: {  	v44 =	vsel vm1, v42, v40;
	v45 =	vsel vm1, v41, v26  }
0x205: {  	v39 =	vpop (erf);
	(xrf1) =	vsort.dscd.msk.f32 $0xffff, v44, v45  }
0x206: {  	v19 =	vmul.f32 v39, v19;
	v43, _, _ =	vpop (xrf2)  }
0x207: {  	s12 =	sadd.s32 $0x20, s1;
	v27 =	vbroadcast v43, $0xF  }
0x208: {  	s11 =	sadd.s32 $0x20, s8;
	[tilespmem:s12+$0xFFFFFFF0] =	vst.msk $0xff, v19;
	v46, v47, _ =	vpop (xrf1)  }
0x209: {  	[tilespmem:s11+$0xFFFFFFF0] =	vst.msk $0xff, v20;
	v48 =	vperm.xlane v46, v5;
	(erf) = vrcp.f32 v27  }
0x20a: {  	v49 =	vld [tilespmem:s30+$0xFFFFFFF0];
	v26 =	vperm.xlane v47, v5;
	v51, v50, _ =	vpop (xrf1)  }
0x20b: {  	v19 =	vnsel vm0, $0x0, v38;
	v52 =	vld [tilespmem:s30+$0xFFFFFFD0];
	vm1 =	vge.f32 v51, v48  }
0x20c: {  	(xrf2) =	vadd.scan.msk.f32 $0xffff, v19;
	v53 =	vld [tilespmem:s30+$0xFFFFFFE0];
	v21 =	vsel vm1, v51, v48;
	v26 =	vsel vm1, v50, v26;
	v54 =	vpop (erf)  }
0x20d: {  	[tilespmem:v11+s10+$0x0] =	vst.idx.add.f32.msk $0xff, v6;
	(xrf1) =	vsort.dscd.msk.f32 $0xffff, v21, v26;
	v55 =	vmul.f32 v54, v25;
	v57, v24, _ =	vpop (xrf1)  }
0x20e: {  	v56 =	vld [tilespmem:s30+$0xFFFFFFC0];
	(xrf0) =	vmax.scan.msk.f32 $0xffff, v57  }
0x20f: {  	(xrf1) =	vsort.dscd.msk.f32 $0xffff, v49, v4;
	[tilespmem:s31+$0xFFFFFFF8] =	vst.msk $0xff, v55  }
0x210: {  	(xrf1) =	vsort.dscd.msk.f32 $0xffff, v52, v2;
	[tilespmem:s0+$0xFFFFFFF8] =	vst.msk $0xff, v22  }
0x211: {  	(xrf1) =	vsort.dscd.msk.f32 $0xffff, v53, v3;
	v21 =	vld [tilespmem:s24+$0x0]  }
0x212: {  	v58 =	vpop (erf);
	v59 =	vld [tilespmem:s24+$0x30]  }
0x213: {  	[tilespmem:v13+s10+$0x0] =	vst.idx.add.f32.msk $0xff, v6;
	(xrf1) =	vsort.dscd.msk.f32 $0xffff, v56, v0;
	v11 =	vmul.f32 v58, v30;
	v63, v13, _ =	vpop (xrf1)  }
0x214: {  	v60 =	vld [tilespmem:s24+$0x10];
	v61, _, _ =	vpop (xrf0)  }
0x215: {  	v62 =	vld [tilespmem:s24+$0x20];
	[tilespmem:s20+$0x0] =	vst.msk $0xff, v11;
	(xrf0) =	vmax.scan.msk.f32 $0xffff, v63;
	v11 =	vbroadcast v61, $0xF  }
0x216: {  	[tilespmem:s21+$0x0] =	vst.msk $0xff, v15;
	(xrf1) =	vsort.dscd.msk.f32 $0xffff, v21, v0  }
0x217: {  	v35, _, _ =	vpop (xrf2);
	v34 =	vld [tilespmem:s28+$0x70];
	(xrf1) =	vsort.dscd.msk.f32 $0xffff, v59, v4;
	v11 =	vsub.f32 v57, v11  }
0x218: {  	v36 =	vbroadcast v35, $0xF;
	v37 =	vld [tilespmem:s28+$0x60]  }
0x219: {  	(xrf1) =	vsort.dscd.msk.f32 $0xffff, v60, v2  }
0x21a: {  	(erf) = vrcp.f32 v36;
	v38 =	vld [tilespmem:s28+$0x50];
	(xrf1) =	vsort.dscd.msk.f32 $0xffff, v62, v3  }
0x21b: {  	v39 =	vld [tilespmem:s28+$0x40];
	v40 =	vmul.f32 $1.442695020e+00, v11;
	v43, _, _ =	vpop (xrf0)  }
0x21c: {  	(xrf1) =	vsort.dscd.msk.f32 $0xffff, v34, v4;
	v27, v11, _ =	vpop (xrf1)  }
0x21d: {  	(erf) = vpow2.f32 v40;
	v21 =	vbroadcast v43, $0xF;
	(xrf1) =	vsort.dscd.msk.f32 $0xffff, v37, v3;
	v42, v41, _ =	vpop (xrf1)  }
0x21e: {  	v44 =	vperm.xlane v42, v5;
	v46, v45, _ =	vpop (xrf1)  }
0x21f: {  	(xrf1) =	vsort.dscd.msk.f32 $0xffff, v38, v2;
	v21 =	vsub.f32 v63, v21;
	v48 =	vperm.xlane v41, v5;
	v50, v49, _ =	vpop (xrf1)  }
0x220: {  	(xrf1) =	vsort.dscd.msk.f32 $0xffff, v39, v0;
	v47 =	vperm.xlane v46, v5;
	vm1 =	vge.f32 v50, v44  }
0x221: {  	v31 =	vperm.xlane v45, v5;
	v52, v51, _ =	vpop (xrf1);
	v23 =	vsel vm1, v50, v44;
	v29 =	vsel vm1, v49, v48  }
0x222: {  	vm1 =	vge.f32 v52, v47;
	(xrf1) =	vsort.dscd.msk.f32 $0xffff, v23, v29  }
0x223: {  	v53 =	vmul.f32 $1.442695020e+00, v21;
	v21 =	vpop (erf);
	v25 =	vsel vm1, v52, v47;
	v54 =	vsel vm1, v51, v31  }
0x224: {  	v57, v56, _ =	vpop (xrf1);
	(xrf1) =	vsort.dscd.msk.f32 $0xffff, v25, v54  }
0x225: {  	v59, v58, _ =	vpop (xrf1)  }
0x226: {  	(xrf0) =	vmax.scan.msk.f32 $0xffff, v27;
	v60 =	vpop (erf)  }
0x227: {  	(erf) = vpow2.f32 v53;
	v28 =	vperm.xlane v59, v5;
	v62, v61, _ =	vpop (xrf1)  }
0x228: {  	v29 =	vperm.xlane v58, v5;
	v63, v34, _ =	vpop (xrf1);
	v31 =	vperm.xlane v62, v5  }
0x229: {  	v32 =	vperm.xlane v61, v5;
	v30 =	vnsel vm0, $0x0, v60;
	vm1 =	vge.f32 v63, v28  }
0x22a: {  	(xrf2) =	vadd.scan.msk.f32 $0xffff, v30;
	v35, v36, _ =	vpop (xrf1);
	v28 =	vsel vm1, v63, v28;
	v29 =	vsel vm1, v34, v29;
	vm1 =	vge.f32 v57, v31  }
0x22b: {  	v26 =	vsel vm1, v56, v32;
	v40, v41, _ =	vpop (xrf1);
	(xrf1) =	vsort.dscd.msk.f32 $0xffff, v28, v29  }
0x22c: {  	v55, _, _ =	vpop (xrf0);
	v23 =	vsel vm1, v57, v31  }
0x22d: {  	v42 =	vperm.xlane v35, v5;
	v43, v44, _ =	vpop (xrf1);
	(xrf1) =	vsort.dscd.msk.f32 $0xffff, v23, v26  }
0x22e: {  	v25 =	vbroadcast v55, $0xF  }
0x22f: {  	v45 =	vperm.xlane v36, v5;
	vm1 =	vge.f32 v40, v42;
	v23, v26, _ =	vpop (xrf1)  }
0x230: {  	v25 =	vsub.f32 v27, v25;
	v29 =	vperm.xlane v43, v5;
	v28 =	vsel vm1, v40, v42;
	v47, v48, _ =	vpop (xrf1)  }
0x231: {  	v46 =	vpop (erf);
	v31 =	vsel vm1, v41, v45;
	v35 =	vperm.xlane v44, v5;
	v49 =	vperm.xlane v47, v5  }
0x232: {  	v32 =	vnsel vm0, $0x0, v46;
	(xrf1) =	vsort.dscd.msk.f32 $0xffff, v28, v31;
	vm1 =	vge.f32 v23, v29;
	v51, v50, _ =	vpop (xrf1);
	v52 =	vperm.xlane v48, v5  }
0x233: {  	(xrf2) =	vadd.scan.msk.f32 $0xffff, v32;
	v23 =	vsel vm1, v23, v29;
	v26 =	vsel vm1, v26, v35;
	vm1 =	vge.f32 v51, v49  }
0x234: {  	v25 =	vmul.f32 $1.442695020e+00, v25;
	(xrf1) =	vsort.dscd.msk.f32 $0xffff, v23, v26;
	v53 =	vsel vm1, v51, v49;
	v54 =	vsel vm1, v50, v52  }
0x235: {  	v55, _, _ =	vpop (xrf2);
	(xrf1) =	vsort.dscd.msk.f32 $0xffff, v53, v54  }
0x236: {  	(erf) = vpow2.f32 v25;
	v23 =	vbroadcast v55, $0xF;
	_ =	sdelay $0x1  }
0x237: {  	(erf) = vrcp.f32 v23  }
0x238: {  	v57, v56, _ =	vpop (xrf1)  }
0x239: {  	v23 =	vperm.xlane v57, v5  }
0x23a: {  	v27, v28, _ =	vpop (xrf1);
	v25 =	vperm.xlane v56, v5  }
0x23b: {  	vm1 =	vge.f32 v27, v23  }
0x23c: {  	v58, _, _ =	vpop (xrf2);
	v23 =	vsel vm1, v27, v23;
	v25 =	vsel vm1, v28, v25  }
0x23d: {  	v26 =	vbroadcast v58, $0xF;
	(xrf1) =	vsort.dscd.msk.f32 $0xffff, v23, v25  }
0x23e: {  	v59 =	vpop (erf)  }
0x23f: {  	(erf) = vrcp.f32 v26;
	v60, v61, _ =	vpop (xrf1);
	v23 =	vnsel vm0, $0x0, v59  }
0x240: {  	v37 =	vpop (erf);
	(xrf2) =	vadd.scan.msk.f32 $0xffff, v23  }
0x241: {  	v63, v62, _ =	vpop (xrf1)  }
0x242: {  	v30 =	vmul.f32 v37, v30;
	v36, v26, _ =	vpop (xrf1)  }
0x243: {  	[tilespmem:v14+s10+$0x0] =	vst.idx.add.f32.msk $0xff, v6;
	(xrf0) =	vmax.scan.msk.f32 $0xffff, v36  }
0x244: {  	v38 =	vperm.xlane v60, v5;
	[tilespmem:s1+$0xFFFFFFF8] =	vst.msk $0xff, v30  }
0x245: {  	[tilespmem:s8+$0xFFFFFFF8] =	vst.msk $0xff, v24  }
0x246: {  	vm1 =	vge.f32 v63, v38;
	v30 =	vld [tilespmem:s26+$0x0]  }
0x247: {  	[tilespmem:v16+s10+$0x0] =	vst.idx.add.f32.msk $0xff, v6;
	v39 =	vperm.xlane v61, v5;
	v14 =	vsel vm1, v63, v38  }
0x248: {  	v43 =	vld [tilespmem:s26+$0x30];
	v40 =	vpop (erf)  }
0x249: {  	v25 =	vsel vm1, v62, v39;
	v45 =	vld [tilespmem:s26+$0x10];
	v41, _, _ =	vpop (xrf0)  }
0x24a: {  	(xrf1) =	vsort.dscd.msk.f32 $0xffff, v14, v25;
	v46 =	vld [tilespmem:s26+$0x20];
	v42 =	vmul.f32 v40, v32;
	v44, _, _ =	vpop (xrf2);
	v16 =	vbroadcast v41, $0xF  }
0x24b: {  	(xrf1) =	vsort.dscd.msk.f32 $0xffff, v30, v0;
	v47, v14, _ =	vpop (xrf1)  }
0x24c: {  	[tilespmem:s22+$0x0] =	vst.msk $0xff, v42;
	v27 =	vbroadcast v44, $0xF;
	(xrf0) =	vmax.scan.msk.f32 $0xffff, v47;
	v16 =	vsub.f32 v36, v16  }
0x24d: {  	[tilespmem:s23+$0x0] =	vst.msk $0xff, v13;
	(xrf1) =	vsort.dscd.msk.f32 $0xffff, v43, v4  }
0x24e: {  	v48 =	vld [tilespmem:s25+$0x70];
	(xrf1) =	vsort.dscd.msk.f32 $0xffff, v45, v2;
	(erf) = vrcp.f32 v27;
	v16 =	vmul.f32 $1.442695020e+00, v16  }
0x24f: {  	v49 =	vld [tilespmem:s25+$0x60];
	(xrf1) =	vsort.dscd.msk.f32 $0xffff, v46, v3  }
0x250: {  	v50 =	vld [tilespmem:s25+$0x50];
	(erf) = vpow2.f32 v16;
	_ =	sdelay $0x1  }
0x251: {  	v52, _, _ =	vpop (xrf0)  }
0x252: {  	v51 =	vld [tilespmem:s25+$0x40];
	(xrf1) =	vsort.dscd.msk.f32 $0xffff, v48, v4;
	v16 =	vbroadcast v52, $0xF  }
0x253: {  	(xrf1) =	vsort.dscd.msk.f32 $0xffff, v49, v3  }
0x254: {  	(xrf1) =	vsort.dscd.msk.f32 $0xffff, v50, v2;
	_ =	sdelay $0x1  }
0x255: {  	v25 =	vpop (erf);
	v53 =	vsub.f32 v47, v16  }
0x256: {  	v54, v16, _ =	vpop (xrf1);
	(xrf1) =	vsort.dscd.msk.f32 $0xffff, v51, v0  }
0x257: {  	v27 =	vmul.f32 $1.442695020e+00, v53;
	v55 =	vpop (erf)  }
0x258: {  	(xrf0) =	vmax.scan.msk.f32 $0xffff, v54;
	v57, v56, _ =	vpop (xrf1);
	v29 =	vnsel vm0, $0x0, v55  }
0x259: {  	(erf) = vpow2.f32 v27;
	v59, v58, _ =	vpop (xrf1);
	(xrf2) =	vadd.scan.msk.f32 $0xffff, v29  }
0x25a: {  	v31 =	vperm.xlane v59, v5;
	v61, v60, _ =	vpop (xrf1)  }
0x25b: {  	v32 =	vperm.xlane v58, v5;
	v63, v62, _ =	vpop (xrf1)  }
0x25c: {  	vm1 =	vge.f32 v63, v31  }
0x25d: {  	v32 =	vsel vm1, v62, v32  }
0x25e: {  	v33 =	vperm.xlane v61, v5;
	v31 =	vsel vm1, v63, v31;
	v37, _, _ =	vpop (xrf0)  }
0x25f: {  	v38, v39, _ =	vpop (xrf1);
	v37 =	vbroadcast v37, $0xF  }
0x260: {  	v34 =	vperm.xlane v60, v5;
	vm1 =	vge.f32 v57, v33;
	v41 =	vperm.xlane v38, v5;
	v42, v43, _ =	vpop (xrf1)  }
0x261: {  	v44 =	vperm.xlane v39, v5;
	(xrf1) =	vsort.dscd.msk.f32 $0xffff, v31, v32;
	v28 =	vsub.f32 v54, v37;
	v31, v32, _ =	vpop (xrf1)  }
0x262: {  	v27 =	vsel vm1, v57, v33;
	v30 =	vsel vm1, v56, v34;
	vm1 =	vge.f32 v42, v41;
	v45 =	vpop (erf)  }
0x263: {  	v35 =	vsel vm1, v42, v41;
	v31 =	vperm.xlane v31, v5;
	v28 =	vmul.f32 $1.442695020e+00, v28;
	v46, _, _ =	vpop (xrf2)  }
0x264: {  	(xrf1) =	vsort.dscd.msk.f32 $0xffff, v27, v30;
	v47 =	vsel vm1, v43, v44;
	v48 =	vperm.xlane v32, v5;
	v50, v49, _ =	vpop (xrf1);
	v36 =	vbroadcast v46, $0xF  }
0x265: {  	(xrf1) =	vsort.dscd.msk.f32 $0xffff, v35, v47;
	v51 =	vnsel vm0, $0x0, v45;
	(erf) = vpow2.f32 v28;
	vm1 =	vge.f32 v50, v31  }
0x266: {  	(xrf2) =	vadd.scan.msk.f32 $0xffff, v51;
	v52 =	vsel vm1, v50, v31;
	v30 =	vsel vm1, v49, v48;
	(erf) = vrcp.f32 v36  }
0x267: {  	(xrf1) =	vsort.dscd.msk.f32 $0xffff, v52, v30;
	_ =	sdelay $0x6  }
0x268: {  	v53 =	vpop (erf)  }
0x269: {  	v54 =	vpop (erf)  }
0x26a: {  	v31, v32, _ =	vpop (xrf1);
	v29 =	vmul.f32 v54, v29  }
0x26b: {  	[tilespmem:v20+s10+$0x0] =	vst.idx.add.f32.msk $0xff, v6;
	v55, _, _ =	vpop (xrf2)  }
0x26c: {  	v57, v56, _ =	vpop (xrf1);
	v30 =	vbroadcast v55, $0xF;
	[tilespmem:s12+$0xFFFFFFF8] =	vst.msk $0xff, v29  }
0x26d: {  	v58 =	vperm.xlane v31, v5;
	v60 =	vperm.xlane v32, v5;
	v59, v35, _ =	vpop (xrf1);
	[tilespmem:s11+$0xFFFFFFF8] =	vst.msk $0xff, v26  }
0x26e: {  	v31 =	vperm.xlane v59, v5;
	(erf) = vrcp.f32 v30;
	v61 =	vld [tilespmem:s30+$0x0]  }
0x26f: {  	vm1 =	vge.f32 v57, v58;
	v62 =	vperm.xlane v35, v5;
	v40, v63, _ =	vpop (xrf1);
	v41 =	vld [tilespmem:s30+$0x30]  }
0x270: {  	v27 =	vsel vm1, v56, v60;
	v29 =	vsel vm1, v57, v58;
	v42 =	vld [tilespmem:s30+$0x10];
	vm1 =	vge.f32 v40, v31  }
0x271: {  	(xrf1) =	vsort.dscd.msk.f32 $0xffff, v29, v27;
	v45 =	vld [tilespmem:s30+$0x20];
	v43 =	vsel vm1, v40, v31;
	v44 =	vsel vm1, v63, v62  }
0x272: {  	(xrf1) =	vsort.dscd.msk.f32 $0xffff, v43, v44  }
0x273: {  	(xrf1) =	vsort.dscd.msk.f32 $0xffff, v61, v0  }
0x274: {  	(xrf1) =	vsort.dscd.msk.f32 $0xffff, v41, v4  }
0x275: {  	(xrf1) =	vsort.dscd.msk.f32 $0xffff, v42, v2  }
0x276: {  	(xrf1) =	vsort.dscd.msk.f32 $0xffff, v45, v3  }
0x277: {  	v46 =	vpop (erf)  }
0x278: {  	v27 =	vmul.f32 v46, v51  }
0x279: {  	[tilespmem:v22+s10+$0x0] =	vst.idx.add.f32.msk $0xff, v6  }
0x27a: {  	v20 =	vnsel vm0, $0x0, v53;
	[tilespmem:s31+$0x0] =	vst.msk $0xff, v27  }
0x27b: {  	(xrf2) =	vadd.scan.msk.f32 $0xffff, v20;
	[tilespmem:s0+$0x0] =	vst.msk $0xff, v14  }
0x27c: {  	v47 =	vld [tilespmem:s24+$0x70];
	_ =	sdelay $0x1  }
0x27d: {  	v49 =	vld [tilespmem:s24+$0x60]  }
0x27e: {  	v51 =	vld [tilespmem:s24+$0x50];
	v50, v27, _ =	vpop (xrf1)  }
0x27f: {  	v52 =	vld [tilespmem:s24+$0x40];
	(xrf0) =	vmax.scan.msk.f32 $0xffff, v50;
	v53, v22, _ =	vpop (xrf1)  }
0x280: {  	(xrf1) =	vsort.dscd.msk.f32 $0xffff, v47, v4;
	v54, v55, _ =	vpop (xrf1)  }
0x281: {  	v56, v37, _ =	vpop (xrf1)  }
0x282: {  	(xrf1) =	vsort.dscd.msk.f32 $0xffff, v49, v3;
	v28 =	vperm.xlane v56, v5;
	v58, v57, _ =	vpop (xrf1)  }
0x283: {  	(xrf1) =	vsort.dscd.msk.f32 $0xffff, v51, v2;
	v59 =	vperm.xlane v37, v5;
	v61, v60, _ =	vpop (xrf1)  }
0x284: {  	v48, _, _ =	vpop (xrf2);
	(xrf1) =	vsort.dscd.msk.f32 $0xffff, v52, v0;
	v62 =	vperm.xlane v58, v5;
	vm1 =	vge.f32 v61, v28  }
0x285: {  	v63, _, _ =	vpop (xrf0);
	v40 =	vperm.xlane v57, v5;
	v28 =	vsel vm1, v61, v28;
	v32 =	vsel vm1, v60, v59  }
0x286: {  	v29 =	vbroadcast v48, $0xF;
	v30 =	vbroadcast v63, $0xF;
	vm1 =	vge.f32 v54, v62;
	(xrf1) =	vsort.dscd.msk.f32 $0xffff, v28, v32  }
0x287: {  	v41 =	vsel vm1, v54, v62;
	v42 =	vsel vm1, v55, v40  }
0x288: {  	(erf) = vrcp.f32 v29;
	v30 =	vsub.f32 v50, v30;
	(xrf1) =	vsort.dscd.msk.f32 $0xffff, v41, v42  }
0x289: {  	(xrf0) =	vmax.scan.msk.f32 $0xffff, v53  }
0x28a: {  	v43 =	vmul.f32 $1.442695020e+00, v30;
	_ =	sdelay $0x1  }
0x28b: {  	(erf) = vpow2.f32 v43;
	_ =	sdelay $0x1  }
0x28c: {  	v45, v31, _ =	vpop (xrf1)  }
0x28d: {  	v44, _, _ =	vpop (xrf0);
	v30 =	vperm.xlane v45, v5  }
0x28e: {  	v31 =	vperm.xlane v31, v5;
	v46, v47, _ =	vpop (xrf1)  }
0x28f: {  	v28 =	vpop (erf);
	vm1 =	vge.f32 v46, v30  }
0x290: {  	v29 =	vbroadcast v44, $0xF;
	v48, v49, _ =	vpop (xrf1);
	v31 =	vsel vm1, v47, v31  }
0x291: {  	v30 =	vsel vm1, v46, v30;
	v51, v50, _ =	vpop (xrf1)  }
0x292: {  	v29 =	vsub.f32 v53, v29;
	v52 =	vperm.xlane v48, v5;
	v54, v53, _ =	vpop (xrf1)  }
0x293: {  	v56 =	vperm.xlane v49, v5;
	v55 =	vpop (erf);
	v32 =	vperm.xlane v54, v5  }
0x294: {  	(xrf1) =	vsort.dscd.msk.f32 $0xffff, v30, v31;
	vm1 =	vge.f32 v51, v52;
	v57 =	vnsel vm0, $0x0, v55;
	v30, v31, _ =	vpop (xrf1);
	v35 =	vperm.xlane v53, v5  }
0x295: {  	v34 =	vsel vm1, v51, v52;
	v33 =	vsel vm1, v50, v56;
	(xrf2) =	vadd.scan.msk.f32 $0xffff, v57;
	vm1 =	vge.f32 v30, v32  }
0x296: {  	(xrf1) =	vsort.dscd.msk.f32 $0xffff, v34, v33;
	v30 =	vsel vm1, v30, v32;
	v31 =	vsel vm1, v31, v35  }
0x297: {  	v29 =	vmul.f32 $1.442695020e+00, v29;
	(xrf1) =	vsort.dscd.msk.f32 $0xffff, v30, v31;
	_ =	sdelay $0x1  }
0x298: {  	(erf) = vpow2.f32 v29;
	_ =	sdelay $0x5  }
0x299: {  	v58, _, _ =	vpop (xrf2)  }
0x29a: {  	v29 =	vbroadcast v58, $0xF;
	_ =	sdelay $0x1  }
0x29b: {  	v59 =	vpop (erf)  }
0x29c: {  	v61, v60, _ =	vpop (xrf1)  }
0x29d: {  	v30 =	vnsel vm0, $0x0, v59;
	(erf) = vrcp.f32 v29;
	v33, v34, _ =	vpop (xrf1)  }
0x29e: {  	(xrf2) =	vadd.scan.msk.f32 $0xffff, v30;
	v62, v29, _ =	vpop (xrf1)  }
0x29f: {  	(xrf0) =	vmax.scan.msk.f32 $0xffff, v62;
	_ =	sdelay $0x1  }
0x2a0: {  	v31 =	vperm.xlane v61, v5  }
0x2a1: {  	v32 =	vperm.xlane v60, v5  }
0x2a2: {  	vm1 =	vge.f32 v33, v31  }
0x2a3: {  	v31 =	vsel vm1, v33, v31;
	v32 =	vsel vm1, v34, v32  }
0x2a4: {  	(xrf1) =	vsort.dscd.msk.f32 $0xffff, v31, v32;
	v39, _, _ =	vpop (xrf0)  }
0x2a5: {  	v63 =	vpop (erf);
	v41 =	vbroadcast v39, $0xF  }
0x2a6: {  	v40 =	vmul.f32 v63, v57  }
0x2a7: {  	[tilespmem:v24+s10+$0x0] =	vst.idx.add.f32.msk $0xff, v6;
	v42, _, _ =	vpop (xrf2);
	v44 =	vsub.f32 v62, v41  }
0x2a8: {  	v43 =	vbroadcast v42, $0xF;
	[tilespmem:s1+$0x0] =	vst.msk $0xff, v40  }
0x2a9: {  	[tilespmem:s8+$0x0] =	vst.msk $0xff, v27;
	v31 =	vmul.f32 $1.442695020e+00, v44  }
0x2aa: {  	(erf) = vrcp.f32 v43;
	v45 =	vld [tilespmem:s26+$0x70]  }
0x2ab: {  	v46 =	vld [tilespmem:s26+$0x60];
	(erf) = vpow2.f32 v31  }
0x2ac: {  	v47 =	vld [tilespmem:s26+$0x50];
	_ =	sdelay $0x1  }
0x2ad: {  	v48 =	vld [tilespmem:s26+$0x40]  }
0x2ae: {  	(xrf1) =	vsort.dscd.msk.f32 $0xffff, v45, v4  }
0x2af: {  	(xrf1) =	vsort.dscd.msk.f32 $0xffff, v46, v3  }
0x2b0: {  	(xrf1) =	vsort.dscd.msk.f32 $0xffff, v47, v2  }
0x2b1: {  	v49, v24, _ =	vpop (xrf1)  }
0x2b2: {  	(xrf1) =	vsort.dscd.msk.f32 $0xffff, v48, v0;
	v31 =	vpop (erf)  }
0x2b3: {  	(xrf0) =	vmax.scan.msk.f32 $0xffff, v49;
	v50 =	vpop (erf)  }
0x2b4: {  	v33 =	vnsel vm0, $0x0, v50  }
0x2b5: {  	(xrf2) =	vadd.scan.msk.f32 $0xffff, v33;
	_ =	sdelay $0x3  }
0x2b6: {  	v51, _, _ =	vpop (xrf0)  }
0x2b7: {  	v34 =	vbroadcast v51, $0xF;
	_ =	sdelay $0x1  }
0x2b8: {  	v32 =	vsub.f32 v49, v34;
	v53, v52, _ =	vpop (xrf1)  }
0x2b9: {  	v35 =	vperm.xlane v53, v5;
	v55, v54, _ =	vpop (xrf1)  }
0x2ba: {  	v32 =	vmul.f32 $1.442695020e+00, v32;
	v36 =	vperm.xlane v52, v5;
	v57, v56, _ =	vpop (xrf1)  }
0x2bb: {  	vm1 =	vge.f32 v55, v35;
	v38 =	vperm.xlane v57, v5;
	v59 =	vperm.xlane v56, v5;
	v58, _, _ =	vpop (xrf2)  }
0x2bc: {  	v60, v40, _ =	vpop (xrf1);
	v34 =	vsel vm1, v55, v35;
	v36 =	vsel vm1, v54, v36;
	v35 =	vbroadcast v58, $0xF  }
0x2bd: {  	(erf) = vpow2.f32 v32;
	(xrf1) =	vsort.dscd.msk.f32 $0xffff, v34, v36;
	vm1 =	vge.f32 v60, v38  }
0x2be: {  	v61 =	vsel vm1, v60, v38;
	v62 =	vsel vm1, v40, v59;
	(erf) = vrcp.f32 v35  }
0x2bf: {  	(xrf1) =	vsort.dscd.msk.f32 $0xffff, v61, v62;
	_ =	sdelay $0x6  }
0x2c0: {  	v63 =	vpop (erf)  }
0x2c1: {  	v37 =	vpop (erf)  }
0x2c2: {  	v33 =	vmul.f32 v37, v33  }
0x2c3: {  	[tilespmem:v26+s10+$0x0] =	vst.idx.add.f32.msk $0xff, v6  }
0x2c4: {  	[tilespmem:s12+$0x0] =	vst.msk $0xff, v33  }
0x2c5: {  	v38, v39, _ =	vpop (xrf1);
	[tilespmem:s11+$0x0] =	vst.msk $0xff, v29  }
0x2c6: {  	v26 =	vperm.xlane v38, v5;
	v40 =	vld [tilespmem:s30+$0x70]  }
0x2c7: {  	v42, v41, _ =	vpop (xrf1);
	v33 =	vperm.xlane v39, v5;
	v43 =	vld [tilespmem:s30+$0x60]  }
0x2c8: {  	vm1 =	vge.f32 v42, v26;
	v44 =	vld [tilespmem:s30+$0x50]  }
0x2c9: {  	v26 =	vsel vm1, v42, v26;
	v33 =	vsel vm1, v41, v33  }
0x2ca: {  	v45 =	vld [tilespmem:s30+$0x40];
	(xrf1) =	vsort.dscd.msk.f32 $0xffff, v26, v33  }
0x2cb: {  	(xrf1) =	vsort.dscd.msk.f32 $0xffff, v40, v4  }
0x2cc: {  	(xrf1) =	vsort.dscd.msk.f32 $0xffff, v43, v3  }
0x2cd: {  	(xrf1) =	vsort.dscd.msk.f32 $0xffff, v44, v2;
	_ =	sdelay $0x1  }
0x2ce: {  	(xrf1) =	vsort.dscd.msk.f32 $0xffff, v45, v0;
	_ =	sdelay $0x8  }
0x2cf: {  	v26, v33, _ =	vpop (xrf1)  }
0x2d0: {  	v34, v46, _ =	vpop (xrf1)  }
0x2d1: {  	v34 =	vperm.xlane v34, v5;
	v47, v37, _ =	vpop (xrf1)  }
0x2d2: {  	v35 =	vperm.xlane v46, v5;
	v38, v48, _ =	vpop (xrf1)  }
0x2d3: {  	vm1 =	vge.f32 v47, v34;
	v38 =	vperm.xlane v38, v5  }
0x2d4: {  	v49 =	vperm.xlane v48, v5;
	v50, v51, _ =	vpop (xrf1);
	v34 =	vsel vm1, v47, v34;
	v35 =	vsel vm1, v37, v35  }
0x2d5: {  	(xrf1) =	vsort.dscd.msk.f32 $0xffff, v34, v35;
	vm1 =	vge.f32 v50, v38  }
0x2d6: {  	v52 =	vsel vm1, v50, v38;
	v53 =	vsel vm1, v51, v49  }
0x2d7: {  	(xrf1) =	vsort.dscd.msk.f32 $0xffff, v52, v53;
	_ =	sdelay $0x4  }
0x2d8: {  	v32 =	vnsel vm0, $0x0, v63  }
0x2d9: {  	(xrf2) =	vadd.scan.msk.f32 $0xffff, v32  }
0x2da: {  	(xrf0) =	vmax.scan.msk.f32 $0xffff, v26;
	_ =	sdelay $0x4  }
0x2db: {  	v34, v35, _ =	vpop (xrf1)  }
0x2dc: {  	v54, _, _ =	vpop (xrf0);
	v34 =	vperm.xlane v34, v5  }
0x2dd: {  	v36 =	vbroadcast v54, $0xF;
	v35 =	vperm.xlane v35, v5;
	v37, v38, _ =	vpop (xrf1)  }
0x2de: {  	vm1 =	vge.f32 v37, v34  }
0x2df: {  	v55, _, _ =	vpop (xrf2);
	v26 =	vsub.f32 v26, v36;
	v34 =	vsel vm1, v37, v34;
	v35 =	vsel vm1, v38, v35  }
0x2e0: {  	v56 =	vbroadcast v55, $0xF;
	(xrf1) =	vsort.dscd.msk.f32 $0xffff, v34, v35  }
0x2e1: {  	v26 =	vmul.f32 $1.442695020e+00, v26  }
0x2e2: {  	(erf) = vrcp.f32 v56  }
0x2e3: {  	(erf) = vpow2.f32 v26;
	_ =	sdelay $0x7  }
0x2e4: {  	v57 =	vpop (erf)  }
0x2e5: {  	v58 =	vpop (erf)  }
0x2e6: {  	v34 =	vnsel vm0, $0x0, v58  }
0x2e7: {  	(xrf2) =	vadd.scan.msk.f32 $0xffff, v34;
	v35, v59, _ =	vpop (xrf1)  }
0x2e8: {  	(xrf0) =	vmax.scan.msk.f32 $0xffff, v35;
	_ =	sdelay $0x5  }
0x2e9: {  	v60, _, _ =	vpop (xrf0)  }
0x2ea: {  	v37 =	vbroadcast v60, $0xF;
	_ =	sdelay $0x1  }
0x2eb: {  	v61, _, _ =	vpop (xrf2);
	v35 =	vsub.f32 v35, v37  }
0x2ec: {  	v37 =	vbroadcast v61, $0xF  }
0x2ed: {  	v35 =	vmul.f32 $1.442695020e+00, v35  }
0x2ee: {  	(erf) = vrcp.f32 v37  }
0x2ef: {  	(erf) = vpow2.f32 v35;
	_ =	sdelay $0x6  }
0x2f0: {  	[tilespmem:v7+s10+$0x0] =	vst.idx.add.f32.msk $0xff, v6  }
0x2f1: {  	[tilespmem:v8+s10+$0x0] =	vst.idx.add.f32.msk $0xff, v6;
	v17 =	vmul.f32 v18, v17;
	v62 =	vpop (erf)  }
0x2f2: {  	[tilespmem:v10+s10+$0x0] =	vst.idx.add.f32.msk $0xff, v6;
	v63 =	vpop (erf)  }
0x2f3: {  	[tilespmem:s14+$0x8] =	vst.msk $0xff, v17;
	v37 =	vnsel vm0, $0x0, v63  }
0x2f4: {  	[tilespmem:s15+$0x8] =	vst.msk $0xff, v9;
	(xrf2) =	vadd.scan.msk.f32 $0xffff, v37  }
0x2f5: {  	[tilespmem:v9+s10+$0x0] =	vst.idx.add.f32.msk $0xff, v6;
	v7 =	vmul.f32 v21, v19  }
0x2f6: {  	[tilespmem:v15+s10+$0x0] =	vst.idx.add.f32.msk $0xff, v6  }
0x2f7: {  	[tilespmem:s16+$0x8] =	vst.msk $0xff, v7  }
0x2f8: {  	[tilespmem:s17+$0x8] =	vst.msk $0xff, v12  }
0x2f9: {  	[tilespmem:v12+s10+$0x0] =	vst.idx.add.f32.msk $0xff, v6;
	v7 =	vmul.f32 v25, v23  }
0x2fa: {  	[tilespmem:v13+s10+$0x0] =	vst.idx.add.f32.msk $0xff, v6  }
0x2fb: {  	[tilespmem:s18+$0x8] =	vst.msk $0xff, v7  }
0x2fc: {  	[tilespmem:s19+$0x8] =	vst.msk $0xff, v11  }
0x2fd: {  	[tilespmem:v11+s10+$0x0] =	vst.idx.add.f32.msk $0xff, v6;
	v8 =	vmul.f32 v28, v20  }
0x2fe: {  	[tilespmem:v14+s10+$0x0] =	vst.idx.add.f32.msk $0xff, v6;
	v7, _, _ =	vpop (xrf2)  }
0x2ff: {  	[tilespmem:s20+$0x8] =	vst.msk $0xff, v8;
	v7 =	vbroadcast v7, $0xF  }
0x300: {  	[tilespmem:s21+$0x8] =	vst.msk $0xff, v16  }
0x301: {  	[tilespmem:v16+s10+$0x0] =	vst.idx.add.f32.msk $0xff, v6;
	(erf) = vrcp.f32 v7  }
0x302: {  	[tilespmem:v27+s10+$0x0] =	vst.idx.add.f32.msk $0xff, v6;
	v7 =	vmul.f32 v31, v30  }
0x303: {  	[tilespmem:v29+s10+$0x0] =	vst.idx.add.f32.msk $0xff, v6  }
0x304: {  	[tilespmem:s22+$0x8] =	vst.msk $0xff, v7;
	v7 =	vmul.f32 v57, v32  }
0x305: {  	[tilespmem:s23+$0x8] =	vst.msk $0xff, v22  }
0x306: {  	[tilespmem:s31+$0x8] =	vst.msk $0xff, v7;
	v7 =	vmul.f32 v62, v34  }
0x307: {  	[tilespmem:v22+s10+$0x0] =	vst.idx.add.f32.msk $0xff, v6  }
0x308: {  	[tilespmem:s0+$0x8] =	vst.msk $0xff, v24  }
0x309: {  	[tilespmem:s1+$0x8] =	vst.msk $0xff, v7  }
0x30a: {  	[tilespmem:v24+s10+$0x0] =	vst.idx.add.f32.msk $0xff, v6;
	v7 =	vpop (erf)  }
0x30b: {  	[tilespmem:s8+$0x8] =	vst.msk $0xff, v33;
	v7 =	vmul.f32 v7, v37  }
0x30c: {  	[tilespmem:v33+s10+$0x0] =	vst.idx.add.f32.msk $0xff, v6  }
0x30d: {  	[tilespmem:s12+$0x8] =	vst.msk $0xff, v7  }
0x30e: {  	[tilespmem:s11+$0x8] =	vst.msk $0xff, v59  }
0x30f: {  	s30 =	simm.s32 $0x4000;
	[tilespmem:v59+s10+$0x0] =	vst.idx.add.f32.msk $0xff, v6  }
0x310: {  	[hbm4b:s4+s2] =	stream.linear.scatter [tilespmem:s30], [sflag:$0x1], $0x800, $0x38;
	[tilespmem:$0x50A0] =	vst v63  }
0x311: {  	_ =	swait.ge [sflag:s9], $0x800  }
0x312: {  	[sflag:s9] =	ssyncset.done $0x0  }
0x313: {  	s31 =	simm.s32 $0x4810;
	[sflag:s9] =	ssyncadd.s32 $0xFFFFF800  }
0x314: {  	[hbm4b:s5+s2] =	stream.linear.scatter [tilespmem:s31], [sflag:$0x1], $0x800, $0x38;
	[tilespmem:$0x50A0] =	vst v63  }
0x315: {  	s13 =	sadd.s32 $0x1, s13;
	_ =	swait.ge [sflag:s9], $0x800  }
0x316: {  	p0 =	sne.s32 s13, s7;
	[sflag:s9] =	ssyncset.done $0x0  }
.Ltmp1:
0x317: {  	[sflag:s9] =	ssyncadd.s32 $0xFFFFF800;
	(pc) =	sbr.rel @p0 .LBB2_1-.Ltmp1, $4  }
0x318: {  	[hbm4b:s6+s2] =	stream.linear.scatter [tilespmem:s10], [sflag:$0x1], $0x80, $0x38;
	[tilespmem:$0x50A0] =	vst v63  }
0x319: {  	_ =	swait.ge [sflag:s9], $0x80  }
0x31a: {  	[sflag:s9] =	ssyncset.done $0x0  }
0x31b: {  	[sflag:s9] =	ssyncadd.s32 $0xFFFFFF80  }
0x31c: {  	_ =	sfence.sel $0x180000  }
0x31d: {  	[bflag:$0x0] =	sbarrier.arrive $0xFFFF  }
0x31e: {  	_ =	strace $0x9000004A  }
0x31f: {  	s0 =	stileid.u32;
	[bflag:$0x2] =	sbarrier.arrive $0xFFFF  }
0x320: {  	p0 =	sne.s32 s0, $0x0;
	s0 =	rddreg [dreg:$0x3]  }
0x321: {  	s0 =	sadd.s32 @!p0 $0x100000, s0  }
0x322: {  	[sflag:s0] =	ssyncadd.tile.s32 @!p0 $0x1;
	_ =	shalt  }
.Lfunc_end2:
_tile_overlayer_lowered:
.L_overlay_start_2:
0x323: {  	(tag) =	ssettag $0x2  }
0x324: {  	s0 =	rddreg [dreg:$0x0];
	s2 =	stileid.u32  }
0x325: {  	s1 =	rddreg [dreg:$0x1];
	p0 =	sne.s32 s2, $0x0  }
0x326: {  	s3 =	rddreg [dreg:$0x2];
	[bflag:$0x3] =	sbarrier.arrive $0xFFFF;
	s2 =	simm.s32 @!p0 $0x1C01  }
0x327: {  	[timem:s3], [sflag:s2] =	dma.local @!p0 [hbm:s0], s1  }
0x328: {  	s0 =	simm.s32 @!p0 $0x1  }
0x329: {  	_ =	swait.ge @!p0 [sflag:s0], s1  }
0x32a: {  	s1 =	ssub.s32 @!p0 $0x0, s1;
	[sflag:s0] =	ssyncset.done @!p0 $0x0  }
0x32b: {  	[sflag:s0] =	ssyncadd.s32 @!p0 s1  }
0x32c: {  	[bflag:$0x3] =	sbarrier.arrive $0xFFFF  }
0x32d: {  	_ =	shalt  }

</sc_bundles>
